<compile_context>
chip_gen: v7x
topology: tpu7x:2x2x1
jax: 0.10.2.dev20260603
libtpu: 0.0.44.dev20260713+nightly
codegen_flags: <defaults>
</compile_context>

<pallas_src>
import jax
import jax.numpy as jnp
import numpy as np
from jax import lax
from jax.experimental import pallas as pl
from jax.experimental.pallas import tpu as pltpu
from jax.experimental.pallas import tpu_sc as plsc

BT, NV, NB, NF = 16, 6890, 5000, 13776
NSAMP, NSAMP_PAD = 1000, 1024
NPIX = BT * 256 * 256
NFACET = BT * NF
NC, NS = 2, 16
NW = NC * NS
FPT = 6912
NFACE_PAD = NW * FPT
FROWS = FPT // 128
PROWS = NPIX // 128
PIXROWS_T = PROWS // NW
PC = 256
NVTOT = BT * NV
NV_PAD = NS * FPT
TRASH = NV_PAD
NVT = 6912
NV_TC = 1 * NVT
BIGSQ = 1.0e36

with jax.default_device(jax.devices("cpu")[0]):
    _PERM = np.asarray(
        jax.random.permutation(jax.random.key(42), NB)[:NSAMP])


def _vis_body(pix_hbm, fg0_hbm, fg1_hbm, fg2_hbm, out_hbm,
              pix_v, fg_v, fv_v, idx_v, ones_v, zeros_v, sem, fv_sh, vis_sh):
    c = lax.axis_index("c")
    s = lax.axis_index("s")
    w = c * NS + s

    zf = jnp.zeros((16,), jnp.float32)
    of = jnp.ones((16,), jnp.float32)

    def _fill_zeros(i, carry):
        zeros_v[pl.ds(i * 16, 16)] = zf
        return carry

    lax.fori_loop(0, FPT // 16, _fill_zeros, 0)
    for q in range(8):
        ones_v[pl.ds(q * 16, 16)] = of

    for h in range(2):
        pltpu.sync_copy(zeros_v, fv_sh.at[pl.ds((s * 2 + h) * FPT, FPT)])
    pltpu.sync_copy(zeros_v, vis_sh.at[pl.ds(s * FPT, FPT)])
    plsc.subcore_barrier()

    for h in range(2):
        pltpu.sync_copy(pix_hbm.at[pl.ds((s * 2 + h) * PC, PC), :], pix_v)

        def _scat_face(o, carry):
            descs = [pltpu.async_copy(ones_v, fv_sh.at[pix_v.at[o * 8 + q]],
                                      sem, add=True) for q in range(8)]
            for d in descs:
                d.wait()
            return carry

        lax.fori_loop(0, PC // 8, _scat_face, 0)
    plsc.subcore_barrier()

    lo = w * FPT
    pltpu.sync_copy(fv_sh.at[pl.ds(lo, FPT)], fv_v)
    tv = jnp.full((16,), TRASH, jnp.int32)
    for fgk_hbm in (fg0_hbm, fg1_hbm, fg2_hbm):
        pltpu.sync_copy(fgk_hbm.at[pl.ds(lo, FPT)], fg_v)

        def _build(r, carry):
            for q in range(8):
                fv16 = fv_v[pl.ds(r * 128 + q * 16, 16)]
                g16 = fg_v[pl.ds(r * 128 + q * 16, 16)]
                idx_v[r, pl.ds(q * 16, 16)] = jnp.where(fv16 > 0.0, g16, tv)
            return carry

        lax.fori_loop(0, FROWS, _build, 0)

        def _scat_vert(o, carry):
            descs = [pltpu.async_copy(ones_v, vis_sh.at[idx_v.at[o * 9 + q]],
                                      sem, add=True) for q in range(9)]
            for d in descs:
                d.wait()
            return carry

        lax.fori_loop(0, FROWS // 9, _scat_vert, 0)
    plsc.subcore_barrier()

    pltpu.sync_copy(vis_sh.at[pl.ds(s * FPT, FPT)],
                    out_hbm.at[pl.ds(c * NV_PAD + s * FPT, FPT)])


_vis_call = pl.kernel(
    _vis_body,
    out_type=jax.ShapeDtypeStruct((NC * NV_PAD,), jnp.float32),
    mesh=plsc.VectorSubcoreMesh(core_axis_name="c", subcore_axis_name="s"),
    scratch_types=[
        pltpu.VMEM((PC, 128), jnp.int32),
        pltpu.VMEM((FPT,), jnp.int32),
        pltpu.VMEM((FPT,), jnp.float32),
        pltpu.VMEM((FROWS, 128), jnp.int32),
        pltpu.VMEM((128,), jnp.float32),
        pltpu.VMEM((FPT,), jnp.float32),
        pltpu.SemaphoreType.DMA,
        pltpu.VMEM_SHARED((NFACE_PAD,), jnp.float32),
        pltpu.VMEM_SHARED((NV_PAD + 128,), jnp.float32),
    ],
)


def _tc_body(bv_ref, bm_ref, q_ref, vt_ref, bpen_ref, out_ref, acc_ref):
    j = pl.program_id(1)
    bv = bv_ref[0]
    ab2 = jnp.dot(bv, vt_ref[0], preferred_element_type=jnp.float32)
    e = ab2 + bpen_ref[0]
    rowmin = jnp.min(e, axis=1, keepdims=True)

    @pl.when(j == 0)
    def _():
        acc_ref[...] = rowmin

    @pl.when(j > 0)
    def _():
        acc_ref[...] = jnp.minimum(acc_ref[...], rowmin)

    @pl.when(j == NV_TC // NVT - 1)
    def _():
        a2 = jnp.sum(bv * bv, axis=1)
        q = q_ref[0, 0, 0]
        mind = jnp.maximum(jnp.minimum(acc_ref[...][:, 0] + a2, q), 0.0)
        out_ref[0, 0, 0] = jnp.sum(mind * bm_ref[0, 0])


_tc_call = pl.pallas_call(
    _tc_body,
    grid=(BT, NV_TC // NVT),
    in_specs=[
        pl.BlockSpec((1, NSAMP_PAD, 4), lambda b, j: (b, 0, 0)),
        pl.BlockSpec((1, 1, NSAMP_PAD), lambda b, j: (b, 0, 0)),
        pl.BlockSpec((1, 1, 1), lambda b, j: (b, 0, 0),
                     memory_space=pltpu.SMEM),
        pl.BlockSpec((1, 4, NVT), lambda b, j: (b, 0, j)),
        pl.BlockSpec((1, 1, NVT), lambda b, j: (b, 0, j)),
    ],
    out_specs=pl.BlockSpec((1, 1, 1), lambda b, j: (b, 0, 0),
                           memory_space=pltpu.SMEM),
    out_shape=jax.ShapeDtypeStruct((BT, 1, 1), jnp.float32),
    scratch_shapes=[pltpu.VMEM((NSAMP_PAD, 1), jnp.float32)],
)


def kernel(verts, bds, faces, pix_to_face):
    bsel = bds[:, _PERM, :]
    bv = jnp.pad(bsel[..., :3],
                 ((0, 0), (0, NSAMP_PAD - NSAMP), (0, 1)))
    bm = jnp.pad(bsel[..., 3], ((0, 0), (0, NSAMP_PAD - NSAMP)))
    bm = bm.reshape(BT, 1, NSAMP_PAD)
    fg = faces + (jnp.arange(BT, dtype=jnp.int32) * NV_TC)[:, None, None]
    fg = fg.reshape(-1, 3).T
    fg = jnp.pad(fg, ((0, 0), (0, NFACE_PAD - NFACET)))
    pix2d = pix_to_face.reshape(PROWS, 128)
    vis2 = _vis_call(pix2d, fg[0], fg[1], fg[2]).reshape(NC, NV_PAD)
    visb = (vis2[0] + vis2[1]).reshape(BT, NV_TC) > 0.0
    q = jnp.where(jnp.all(visb[:, :NV], axis=1), 3.0e38, 1000.0)
    q = q.reshape(BT, 1, 1)
    vsq = jnp.pad(jnp.sum(verts * verts, axis=-1),
                  ((0, 0), (0, NV_TC - NV)))
    bpen = jnp.where(visb, vsq, 1.0e30)
    bpen = bpen.reshape(BT, 1, NV_TC)
    vt = jnp.pad(-2.0 * verts.transpose(0, 2, 1),
                 ((0, 0), (0, 1), (0, NV_TC - NV)))
    loss16 = _tc_call(bv, bm, q, vt, bpen)
    return jnp.mean(loss16)

# --- scband reference (transcript-rebuilt; emitter-appended) ---
"""Pipeline reference for scband-boundaries-loss-73074573574230 (READ-ONLY COPY).

The authoritative reference and input builder live on the scoring server;
editing this copy changes nothing except your own understanding.
"""

import jax, jax.numpy as jnp
import numpy as np

BT, NV, NB, NF, H, W = 16, 6890, 5000, 13776, 256, 256
N_SAMPLES, K = 1000, 1


def setup_inputs(seed: int = 0) -> dict:
    key = jax.random.key(seed)
    k1, k2, k3, k4 = jax.random.split(key, 4)
    verts = jax.random.normal(k1, (BT, NV, 3), dtype=jnp.float32)
    bds = jax.random.uniform(k2, (BT, NB, 4), dtype=jnp.float32)
    faces = jax.random.randint(k3, (BT, NF, 3), 0, NV).astype(jnp.int32)
    pix_to_face = jax.random.randint(k4, (BT, H, W, 1), 0, BT * NF).astype(jnp.int32)
    return {"verts": verts, "bds": bds, "faces": faces, "pix_to_face": pix_to_face}


def _visible_vertices(faces, pix_to_face, bt, nv):
    fi_maps = pix_to_face[..., 0].reshape(bt, -1)
    faces_ = faces + jnp.arange(bt, dtype=faces.dtype)[:, None, None] * nv
    faces_ = faces_.reshape(-1, 3)
    fmu = fi_maps.reshape(-1)
    valid = fmu >= 0
    safe_fi = jnp.where(valid, fmu, 0)
    sel_faces = faces_[safe_fi]
    sel_faces = jnp.where(valid[:, None], sel_faces, bt * nv).reshape(-1)
    vis = jnp.zeros(bt * nv, dtype=jnp.float32).at[sel_faces].set(1.0, mode="drop")
    return vis.reshape(bt, nv)


def reference(verts, bds, faces, pix_to_face):
    bt, nv, _ = verts.shape
    # torch.randperm(bds.shape[1])[:n_samples] -> deterministic jax permutation
    perm = jax.random.permutation(jax.random.key(42), bds.shape[1])[:N_SAMPLES]
    bds_v = bds[:, perm, :-1]
    bds_m = bds[:, perm, -1]
    visible = _visible_vertices(faces, pix_to_face, bt, nv)
    # squared euclidean cdist: ||a||^2 + ||b||^2 - 2 a.b
    a2 = jnp.sum(bds_v * bds_v, axis=-1)[:, :, None]
    b2 = jnp.sum(verts * verts, axis=-1)[:, None, :]
    ab = jnp.einsum("bnd,bmd->bnm", bds_v, verts)
    dist = jnp.maximum(a2 + b2 - 2.0 * ab, 0.0)
    dist = (1.0 - visible[:, None]) * 1000.0 + visible[:, None] * dist
    min_dists = -jax.lax.top_k(-dist, K)[0]  # smallest-k
    bds_m3 = bds_m[:, :, None]
    loss = (min_dists * bds_m3).mean(-1).sum(-1)
    return loss.mean()

if __name__ == "__main__":
    import jax
    _d = setup_inputs()
    print(jax.jit(kernel)(*tuple(_d.values())))

</pallas_src>

<mosaic_0001>
#map = affine_map<(d0, d1) -> (0, 0)>
#map1 = affine_map<(d0, d1) -> (0)>
module attributes {stable_mosaic.version = 14 : i64} {
  func.func @_vis_body(%arg0: i32, %arg1: i32, %arg2: memref<8192x128xi32, #tpu.memory_space<hbm>>, %arg3: memref<221184xi32, #tpu.memory_space<hbm>>, %arg4: memref<221184xi32, #tpu.memory_space<hbm>>, %arg5: memref<221184xi32, #tpu.memory_space<hbm>>, %arg6: memref<221184xf32, #tpu.memory_space<hbm>>, %arg7: memref<256x128xi32, #tpu.memory_space<vmem>>, %arg8: memref<6912xi32, #tpu.memory_space<vmem>>, %arg9: memref<6912xf32, #tpu.memory_space<vmem>>, %arg10: memref<54x128xi32, #tpu.memory_space<vmem>>, %arg11: memref<128xf32, #tpu.memory_space<vmem>>, %arg12: memref<6912xf32, #tpu.memory_space<vmem>>, %arg13: memref<!tpu.dma_semaphore, #tpu.memory_space<semaphore_mem>>, %arg14: memref<221184xf32, #tpu.memory_space<vmem_shared>>, %arg15: memref<110720xf32, #tpu.memory_space<vmem_shared>>) attributes {dimension_semantics = [#tpu.dimension_semantics<core_parallel>, #tpu.dimension_semantics<subcore_parallel>], iteration_bounds = array<i64: 2, 16>, scalar_prefetch = 0 : i64, scratch_operands = 9 : i64, tpu.core_type = #tpu.core_type<sc_vector_subcore>, window_params = [{transform_indices = #map}, {transform_indices = #map1}, {transform_indices = #map1}, {transform_indices = #map1}, {transform_indices = #map1}]} {
    %mul3A = arith.constant 16 : i32
    %mul3A_0 = arith.muli %arg0, %mul3A : i32
    %add3A = arith.addi %mul3A_0, %arg1 : i32
    %broadcast_in_dim3A = arith.constant 0.000000e+00 : f32
    %broadcast_in_dim3A_1 = vector.broadcast %broadcast_in_dim3A : f32 to vector<16xf32>
    %broadcast_in_dim3A_2 = arith.constant 1.000000e+00 : f32
    %broadcast_in_dim3A_3 = vector.broadcast %broadcast_in_dim3A_2 : f32 to vector<16xf32>
    %scan3A = arith.constant 0 : i32
    %scan3A_4 = arith.constant 0 : i32
    %scan3A_5 = arith.constant 432 : i32
    %scan3A_6 = arith.addi %scan3A_4, %scan3A_5 : i32
    %scan3A_7 = arith.constant 1 : i32
    scf.for %scan3A_127 = %scan3A_4 to %scan3A_6 step %scan3A_7  : i32 {
      %mul3A_128 = arith.constant 16 : i32
      %mul3A_129 = arith.muli %scan3A_127, %mul3A_128 : i32
      %swap3A_130 = arith.index_cast %mul3A_129 : i32 to index
      %swap3A_131 = tpu.vector_load %arg12[%swap3A_130] {strides = array<i32>} : memref<6912xf32, #tpu.memory_space<vmem>>, vector<16xf32>,
      %swap3A_132 = vector.shape_cast %swap3A_131 : vector<16xf32> to vector<16xf32>
      %swap3A_133 = vector.shape_cast %broadcast_in_dim3A_1 : vector<16xf32> to vector<16xf32>
      tpu.vector_store %arg12[%swap3A_130], %swap3A_133 {strides = array<i32>} : memref<6912xf32, #tpu.memory_space<vmem>>, vector<16xf32>,
    }
    %scan3A_8 = arith.constant 432 : i32
    %swap3A = arith.constant 0 : index
    %swap3A_9 = tpu.vector_load %arg11[%swap3A] {strides = array<i32>} : memref<128xf32, #tpu.memory_space<vmem>>, vector<16xf32>,
    %swap3A_10 = vector.shape_cast %swap3A_9 : vector<16xf32> to vector<16xf32>
    %swap3A_11 = vector.shape_cast %broadcast_in_dim3A_3 : vector<16xf32> to vector<16xf32>
    tpu.vector_store %arg11[%swap3A], %swap3A_11 {strides = array<i32>} : memref<128xf32, #tpu.memory_space<vmem>>, vector<16xf32>,
    %swap3A_12 = arith.constant 16 : index
    %swap3A_13 = tpu.vector_load %arg11[%swap3A_12] {strides = array<i32>} : memref<128xf32, #tpu.memory_space<vmem>>, vector<16xf32>,
    %swap3A_14 = vector.shape_cast %swap3A_13 : vector<16xf32> to vector<16xf32>
    %swap3A_15 = vector.shape_cast %broadcast_in_dim3A_3 : vector<16xf32> to vector<16xf32>
    tpu.vector_store %arg11[%swap3A_12], %swap3A_15 {strides = array<i32>} : memref<128xf32, #tpu.memory_space<vmem>>, vector<16xf32>,
    %swap3A_16 = arith.constant 32 : index
    %swap3A_17 = tpu.vector_load %arg11[%swap3A_16] {strides = array<i32>} : memref<128xf32, #tpu.memory_space<vmem>>, vector<16xf32>,
    %swap3A_18 = vector.shape_cast %swap3A_17 : vector<16xf32> to vector<16xf32>
    %swap3A_19 = vector.shape_cast %broadcast_in_dim3A_3 : vector<16xf32> to vector<16xf32>
    tpu.vector_store %arg11[%swap3A_16], %swap3A_19 {strides = array<i32>} : memref<128xf32, #tpu.memory_space<vmem>>, vector<16xf32>,
    %swap3A_20 = arith.constant 48 : index
    %swap3A_21 = tpu.vector_load %arg11[%swap3A_20] {strides = array<i32>} : memref<128xf32, #tpu.memory_space<vmem>>, vector<16xf32>,
    %swap3A_22 = vector.shape_cast %swap3A_21 : vector<16xf32> to vector<16xf32>
    %swap3A_23 = vector.shape_cast %broadcast_in_dim3A_3 : vector<16xf32> to vector<16xf32>
    tpu.vector_store %arg11[%swap3A_20], %swap3A_23 {strides = array<i32>} : memref<128xf32, #tpu.memory_space<vmem>>, vector<16xf32>,
    %swap3A_24 = arith.constant 64 : index
    %swap3A_25 = tpu.vector_load %arg11[%swap3A_24] {strides = array<i32>} : memref<128xf32, #tpu.memory_space<vmem>>, vector<16xf32>,
    %swap3A_26 = vector.shape_cast %swap3A_25 : vector<16xf32> to vector<16xf32>
    %swap3A_27 = vector.shape_cast %broadcast_in_dim3A_3 : vector<16xf32> to vector<16xf32>
    tpu.vector_store %arg11[%swap3A_24], %swap3A_27 {strides = array<i32>} : memref<128xf32, #tpu.memory_space<vmem>>, vector<16xf32>,
    %swap3A_28 = arith.constant 80 : index
    %swap3A_29 = tpu.vector_load %arg11[%swap3A_28] {strides = array<i32>} : memref<128xf32, #tpu.memory_space<vmem>>, vector<16xf32>,
    %swap3A_30 = vector.shape_cast %swap3A_29 : vector<16xf32> to vector<16xf32>
    %swap3A_31 = vector.shape_cast %broadcast_in_dim3A_3 : vector<16xf32> to vector<16xf32>
    tpu.vector_store %arg11[%swap3A_28], %swap3A_31 {strides = array<i32>} : memref<128xf32, #tpu.memory_space<vmem>>, vector<16xf32>,
    %swap3A_32 = arith.constant 96 : index
    %swap3A_33 = tpu.vector_load %arg11[%swap3A_32] {strides = array<i32>} : memref<128xf32, #tpu.memory_space<vmem>>, vector<16xf32>,
    %swap3A_34 = vector.shape_cast %swap3A_33 : vector<16xf32> to vector<16xf32>
    %swap3A_35 = vector.shape_cast %broadcast_in_dim3A_3 : vector<16xf32> to vector<16xf32>
    tpu.vector_store %arg11[%swap3A_32], %swap3A_35 {strides = array<i32>} : memref<128xf32, #tpu.memory_space<vmem>>, vector<16xf32>,
    %swap3A_36 = arith.constant 112 : index
    %swap3A_37 = tpu.vector_load %arg11[%swap3A_36] {strides = array<i32>} : memref<128xf32, #tpu.memory_space<vmem>>, vector<16xf32>,
    %swap3A_38 = vector.shape_cast %swap3A_37 : vector<16xf32> to vector<16xf32>
    %swap3A_39 = vector.shape_cast %broadcast_in_dim3A_3 : vector<16xf32> to vector<16xf32>
    tpu.vector_store %arg11[%swap3A_36], %swap3A_39 {strides = array<i32>} : memref<128xf32, #tpu.memory_space<vmem>>, vector<16xf32>,
    %mul3A_40 = arith.constant 2 : i32
    %mul3A_41 = arith.muli %arg1, %mul3A_40 : i32
    %add3A_42 = arith.constant 0 : i32
    %add3A_43 = arith.addi %mul3A_41, %add3A_42 : i32
    %mul3A_44 = arith.constant 6912 : i32
    %mul3A_45 = arith.muli %add3A_43, %mul3A_44 : i32
    "tpu.region"() ({
      %run_scoped3A = tpu.sem_alloc : memref<!tpu.dma_semaphore, #tpu.memory_space<semaphore_mem>>
      %dma_start3A = tpu.memref_slice %arg14[%mul3A_45] : memref<221184xf32, #tpu.memory_space<vmem_shared>> -> memref<6912xf32, #tpu.memory_space<vmem_shared>>
      %dma_start3A_127 = tpu.memref_slice %arg14[%mul3A_45] : memref<221184xf32, #tpu.memory_space<vmem_shared>> -> memref<6912xf32, #tpu.memory_space<vmem_shared>>
      tpu.enqueue_dma source(%arg12 : memref<6912xf32, #tpu.memory_space<vmem>>) target(%dma_start3A_127 : memref<6912xf32, #tpu.memory_space<vmem_shared>>) target_semaphore(%run_scoped3A : memref<!tpu.dma_semaphore, #tpu.memory_space<semaphore_mem>>)
      %dma_wait3A = tpu.memref_slice %arg14[%mul3A_45] : memref<221184xf32, #tpu.memory_space<vmem_shared>> -> memref<6912xf32, #tpu.memory_space<vmem_shared>>
      %dma_wait3A_128 = tpu.memref_slice %arg14[%mul3A_45] : memref<221184xf32, #tpu.memory_space<vmem_shared>> -> memref<6912xf32, #tpu.memory_space<vmem_shared>>
      tpu.wait_dma2 semaphore(%run_scoped3A : memref<!tpu.dma_semaphore, #tpu.memory_space<semaphore_mem>>) src(%arg12 : memref<6912xf32, #tpu.memory_space<vmem>>) dst(%dma_wait3A_128 : memref<6912xf32, #tpu.memory_space<vmem_shared>>)
      tpu.yield
    }) : () -> ()
    %mul3A_46 = arith.constant 2 : i32
    %mul3A_47 = arith.muli %arg1, %mul3A_46 : i32
    %add3A_48 = arith.constant 1 : i32
    %add3A_49 = arith.addi %mul3A_47, %add3A_48 : i32
    %mul3A_50 = arith.constant 6912 : i32
    %mul3A_51 = arith.muli %add3A_49, %mul3A_50 : i32
    "tpu.region"() ({
      %run_scoped3A = tpu.sem_alloc : memref<!tpu.dma_semaphore, #tpu.memory_space<semaphore_mem>>
      %dma_start3A = tpu.memref_slice %arg14[%mul3A_51] : memref<221184xf32, #tpu.memory_space<vmem_shared>> -> memref<6912xf32, #tpu.memory_space<vmem_shared>>
      %dma_start3A_127 = tpu.memref_slice %arg14[%mul3A_51] : memref<221184xf32, #tpu.memory_space<vmem_shared>> -> memref<6912xf32, #tpu.memory_space<vmem_shared>>
      tpu.enqueue_dma source(%arg12 : memref<6912xf32, #tpu.memory_space<vmem>>) target(%dma_start3A_127 : memref<6912xf32, #tpu.memory_space<vmem_shared>>) target_semaphore(%run_scoped3A : memref<!tpu.dma_semaphore, #tpu.memory_space<semaphore_mem>>)
      %dma_wait3A = tpu.memref_slice %arg14[%mul3A_51] : memref<221184xf32, #tpu.memory_space<vmem_shared>> -> memref<6912xf32, #tpu.memory_space<vmem_shared>>
      %dma_wait3A_128 = tpu.memref_slice %arg14[%mul3A_51] : memref<221184xf32, #tpu.memory_space<vmem_shared>> -> memref<6912xf32, #tpu.memory_space<vmem_shared>>
      tpu.wait_dma2 semaphore(%run_scoped3A : memref<!tpu.dma_semaphore, #tpu.memory_space<semaphore_mem>>) src(%arg12 : memref<6912xf32, #tpu.memory_space<vmem>>) dst(%dma_wait3A_128 : memref<6912xf32, #tpu.memory_space<vmem_shared>>)
      tpu.yield
    }) : () -> ()
    %mul3A_52 = arith.constant 6912 : i32
    %mul3A_53 = arith.muli %arg1, %mul3A_52 : i32
    "tpu.region"() ({
      %run_scoped3A = tpu.sem_alloc : memref<!tpu.dma_semaphore, #tpu.memory_space<semaphore_mem>>
      %dma_start3A = tpu.memref_slice %arg15[%mul3A_53] : memref<110720xf32, #tpu.memory_space<vmem_shared>> -> memref<6912xf32, #tpu.memory_space<vmem_shared>>
      %dma_start3A_127 = tpu.memref_slice %arg15[%mul3A_53] : memref<110720xf32, #tpu.memory_space<vmem_shared>> -> memref<6912xf32, #tpu.memory_space<vmem_shared>>
      tpu.enqueue_dma source(%arg12 : memref<6912xf32, #tpu.memory_space<vmem>>) target(%dma_start3A_127 : memref<6912xf32, #tpu.memory_space<vmem_shared>>) target_semaphore(%run_scoped3A : memref<!tpu.dma_semaphore, #tpu.memory_space<semaphore_mem>>)
      %dma_wait3A = tpu.memref_slice %arg15[%mul3A_53] : memref<110720xf32, #tpu.memory_space<vmem_shared>> -> memref<6912xf32, #tpu.memory_space<vmem_shared>>
      %dma_wait3A_128 = tpu.memref_slice %arg15[%mul3A_53] : memref<110720xf32, #tpu.memory_space<vmem_shared>> -> memref<6912xf32, #tpu.memory_space<vmem_shared>>
      tpu.wait_dma2 semaphore(%run_scoped3A : memref<!tpu.dma_semaphore, #tpu.memory_space<semaphore_mem>>) src(%arg12 : memref<6912xf32, #tpu.memory_space<vmem>>) dst(%dma_wait3A_128 : memref<6912xf32, #tpu.memory_space<vmem_shared>>)
      tpu.yield
    }) : () -> ()
    %barrier3A = arith.constant 0 : index
    tpu.barrier barrier_id(%barrier3A)
    %mul3A_54 = arith.constant 2 : i32
    %mul3A_55 = arith.muli %arg1, %mul3A_54 : i32
    %add3A_56 = arith.constant 0 : i32
    %add3A_57 = arith.addi %mul3A_55, %add3A_56 : i32
    %mul3A_58 = arith.constant 256 : i32
    %mul3A_59 = arith.muli %add3A_57, %mul3A_58 : i32
    "tpu.region"() ({
      %run_scoped3A = tpu.sem_alloc : memref<!tpu.dma_semaphore, #tpu.memory_space<semaphore_mem>>
      %dma_start3A = arith.constant 0 : i32
      %dma_start3A_127 = tpu.memref_slice %arg2[%mul3A_59, %dma_start3A] : memref<8192x128xi32, #tpu.memory_space<hbm>> -> memref<256x128xi32, #tpu.memory_space<hbm>>
      %dma_start3A_128 = arith.constant 0 : i32
      %dma_start3A_129 = tpu.memref_slice %arg2[%mul3A_59, %dma_start3A_128] : memref<8192x128xi32, #tpu.memory_space<hbm>> -> memref<256x128xi32, #tpu.memory_space<hbm>>
      tpu.enqueue_dma source(%dma_start3A_129 : memref<256x128xi32, #tpu.memory_space<hbm>>) target(%arg7 : memref<256x128xi32, #tpu.memory_space<vmem>>) target_semaphore(%run_scoped3A : memref<!tpu.dma_semaphore, #tpu.memory_space<semaphore_mem>>)
      %dma_wait3A = arith.constant 0 : i32
      %dma_wait3A_130 = tpu.memref_slice %arg2[%mul3A_59, %dma_wait3A] : memref<8192x128xi32, #tpu.memory_space<hbm>> -> memref<256x128xi32, #tpu.memory_space<hbm>>
      %dma_wait3A_131 = arith.constant 0 : i32
      %dma_wait3A_132 = tpu.memref_slice %arg2[%mul3A_59, %dma_wait3A_131] : memref<8192x128xi32, #tpu.memory_space<hbm>> -> memref<256x128xi32, #tpu.memory_space<hbm>>
      tpu.wait_dma2 semaphore(%run_scoped3A : memref<!tpu.dma_semaphore, #tpu.memory_space<semaphore_mem>>) src(%dma_wait3A_132 : memref<256x128xi32, #tpu.memory_space<hbm>>) dst(%arg7 : memref<256x128xi32, #tpu.memory_space<vmem>>)
      tpu.yield
    }) : () -> ()
    %scan3A_60 = arith.constant 0 : i32
    %scan3A_61 = arith.constant 0 : i32
    %scan3A_62 = arith.constant 32 : i32
    %scan3A_63 = arith.addi %scan3A_61, %scan3A_62 : i32
    %scan3A_64 = arith.constant 1 : i32
    scf.for %scan3A_127 = %scan3A_61 to %scan3A_63 step %scan3A_64  : i32 {
      %mul3A_128 = arith.constant 8 : i32
      %mul3A_129 = arith.muli %scan3A_127, %mul3A_128 : i32
      %add3A_130 = arith.constant 0 : i32
      %add3A_131 = arith.addi %mul3A_129, %add3A_130 : i32
      %dma_start3A = arith.constant 0 : i32
      %dma_start3A_132 = tpu.memref_slice %arg7[%add3A_131, %dma_start3A] : memref<256x128xi32, #tpu.memory_space<vmem>> -> memref<1x128xi32, #tpu.memory_space<vmem>>
      %dma_start3A_133 = tpu.memref_squeeze %dma_start3A_132 : memref<1x128xi32, #tpu.memory_space<vmem>> -> memref<128xi32, #tpu.memory_space<vmem>>
      %dma_start3A_134 = arith.constant 0 : i32
      %dma_start3A_135 = tpu.memref_slice %arg14[%dma_start3A_134] : memref<221184xf32, #tpu.memory_space<vmem_shared>> -> memref<221184xf32, #tpu.memory_space<vmem_shared>>
      tpu.enqueue_indirect_dma source(%arg11 : memref<128xf32, #tpu.memory_space<vmem>>) target(%dma_start3A_135 : memref<221184xf32, #tpu.memory_space<vmem_shared>>) offsets(%dma_start3A_133 : memref<128xi32, #tpu.memory_space<vmem>>) semaphore(%arg13 : memref<!tpu.dma_semaphore, #tpu.memory_space<semaphore_mem>>) {add = true}
      %mul3A_136 = arith.constant 8 : i32
      %mul3A_137 = arith.muli %scan3A_127, %mul3A_136 : i32
      %add3A_138 = arith.constant 1 : i32
      %add3A_139 = arith.addi %mul3A_137, %add3A_138 : i32
      %dma_start3A_140 = arith.constant 0 : i32
      %dma_start3A_141 = tpu.memref_slice %arg7[%add3A_139, %dma_start3A_140] : memref<256x128xi32, #tpu.memory_space<vmem>> -> memref<1x128xi32, #tpu.memory_space<vmem>>
      %dma_start3A_142 = tpu.memref_squeeze %dma_start3A_141 : memref<1x128xi32, #tpu.memory_space<vmem>> -> memref<128xi32, #tpu.memory_space<vmem>>
      %dma_start3A_143 = arith.constant 0 : i32
      %dma_start3A_144 = tpu.memref_slice %arg14[%dma_start3A_143] : memref<221184xf32, #tpu.memory_space<vmem_shared>> -> memref<221184xf32, #tpu.memory_space<vmem_shared>>
      tpu.enqueue_indirect_dma source(%arg11 : memref<128xf32, #tpu.memory_space<vmem>>) target(%dma_start3A_144 : memref<221184xf32, #tpu.memory_space<vmem_shared>>) offsets(%dma_start3A_142 : memref<128xi32, #tpu.memory_space<vmem>>) semaphore(%arg13 : memref<!tpu.dma_semaphore, #tpu.memory_space<semaphore_mem>>) {add = true}
      %mul3A_145 = arith.constant 8 : i32
      %mul3A_146 = arith.muli %scan3A_127, %mul3A_145 : i32
      %add3A_147 = arith.constant 2 : i32
      %add3A_148 = arith.addi %mul3A_146, %add3A_147 : i32
      %dma_start3A_149 = arith.constant 0 : i32
      %dma_start3A_150 = tpu.memref_slice %arg7[%add3A_148, %dma_start3A_149] : memref<256x128xi32, #tpu.memory_space<vmem>> -> memref<1x128xi32, #tpu.memory_space<vmem>>
      %dma_start3A_151 = tpu.memref_squeeze %dma_start3A_150 : memref<1x128xi32, #tpu.memory_space<vmem>> -> memref<128xi32, #tpu.memory_space<vmem>>
      %dma_start3A_152 = arith.constant 0 : i32
      %dma_start3A_153 = tpu.memref_slice %arg14[%dma_start3A_152] : memref<221184xf32, #tpu.memory_space<vmem_shared>> -> memref<221184xf32, #tpu.memory_space<vmem_shared>>
      tpu.enqueue_indirect_dma source(%arg11 : memref<128xf32, #tpu.memory_space<vmem>>) target(%dma_start3A_153 : memref<221184xf32, #tpu.memory_space<vmem_shared>>) offsets(%dma_start3A_151 : memref<128xi32, #tpu.memory_space<vmem>>) semaphore(%arg13 : memref<!tpu.dma_semaphore, #tpu.memory_space<semaphore_mem>>) {add = true}
      %mul3A_154 = arith.constant 8 : i32
      %mul3A_155 = arith.muli %scan3A_127, %mul3A_154 : i32
      %add3A_156 = arith.constant 3 : i32
      %add3A_157 = arith.addi %mul3A_155, %add3A_156 : i32
      %dma_start3A_158 = arith.constant 0 : i32
      %dma_start3A_159 = tpu.memref_slice %arg7[%add3A_157, %dma_start3A_158] : memref<256x128xi32, #tpu.memory_space<vmem>> -> memref<1x128xi32, #tpu.memory_space<vmem>>
      %dma_start3A_160 = tpu.memref_squeeze %dma_start3A_159 : memref<1x128xi32, #tpu.memory_space<vmem>> -> memref<128xi32, #tpu.memory_space<vmem>>
      %dma_start3A_161 = arith.constant 0 : i32
      %dma_start3A_162 = tpu.memref_slice %arg14[%dma_start3A_161] : memref<221184xf32, #tpu.memory_space<vmem_shared>> -> memref<221184xf32, #tpu.memory_space<vmem_shared>>
      tpu.enqueue_indirect_dma source(%arg11 : memref<128xf32, #tpu.memory_space<vmem>>) target(%dma_start3A_162 : memref<221184xf32, #tpu.memory_space<vmem_shared>>) offsets(%dma_start3A_160 : memref<128xi32, #tpu.memory_space<vmem>>) semaphore(%arg13 : memref<!tpu.dma_semaphore, #tpu.memory_space<semaphore_mem>>) {add = true}
      %mul3A_163 = arith.constant 8 : i32
      %mul3A_164 = arith.muli %scan3A_127, %mul3A_163 : i32
      %add3A_165 = arith.constant 4 : i32
      %add3A_166 = arith.addi %mul3A_164, %add3A_165 : i32
      %dma_start3A_167 = arith.constant 0 : i32
      %dma_start3A_168 = tpu.memref_slice %arg7[%add3A_166, %dma_start3A_167] : memref<256x128xi32, #tpu.memory_space<vmem>> -> memref<1x128xi32, #tpu.memory_space<vmem>>
      %dma_start3A_169 = tpu.memref_squeeze %dma_start3A_168 : memref<1x128xi32, #tpu.memory_space<vmem>> -> memref<128xi32, #tpu.memory_space<vmem>>
      %dma_start3A_170 = arith.constant 0 : i32
      %dma_start3A_171 = tpu.memref_slice %arg14[%dma_start3A_170] : memref<221184xf32, #tpu.memory_space<vmem_shared>> -> memref<221184xf32, #tpu.memory_space<vmem_shared>>
      tpu.enqueue_indirect_dma source(%arg11 : memref<128xf32, #tpu.memory_space<vmem>>) target(%dma_start3A_171 : memref<221184xf32, #tpu.memory_space<vmem_shared>>) offsets(%dma_start3A_169 : memref<128xi32, #tpu.memory_space<vmem>>) semaphore(%arg13 : memref<!tpu.dma_semaphore, #tpu.memory_space<semaphore_mem>>) {add = true}
      %mul3A_172 = arith.constant 8 : i32
      %mul3A_173 = arith.muli %scan3A_127, %mul3A_172 : i32
      %add3A_174 = arith.constant 5 : i32
      %add3A_175 = arith.addi %mul3A_173, %add3A_174 : i32
      %dma_start3A_176 = arith.constant 0 : i32
      %dma_start3A_177 = tpu.memref_slice %arg7[%add3A_175, %dma_start3A_176] : memref<256x128xi32, #tpu.memory_space<vmem>> -> memref<1x128xi32, #tpu.memory_space<vmem>>
      %dma_start3A_178 = tpu.memref_squeeze %dma_start3A_177 : memref<1x128xi32, #tpu.memory_space<vmem>> -> memref<128xi32, #tpu.memory_space<vmem>>
      %dma_start3A_179 = arith.constant 0 : i32
      %dma_start3A_180 = tpu.memref_slice %arg14[%dma_start3A_179] : memref<221184xf32, #tpu.memory_space<vmem_shared>> -> memref<221184xf32, #tpu.memory_space<vmem_shared>>
      tpu.enqueue_indirect_dma source(%arg11 : memref<128xf32, #tpu.memory_space<vmem>>) target(%dma_start3A_180 : memref<221184xf32, #tpu.memory_space<vmem_shared>>) offsets(%dma_start3A_178 : memref<128xi32, #tpu.memory_space<vmem>>) semaphore(%arg13 : memref<!tpu.dma_semaphore, #tpu.memory_space<semaphore_mem>>) {add = true}
      %mul3A_181 = arith.constant 8 : i32
      %mul3A_182 = arith.muli %scan3A_127, %mul3A_181 : i32
      %add3A_183 = arith.constant 6 : i32
      %add3A_184 = arith.addi %mul3A_182, %add3A_183 : i32
      %dma_start3A_185 = arith.constant 0 : i32
      %dma_start3A_186 = tpu.memref_slice %arg7[%add3A_184, %dma_start3A_185] : memref<256x128xi32, #tpu.memory_space<vmem>> -> memref<1x128xi32, #tpu.memory_space<vmem>>
      %dma_start3A_187 = tpu.memref_squeeze %dma_start3A_186 : memref<1x128xi32, #tpu.memory_space<vmem>> -> memref<128xi32, #tpu.memory_space<vmem>>
      %dma_start3A_188 = arith.constant 0 : i32
      %dma_start3A_189 = tpu.memref_slice %arg14[%dma_start3A_188] : memref<221184xf32, #tpu.memory_space<vmem_shared>> -> memref<221184xf32, #tpu.memory_space<vmem_shared>>
      tpu.enqueue_indirect_dma source(%arg11 : memref<128xf32, #tpu.memory_space<vmem>>) target(%dma_start3A_189 : memref<221184xf32, #tpu.memory_space<vmem_shared>>) offsets(%dma_start3A_187 : memref<128xi32, #tpu.memory_space<vmem>>) semaphore(%arg13 : memref<!tpu.dma_semaphore, #tpu.memory_space<semaphore_mem>>) {add = true}
      %mul3A_190 = arith.constant 8 : i32
      %mul3A_191 = arith.muli %scan3A_127, %mul3A_190 : i32
      %add3A_192 = arith.constant 7 : i32
      %add3A_193 = arith.addi %mul3A_191, %add3A_192 : i32
      %dma_start3A_194 = arith.constant 0 : i32
      %dma_start3A_195 = tpu.memref_slice %arg7[%add3A_193, %dma_start3A_194] : memref<256x128xi32, #tpu.memory_space<vmem>> -> memref<1x128xi32, #tpu.memory_space<vmem>>
      %dma_start3A_196 = tpu.memref_squeeze %dma_start3A_195 : memref<1x128xi32, #tpu.memory_space<vmem>> -> memref<128xi32, #tpu.memory_space<vmem>>
      %dma_start3A_197 = arith.constant 0 : i32
      %dma_start3A_198 = tpu.memref_slice %arg14[%dma_start3A_197] : memref<221184xf32, #tpu.memory_space<vmem_shared>> -> memref<221184xf32, #tpu.memory_space<vmem_shared>>
      tpu.enqueue_indirect_dma source(%arg11 : memref<128xf32, #tpu.memory_space<vmem>>) target(%dma_start3A_198 : memref<221184xf32, #tpu.memory_space<vmem_shared>>) offsets(%dma_start3A_196 : memref<128xi32, #tpu.memory_space<vmem>>) semaphore(%arg13 : memref<!tpu.dma_semaphore, #tpu.memory_space<semaphore_mem>>) {add = true}
      %dma_wait3A = arith.constant 0 : i32
      %dma_wait3A_199 = tpu.memref_slice %arg7[%add3A_131, %dma_wait3A] : memref<256x128xi32, #tpu.memory_space<vmem>> -> memref<1x128xi32, #tpu.memory_space<vmem>>
      %dma_wait3A_200 = tpu.memref_squeeze %dma_wait3A_199 : memref<1x128xi32, #tpu.memory_space<vmem>> -> memref<128xi32, #tpu.memory_space<vmem>>
      %dma_wait3A_201 = arith.constant 0 : i32
      %dma_wait3A_202 = tpu.memref_slice %arg14[%dma_wait3A_201] : memref<221184xf32, #tpu.memory_space<vmem_shared>> -> memref<221184xf32, #tpu.memory_space<vmem_shared>>
      tpu.wait_indirect_dma semaphore(%arg13 : memref<!tpu.dma_semaphore, #tpu.memory_space<semaphore_mem>>) src(%arg11 : memref<128xf32, #tpu.memory_space<vmem>>) dst(%dma_wait3A_202 : memref<221184xf32, #tpu.memory_space<vmem_shared>>)
      %dma_wait3A_203 = arith.constant 0 : i32
      %dma_wait3A_204 = tpu.memref_slice %arg7[%add3A_139, %dma_wait3A_203] : memref<256x128xi32, #tpu.memory_space<vmem>> -> memref<1x128xi32, #tpu.memory_space<vmem>>
      %dma_wait3A_205 = tpu.memref_squeeze %dma_wait3A_204 : memref<1x128xi32, #tpu.memory_space<vmem>> -> memref<128xi32, #tpu.memory_space<vmem>>
      %dma_wait3A_206 = arith.constant 0 : i32
      %dma_wait3A_207 = tpu.memref_slice %arg14[%dma_wait3A_206] : memref<221184xf32, #tpu.memory_space<vmem_shared>> -> memref<221184xf32, #tpu.memory_space<vmem_shared>>
      tpu.wait_indirect_dma semaphore(%arg13 : memref<!tpu.dma_semaphore, #tpu.memory_space<semaphore_mem>>) src(%arg11 : memref<128xf32, #tpu.memory_space<vmem>>) dst(%dma_wait3A_207 : memref<221184xf32, #tpu.memory_space<vmem_shared>>)
      %dma_wait3A_208 = arith.constant 0 : i32
      %dma_wait3A_209 = tpu.memref_slice %arg7[%add3A_148, %dma_wait3A_208] : memref<256x128xi32, #tpu.memory_space<vmem>> -> memref<1x128xi32, #tpu.memory_space<vmem>>
      %dma_wait3A_210 = tpu.memref_squeeze %dma_wait3A_209 : memref<1x128xi32, #tpu.memory_space<vmem>> -> memref<128xi32, #tpu.memory_space<vmem>>
      %dma_wait3A_211 = arith.constant 0 : i32
      %dma_wait3A_212 = tpu.memref_slice %arg14[%dma_wait3A_211] : memref<221184xf32, #tpu.memory_space<vmem_shared>> -> memref<221184xf32, #tpu.memory_space<vmem_shared>>
      tpu.wait_indirect_dma semaphore(%arg13 : memref<!tpu.dma_semaphore, #tpu.memory_space<semaphore_mem>>) src(%arg11 : memref<128xf32, #tpu.memory_space<vmem>>) dst(%dma_wait3A_212 : memref<221184xf32, #tpu.memory_space<vmem_shared>>)
      %dma_wait3A_213 = arith.constant 0 : i32
      %dma_wait3A_214 = tpu.memref_slice %arg7[%add3A_157, %dma_wait3A_213] : memref<256x128xi32, #tpu.memory_space<vmem>> -> memref<1x128xi32, #tpu.memory_space<vmem>>
      %dma_wait3A_215 = tpu.memref_squeeze %dma_wait3A_214 : memref<1x128xi32, #tpu.memory_space<vmem>> -> memref<128xi32, #tpu.memory_space<vmem>>
      %dma_wait3A_216 = arith.constant 0 : i32
      %dma_wait3A_217 = tpu.memref_slice %arg14[%dma_wait3A_216] : memref<221184xf32, #tpu.memory_space<vmem_shared>> -> memref<221184xf32, #tpu.memory_space<vmem_shared>>
      tpu.wait_indirect_dma semaphore(%arg13 : memref<!tpu.dma_semaphore, #tpu.memory_space<semaphore_mem>>) src(%arg11 : memref<128xf32, #tpu.memory_space<vmem>>) dst(%dma_wait3A_217 : memref<221184xf32, #tpu.memory_space<vmem_shared>>)
      %dma_wait3A_218 = arith.constant 0 : i32
      %dma_wait3A_219 = tpu.memref_slice %arg7[%add3A_166, %dma_wait3A_218] : memref<256x128xi32, #tpu.memory_space<vmem>> -> memref<1x128xi32, #tpu.memory_space<vmem>>
      %dma_wait3A_220 = tpu.memref_squeeze %dma_wait3A_219 : memref<1x128xi32, #tpu.memory_space<vmem>> -> memref<128xi32, #tpu.memory_space<vmem>>
      %dma_wait3A_221 = arith.constant 0 : i32
      %dma_wait3A_222 = tpu.memref_slice %arg14[%dma_wait3A_221] : memref<221184xf32, #tpu.memory_space<vmem_shared>> -> memref<221184xf32, #tpu.memory_space<vmem_shared>>
      tpu.wait_indirect_dma semaphore(%arg13 : memref<!tpu.dma_semaphore, #tpu.memory_space<semaphore_mem>>) src(%arg11 : memref<128xf32, #tpu.memory_space<vmem>>) dst(%dma_wait3A_222 : memref<221184xf32, #tpu.memory_space<vmem_shared>>)
      %dma_wait3A_223 = arith.constant 0 : i32
      %dma_wait3A_224 = tpu.memref_slice %arg7[%add3A_175, %dma_wait3A_223] : memref<256x128xi32, #tpu.memory_space<vmem>> -> memref<1x128xi32, #tpu.memory_space<vmem>>
      %dma_wait3A_225 = tpu.memref_squeeze %dma_wait3A_224 : memref<1x128xi32, #tpu.memory_space<vmem>> -> memref<128xi32, #tpu.memory_space<vmem>>
      %dma_wait3A_226 = arith.constant 0 : i32
      %dma_wait3A_227 = tpu.memref_slice %arg14[%dma_wait3A_226] : memref<221184xf32, #tpu.memory_space<vmem_shared>> -> memref<221184xf32, #tpu.memory_space<vmem_shared>>
      tpu.wait_indirect_dma semaphore(%arg13 : memref<!tpu.dma_semaphore, #tpu.memory_space<semaphore_mem>>) src(%arg11 : memref<128xf32, #tpu.memory_space<vmem>>) dst(%dma_wait3A_227 : memref<221184xf32, #tpu.memory_space<vmem_shared>>)
      %dma_wait3A_228 = arith.constant 0 : i32
      %dma_wait3A_229 = tpu.memref_slice %arg7[%add3A_184, %dma_wait3A_228] : memref<256x128xi32, #tpu.memory_space<vmem>> -> memref<1x128xi32, #tpu.memory_space<vmem>>
      %dma_wait3A_230 = tpu.memref_squeeze %dma_wait3A_229 : memref<1x128xi32, #tpu.memory_space<vmem>> -> memref<128xi32, #tpu.memory_space<vmem>>
      %dma_wait3A_231 = arith.constant 0 : i32
      %dma_wait3A_232 = tpu.memref_slice %arg14[%dma_wait3A_231] : memref<221184xf32, #tpu.memory_space<vmem_shared>> -> memref<221184xf32, #tpu.memory_space<vmem_shared>>
      tpu.wait_indirect_dma semaphore(%arg13 : memref<!tpu.dma_semaphore, #tpu.memory_space<semaphore_mem>>) src(%arg11 : memref<128xf32, #tpu.memory_space<vmem>>) dst(%dma_wait3A_232 : memref<221184xf32, #tpu.memory_space<vmem_shared>>)
      %dma_wait3A_233 = arith.constant 0 : i32
      %dma_wait3A_234 = tpu.memref_slice %arg7[%add3A_193, %dma_wait3A_233] : memref<256x128xi32, #tpu.memory_space<vmem>> -> memref<1x128xi32, #tpu.memory_space<vmem>>
      %dma_wait3A_235 = tpu.memref_squeeze %dma_wait3A_234 : memref<1x128xi32, #tpu.memory_space<vmem>> -> memref<128xi32, #tpu.memory_space<vmem>>
      %dma_wait3A_236 = arith.constant 0 : i32
      %dma_wait3A_237 = tpu.memref_slice %arg14[%dma_wait3A_236] : memref<221184xf32, #tpu.memory_space<vmem_shared>> -> memref<221184xf32, #tpu.memory_space<vmem_shared>>
      tpu.wait_indirect_dma semaphore(%arg13 : memref<!tpu.dma_semaphore, #tpu.memory_space<semaphore_mem>>) src(%arg11 : memref<128xf32, #tpu.memory_space<vmem>>) dst(%dma_wait3A_237 : memref<221184xf32, #tpu.memory_space<vmem_shared>>)
    }
    %scan3A_65 = arith.constant 32 : i32
    %mul3A_66 = arith.constant 2 : i32
    %mul3A_67 = arith.muli %arg1, %mul3A_66 : i32
    %add3A_68 = arith.constant 1 : i32
    %add3A_69 = arith.addi %mul3A_67, %add3A_68 : i32
    %mul3A_70 = arith.constant 256 : i32
    %mul3A_71 = arith.muli %add3A_69, %mul3A_70 : i32
    "tpu.region"() ({
      %run_scoped3A = tpu.sem_alloc : memref<!tpu.dma_semaphore, #tpu.memory_space<semaphore_mem>>
      %dma_start3A = arith.constant 0 : i32
      %dma_start3A_127 = tpu.memref_slice %arg2[%mul3A_71, %dma_start3A] : memref<8192x128xi32, #tpu.memory_space<hbm>> -> memref<256x128xi32, #tpu.memory_space<hbm>>
      %dma_start3A_128 = arith.constant 0 : i32
      %dma_start3A_129 = tpu.memref_slice %arg2[%mul3A_71, %dma_start3A_128] : memref<8192x128xi32, #tpu.memory_space<hbm>> -> memref<256x128xi32, #tpu.memory_space<hbm>>
      tpu.enqueue_dma source(%dma_start3A_129 : memref<256x128xi32, #tpu.memory_space<hbm>>) target(%arg7 : memref<256x128xi32, #tpu.memory_space<vmem>>) target_semaphore(%run_scoped3A : memref<!tpu.dma_semaphore, #tpu.memory_space<semaphore_mem>>)
      %dma_wait3A = arith.constant 0 : i32
      %dma_wait3A_130 = tpu.memref_slice %arg2[%mul3A_71, %dma_wait3A] : memref<8192x128xi32, #tpu.memory_space<hbm>> -> memref<256x128xi32, #tpu.memory_space<hbm>>
      %dma_wait3A_131 = arith.constant 0 : i32
      %dma_wait3A_132 = tpu.memref_slice %arg2[%mul3A_71, %dma_wait3A_131] : memref<8192x128xi32, #tpu.memory_space<hbm>> -> memref<256x128xi32, #tpu.memory_space<hbm>>
      tpu.wait_dma2 semaphore(%run_scoped3A : memref<!tpu.dma_semaphore, #tpu.memory_space<semaphore_mem>>) src(%dma_wait3A_132 : memref<256x128xi32, #tpu.memory_space<hbm>>) dst(%arg7 : memref<256x128xi32, #tpu.memory_space<vmem>>)
      tpu.yield
    }) : () -> ()
    %scan3A_72 = arith.constant 0 : i32
    %scan3A_73 = arith.constant 0 : i32
    %scan3A_74 = arith.constant 32 : i32
    %scan3A_75 = arith.addi %scan3A_73, %scan3A_74 : i32
    %scan3A_76 = arith.constant 1 : i32
    scf.for %scan3A_127 = %scan3A_73 to %scan3A_75 step %scan3A_76  : i32 {
      %mul3A_128 = arith.constant 8 : i32
      %mul3A_129 = arith.muli %scan3A_127, %mul3A_128 : i32
      %add3A_130 = arith.constant 0 : i32
      %add3A_131 = arith.addi %mul3A_129, %add3A_130 : i32
      %dma_start3A = arith.constant 0 : i32
      %dma_start3A_132 = tpu.memref_slice %arg7[%add3A_131, %dma_start3A] : memref<256x128xi32, #tpu.memory_space<vmem>> -> memref<1x128xi32, #tpu.memory_space<vmem>>
      %dma_start3A_133 = tpu.memref_squeeze %dma_start3A_132 : memref<1x128xi32, #tpu.memory_space<vmem>> -> memref<128xi32, #tpu.memory_space<vmem>>
      %dma_start3A_134 = arith.constant 0 : i32
      %dma_start3A_135 = tpu.memref_slice %arg14[%dma_start3A_134] : memref<221184xf32, #tpu.memory_space<vmem_shared>> -> memref<221184xf32, #tpu.memory_space<vmem_shared>>
      tpu.enqueue_indirect_dma source(%arg11 : memref<128xf32, #tpu.memory_space<vmem>>) target(%dma_start3A_135 : memref<221184xf32, #tpu.memory_space<vmem_shared>>) offsets(%dma_start3A_133 : memref<128xi32, #tpu.memory_space<vmem>>) semaphore(%arg13 : memref<!tpu.dma_semaphore, #tpu.memory_space<semaphore_mem>>) {add = true}
      %mul3A_136 = arith.constant 8 : i32
      %mul3A_137 = arith.muli %scan3A_127, %mul3A_136 : i32
      %add3A_138 = arith.constant 1 : i32
      %add3A_139 = arith.addi %mul3A_137, %add3A_138 : i32
      %dma_start3A_140 = arith.constant 0 : i32
      %dma_start3A_141 = tpu.memref_slice %arg7[%add3A_139, %dma_start3A_140] : memref<256x128xi32, #tpu.memory_space<vmem>> -> memref<1x128xi32, #tpu.memory_space<vmem>>
      %dma_start3A_142 = tpu.memref_squeeze %dma_start3A_141 : memref<1x128xi32, #tpu.memory_space<vmem>> -> memref<128xi32, #tpu.memory_space<vmem>>
      %dma_start3A_143 = arith.constant 0 : i32
      %dma_start3A_144 = tpu.memref_slice %arg14[%dma_start3A_143] : memref<221184xf32, #tpu.memory_space<vmem_shared>> -> memref<221184xf32, #tpu.memory_space<vmem_shared>>
      tpu.enqueue_indirect_dma source(%arg11 : memref<128xf32, #tpu.memory_space<vmem>>) target(%dma_start3A_144 : memref<221184xf32, #tpu.memory_space<vmem_shared>>) offsets(%dma_start3A_142 : memref<128xi32, #tpu.memory_space<vmem>>) semaphore(%arg13 : memref<!tpu.dma_semaphore, #tpu.memory_space<semaphore_mem>>) {add = true}
      %mul3A_145 = arith.constant 8 : i32
      %mul3A_146 = arith.muli %scan3A_127, %mul3A_145 : i32
      %add3A_147 = arith.constant 2 : i32
      %add3A_148 = arith.addi %mul3A_146, %add3A_147 : i32
      %dma_start3A_149 = arith.constant 0 : i32
      %dma_start3A_150 = tpu.memref_slice %arg7[%add3A_148, %dma_start3A_149] : memref<256x128xi32, #tpu.memory_space<vmem>> -> memref<1x128xi32, #tpu.memory_space<vmem>>
      %dma_start3A_151 = tpu.memref_squeeze %dma_start3A_150 : memref<1x128xi32, #tpu.memory_space<vmem>> -> memref<128xi32, #tpu.memory_space<vmem>>
      %dma_start3A_152 = arith.constant 0 : i32
      %dma_start3A_153 = tpu.memref_slice %arg14[%dma_start3A_152] : memref<221184xf32, #tpu.memory_space<vmem_shared>> -> memref<221184xf32, #tpu.memory_space<vmem_shared>>
      tpu.enqueue_indirect_dma source(%arg11 : memref<128xf32, #tpu.memory_space<vmem>>) target(%dma_start3A_153 : memref<221184xf32, #tpu.memory_space<vmem_shared>>) offsets(%dma_start3A_151 : memref<128xi32, #tpu.memory_space<vmem>>) semaphore(%arg13 : memref<!tpu.dma_semaphore, #tpu.memory_space<semaphore_mem>>) {add = true}
      %mul3A_154 = arith.constant 8 : i32
      %mul3A_155 = arith.muli %scan3A_127, %mul3A_154 : i32
      %add3A_156 = arith.constant 3 : i32
      %add3A_157 = arith.addi %mul3A_155, %add3A_156 : i32
      %dma_start3A_158 = arith.constant 0 : i32
      %dma_start3A_159 = tpu.memref_slice %arg7[%add3A_157, %dma_start3A_158] : memref<256x128xi32, #tpu.memory_space<vmem>> -> memref<1x128xi32, #tpu.memory_space<vmem>>
      %dma_start3A_160 = tpu.memref_squeeze %dma_start3A_159 : memref<1x128xi32, #tpu.memory_space<vmem>> -> memref<128xi32, #tpu.memory_space<vmem>>
      %dma_start3A_161 = arith.constant 0 : i32
      %dma_start3A_162 = tpu.memref_slice %arg14[%dma_start3A_161] : memref<221184xf32, #tpu.memory_space<vmem_shared>> -> memref<221184xf32, #tpu.memory_space<vmem_shared>>
      tpu.enqueue_indirect_dma source(%arg11 : memref<128xf32, #tpu.memory_space<vmem>>) target(%dma_start3A_162 : memref<221184xf32, #tpu.memory_space<vmem_shared>>) offsets(%dma_start3A_160 : memref<128xi32, #tpu.memory_space<vmem>>) semaphore(%arg13 : memref<!tpu.dma_semaphore, #tpu.memory_space<semaphore_mem>>) {add = true}
      %mul3A_163 = arith.constant 8 : i32
      %mul3A_164 = arith.muli %scan3A_127, %mul3A_163 : i32
      %add3A_165 = arith.constant 4 : i32
      %add3A_166 = arith.addi %mul3A_164, %add3A_165 : i32
      %dma_start3A_167 = arith.constant 0 : i32
      %dma_start3A_168 = tpu.memref_slice %arg7[%add3A_166, %dma_start3A_167] : memref<256x128xi32, #tpu.memory_space<vmem>> -> memref<1x128xi32, #tpu.memory_space<vmem>>
      %dma_start3A_169 = tpu.memref_squeeze %dma_start3A_168 : memref<1x128xi32, #tpu.memory_space<vmem>> -> memref<128xi32, #tpu.memory_space<vmem>>
      %dma_start3A_170 = arith.constant 0 : i32
      %dma_start3A_171 = tpu.memref_slice %arg14[%dma_start3A_170] : memref<221184xf32, #tpu.memory_space<vmem_shared>> -> memref<221184xf32, #tpu.memory_space<vmem_shared>>
      tpu.enqueue_indirect_dma source(%arg11 : memref<128xf32, #tpu.memory_space<vmem>>) target(%dma_start3A_171 : memref<221184xf32, #tpu.memory_space<vmem_shared>>) offsets(%dma_start3A_169 : memref<128xi32, #tpu.memory_space<vmem>>) semaphore(%arg13 : memref<!tpu.dma_semaphore, #tpu.memory_space<semaphore_mem>>) {add = true}
      %mul3A_172 = arith.constant 8 : i32
      %mul3A_173 = arith.muli %scan3A_127, %mul3A_172 : i32
      %add3A_174 = arith.constant 5 : i32
      %add3A_175 = arith.addi %mul3A_173, %add3A_174 : i32
      %dma_start3A_176 = arith.constant 0 : i32
      %dma_start3A_177 = tpu.memref_slice %arg7[%add3A_175, %dma_start3A_176] : memref<256x128xi32, #tpu.memory_space<vmem>> -> memref<1x128xi32, #tpu.memory_space<vmem>>
      %dma_start3A_178 = tpu.memref_squeeze %dma_start3A_177 : memref<1x128xi32, #tpu.memory_space<vmem>> -> memref<128xi32, #tpu.memory_space<vmem>>
      %dma_start3A_179 = arith.constant 0 : i32
      %dma_start3A_180 = tpu.memref_slice %arg14[%dma_start3A_179] : memref<221184xf32, #tpu.memory_space<vmem_shared>> -> memref<221184xf32, #tpu.memory_space<vmem_shared>>
      tpu.enqueue_indirect_dma source(%arg11 : memref<128xf32, #tpu.memory_space<vmem>>) target(%dma_start3A_180 : memref<221184xf32, #tpu.memory_space<vmem_shared>>) offsets(%dma_start3A_178 : memref<128xi32, #tpu.memory_space<vmem>>) semaphore(%arg13 : memref<!tpu.dma_semaphore, #tpu.memory_space<semaphore_mem>>) {add = true}
      %mul3A_181 = arith.constant 8 : i32
      %mul3A_182 = arith.muli %scan3A_127, %mul3A_181 : i32
      %add3A_183 = arith.constant 6 : i32
      %add3A_184 = arith.addi %mul3A_182, %add3A_183 : i32
      %dma_start3A_185 = arith.constant 0 : i32
      %dma_start3A_186 = tpu.memref_slice %arg7[%add3A_184, %dma_start3A_185] : memref<256x128xi32, #tpu.memory_space<vmem>> -> memref<1x128xi32, #tpu.memory_space<vmem>>
      %dma_start3A_187 = tpu.memref_squeeze %dma_start3A_186 : memref<1x128xi32, #tpu.memory_space<vmem>> -> memref<128xi32, #tpu.memory_space<vmem>>
      %dma_start3A_188 = arith.constant 0 : i32
      %dma_start3A_189 = tpu.memref_slice %arg14[%dma_start3A_188] : memref<221184xf32, #tpu.memory_space<vmem_shared>> -> memref<221184xf32, #tpu.memory_space<vmem_shared>>
      tpu.enqueue_indirect_dma source(%arg11 : memref<128xf32, #tpu.memory_space<vmem>>) target(%dma_start3A_189 : memref<221184xf32, #tpu.memory_space<vmem_shared>>) offsets(%dma_start3A_187 : memref<128xi32, #tpu.memory_space<vmem>>) semaphore(%arg13 : memref<!tpu.dma_semaphore, #tpu.memory_space<semaphore_mem>>) {add = true}
      %mul3A_190 = arith.constant 8 : i32
      %mul3A_191 = arith.muli %scan3A_127, %mul3A_190 : i32
      %add3A_192 = arith.constant 7 : i32
      %add3A_193 = arith.addi %mul3A_191, %add3A_192 : i32
      %dma_start3A_194 = arith.constant 0 : i32
      %dma_start3A_195 = tpu.memref_slice %arg7[%add3A_193, %dma_start3A_194] : memref<256x128xi32, #tpu.memory_space<vmem>> -> memref<1x128xi32, #tpu.memory_space<vmem>>
      %dma_start3A_196 = tpu.memref_squeeze %dma_start3A_195 : memref<1x128xi32, #tpu.memory_space<vmem>> -> memref<128xi32, #tpu.memory_space<vmem>>
      %dma_start3A_197 = arith.constant 0 : i32
      %dma_start3A_198 = tpu.memref_slice %arg14[%dma_start3A_197] : memref<221184xf32, #tpu.memory_space<vmem_shared>> -> memref<221184xf32, #tpu.memory_space<vmem_shared>>
      tpu.enqueue_indirect_dma source(%arg11 : memref<128xf32, #tpu.memory_space<vmem>>) target(%dma_start3A_198 : memref<221184xf32, #tpu.memory_space<vmem_shared>>) offsets(%dma_start3A_196 : memref<128xi32, #tpu.memory_space<vmem>>) semaphore(%arg13 : memref<!tpu.dma_semaphore, #tpu.memory_space<semaphore_mem>>) {add = true}
      %dma_wait3A = arith.constant 0 : i32
      %dma_wait3A_199 = tpu.memref_slice %arg7[%add3A_131, %dma_wait3A] : memref<256x128xi32, #tpu.memory_space<vmem>> -> memref<1x128xi32, #tpu.memory_space<vmem>>
      %dma_wait3A_200 = tpu.memref_squeeze %dma_wait3A_199 : memref<1x128xi32, #tpu.memory_space<vmem>> -> memref<128xi32, #tpu.memory_space<vmem>>
      %dma_wait3A_201 = arith.constant 0 : i32
      %dma_wait3A_202 = tpu.memref_slice %arg14[%dma_wait3A_201] : memref<221184xf32, #tpu.memory_space<vmem_shared>> -> memref<221184xf32, #tpu.memory_space<vmem_shared>>
      tpu.wait_indirect_dma semaphore(%arg13 : memref<!tpu.dma_semaphore, #tpu.memory_space<semaphore_mem>>) src(%arg11 : memref<128xf32, #tpu.memory_space<vmem>>) dst(%dma_wait3A_202 : memref<221184xf32, #tpu.memory_space<vmem_shared>>)
      %dma_wait3A_203 = arith.constant 0 : i32
      %dma_wait3A_204 = tpu.memref_slice %arg7[%add3A_139, %dma_wait3A_203] : memref<256x128xi32, #tpu.memory_space<vmem>> -> memref<1x128xi32, #tpu.memory_space<vmem>>
      %dma_wait3A_205 = tpu.memref_squeeze %dma_wait3A_204 : memref<1x128xi32, #tpu.memory_space<vmem>> -> memref<128xi32, #tpu.memory_space<vmem>>
      %dma_wait3A_206 = arith.constant 0 : i32
      %dma_wait3A_207 = tpu.memref_slice %arg14[%dma_wait3A_206] : memref<221184xf32, #tpu.memory_space<vmem_shared>> -> memref<221184xf32, #tpu.memory_space<vmem_shared>>
      tpu.wait_indirect_dma semaphore(%arg13 : memref<!tpu.dma_semaphore, #tpu.memory_space<semaphore_mem>>) src(%arg11 : memref<128xf32, #tpu.memory_space<vmem>>) dst(%dma_wait3A_207 : memref<221184xf32, #tpu.memory_space<vmem_shared>>)
      %dma_wait3A_208 = arith.constant 0 : i32
      %dma_wait3A_209 = tpu.memref_slice %arg7[%add3A_148, %dma_wait3A_208] : memref<256x128xi32, #tpu.memory_space<vmem>> -> memref<1x128xi32, #tpu.memory_space<vmem>>
      %dma_wait3A_210 = tpu.memref_squeeze %dma_wait3A_209 : memref<1x128xi32, #tpu.memory_space<vmem>> -> memref<128xi32, #tpu.memory_space<vmem>>
      %dma_wait3A_211 = arith.constant 0 : i32
      %dma_wait3A_212 = tpu.memref_slice %arg14[%dma_wait3A_211] : memref<221184xf32, #tpu.memory_space<vmem_shared>> -> memref<221184xf32, #tpu.memory_space<vmem_shared>>
      tpu.wait_indirect_dma semaphore(%arg13 : memref<!tpu.dma_semaphore, #tpu.memory_space<semaphore_mem>>) src(%arg11 : memref<128xf32, #tpu.memory_space<vmem>>) dst(%dma_wait3A_212 : memref<221184xf32, #tpu.memory_space<vmem_shared>>)
      %dma_wait3A_213 = arith.constant 0 : i32
      %dma_wait3A_214 = tpu.memref_slice %arg7[%add3A_157, %dma_wait3A_213] : memref<256x128xi32, #tpu.memory_space<vmem>> -> memref<1x128xi32, #tpu.memory_space<vmem>>
      %dma_wait3A_215 = tpu.memref_squeeze %dma_wait3A_214 : memref<1x128xi32, #tpu.memory_space<vmem>> -> memref<128xi32, #tpu.memory_space<vmem>>
      %dma_wait3A_216 = arith.constant 0 : i32
      %dma_wait3A_217 = tpu.memref_slice %arg14[%dma_wait3A_216] : memref<221184xf32, #tpu.memory_space<vmem_shared>> -> memref<221184xf32, #tpu.memory_space<vmem_shared>>
      tpu.wait_indirect_dma semaphore(%arg13 : memref<!tpu.dma_semaphore, #tpu.memory_space<semaphore_mem>>) src(%arg11 : memref<128xf32, #tpu.memory_space<vmem>>) dst(%dma_wait3A_217 : memref<221184xf32, #tpu.memory_space<vmem_shared>>)
      %dma_wait3A_218 = arith.constant 0 : i32
      %dma_wait3A_219 = tpu.memref_slice %arg7[%add3A_166, %dma_wait3A_218] : memref<256x128xi32, #tpu.memory_space<vmem>> -> memref<1x128xi32, #tpu.memory_space<vmem>>
      %dma_wait3A_220 = tpu.memref_squeeze %dma_wait3A_219 : memref<1x128xi32, #tpu.memory_space<vmem>> -> memref<128xi32, #tpu.memory_space<vmem>>
      %dma_wait3A_221 = arith.constant 0 : i32
      %dma_wait3A_222 = tpu.memref_slice %arg14[%dma_wait3A_221] : memref<221184xf32, #tpu.memory_space<vmem_shared>> -> memref<221184xf32, #tpu.memory_space<vmem_shared>>
      tpu.wait_indirect_dma semaphore(%arg13 : memref<!tpu.dma_semaphore, #tpu.memory_space<semaphore_mem>>) src(%arg11 : memref<128xf32, #tpu.memory_space<vmem>>) dst(%dma_wait3A_222 : memref<221184xf32, #tpu.memory_space<vmem_shared>>)
      %dma_wait3A_223 = arith.constant 0 : i32
      %dma_wait3A_224 = tpu.memref_slice %arg7[%add3A_175, %dma_wait3A_223] : memref<256x128xi32, #tpu.memory_space<vmem>> -> memref<1x128xi32, #tpu.memory_space<vmem>>
      %dma_wait3A_225 = tpu.memref_squeeze %dma_wait3A_224 : memref<1x128xi32, #tpu.memory_space<vmem>> -> memref<128xi32, #tpu.memory_space<vmem>>
      %dma_wait3A_226 = arith.constant 0 : i32
      %dma_wait3A_227 = tpu.memref_slice %arg14[%dma_wait3A_226] : memref<221184xf32, #tpu.memory_space<vmem_shared>> -> memref<221184xf32, #tpu.memory_space<vmem_shared>>
      tpu.wait_indirect_dma semaphore(%arg13 : memref<!tpu.dma_semaphore, #tpu.memory_space<semaphore_mem>>) src(%arg11 : memref<128xf32, #tpu.memory_space<vmem>>) dst(%dma_wait3A_227 : memref<221184xf32, #tpu.memory_space<vmem_shared>>)
      %dma_wait3A_228 = arith.constant 0 : i32
      %dma_wait3A_229 = tpu.memref_slice %arg7[%add3A_184, %dma_wait3A_228] : memref<256x128xi32, #tpu.memory_space<vmem>> -> memref<1x128xi32, #tpu.memory_space<vmem>>
      %dma_wait3A_230 = tpu.memref_squeeze %dma_wait3A_229 : memref<1x128xi32, #tpu.memory_space<vmem>> -> memref<128xi32, #tpu.memory_space<vmem>>
      %dma_wait3A_231 = arith.constant 0 : i32
      %dma_wait3A_232 = tpu.memref_slice %arg14[%dma_wait3A_231] : memref<221184xf32, #tpu.memory_space<vmem_shared>> -> memref<221184xf32, #tpu.memory_space<vmem_shared>>
      tpu.wait_indirect_dma semaphore(%arg13 : memref<!tpu.dma_semaphore, #tpu.memory_space<semaphore_mem>>) src(%arg11 : memref<128xf32, #tpu.memory_space<vmem>>) dst(%dma_wait3A_232 : memref<221184xf32, #tpu.memory_space<vmem_shared>>)
      %dma_wait3A_233 = arith.constant 0 : i32
      %dma_wait3A_234 = tpu.memref_slice %arg7[%add3A_193, %dma_wait3A_233] : memref<256x128xi32, #tpu.memory_space<vmem>> -> memref<1x128xi32, #tpu.memory_space<vmem>>
      %dma_wait3A_235 = tpu.memref_squeeze %dma_wait3A_234 : memref<1x128xi32, #tpu.memory_space<vmem>> -> memref<128xi32, #tpu.memory_space<vmem>>
      %dma_wait3A_236 = arith.constant 0 : i32
      %dma_wait3A_237 = tpu.memref_slice %arg14[%dma_wait3A_236] : memref<221184xf32, #tpu.memory_space<vmem_shared>> -> memref<221184xf32, #tpu.memory_space<vmem_shared>>
      tpu.wait_indirect_dma semaphore(%arg13 : memref<!tpu.dma_semaphore, #tpu.memory_space<semaphore_mem>>) src(%arg11 : memref<128xf32, #tpu.memory_space<vmem>>) dst(%dma_wait3A_237 : memref<221184xf32, #tpu.memory_space<vmem_shared>>)
    }
    %scan3A_77 = arith.constant 32 : i32
    %barrier3A_78 = arith.constant 0 : index
    tpu.barrier barrier_id(%barrier3A_78)
    %mul3A_79 = arith.constant 6912 : i32
    %mul3A_80 = arith.muli %add3A, %mul3A_79 : i32
    "tpu.region"() ({
      %run_scoped3A = tpu.sem_alloc : memref<!tpu.dma_semaphore, #tpu.memory_space<semaphore_mem>>
      %dma_start3A = tpu.memref_slice %arg14[%mul3A_80] : memref<221184xf32, #tpu.memory_space<vmem_shared>> -> memref<6912xf32, #tpu.memory_space<vmem_shared>>
      %dma_start3A_127 = tpu.memref_slice %arg14[%mul3A_80] : memref<221184xf32, #tpu.memory_space<vmem_shared>> -> memref<6912xf32, #tpu.memory_space<vmem_shared>>
      tpu.enqueue_dma source(%dma_start3A_127 : memref<6912xf32, #tpu.memory_space<vmem_shared>>) target(%arg9 : memref<6912xf32, #tpu.memory_space<vmem>>) target_semaphore(%run_scoped3A : memref<!tpu.dma_semaphore, #tpu.memory_space<semaphore_mem>>)
      %dma_wait3A = tpu.memref_slice %arg14[%mul3A_80] : memref<221184xf32, #tpu.memory_space<vmem_shared>> -> memref<6912xf32, #tpu.memory_space<vmem_shared>>
      %dma_wait3A_128 = tpu.memref_slice %arg14[%mul3A_80] : memref<221184xf32, #tpu.memory_space<vmem_shared>> -> memref<6912xf32, #tpu.memory_space<vmem_shared>>
      tpu.wait_dma2 semaphore(%run_scoped3A : memref<!tpu.dma_semaphore, #tpu.memory_space<semaphore_mem>>) src(%dma_wait3A_128 : memref<6912xf32, #tpu.memory_space<vmem_shared>>) dst(%arg9 : memref<6912xf32, #tpu.memory_space<vmem>>)
      tpu.yield
    }) : () -> ()
    %broadcast_in_dim3A_81 = arith.constant 110592 : i32
    %broadcast_in_dim3A_82 = vector.broadcast %broadcast_in_dim3A_81 : i32 to vector<16xi32>
    "tpu.region"() ({
      %run_scoped3A = tpu.sem_alloc : memref<!tpu.dma_semaphore, #tpu.memory_space<semaphore_mem>>
      %dma_start3A = tpu.memref_slice %arg3[%mul3A_80] : memref<221184xi32, #tpu.memory_space<hbm>> -> memref<6912xi32, #tpu.memory_space<hbm>>
      %dma_start3A_127 = tpu.memref_slice %arg3[%mul3A_80] : memref<221184xi32, #tpu.memory_space<hbm>> -> memref<6912xi32, #tpu.memory_space<hbm>>
      tpu.enqueue_dma source(%dma_start3A_127 : memref<6912xi32, #tpu.memory_space<hbm>>) target(%arg8 : memref<6912xi32, #tpu.memory_space<vmem>>) target_semaphore(%run_scoped3A : memref<!tpu.dma_semaphore, #tpu.memory_space<semaphore_mem>>)
      %dma_wait3A = tpu.memref_slice %arg3[%mul3A_80] : memref<221184xi32, #tpu.memory_space<hbm>> -> memref<6912xi32, #tpu.memory_space<hbm>>
      %dma_wait3A_128 = tpu.memref_slice %arg3[%mul3A_80] : memref<221184xi32, #tpu.memory_space<hbm>> -> memref<6912xi32, #tpu.memory_space<hbm>>
      tpu.wait_dma2 semaphore(%run_scoped3A : memref<!tpu.dma_semaphore, #tpu.memory_space<semaphore_mem>>) src(%dma_wait3A_128 : memref<6912xi32, #tpu.memory_space<hbm>>) dst(%arg8 : memref<6912xi32, #tpu.memory_space<vmem>>)
      tpu.yield
    }) : () -> ()
    %scan3A_83 = arith.constant 0 : i32
    %scan3A_84 = arith.constant 0 : i32
    %scan3A_85 = arith.constant 54 : i32
    %scan3A_86 = arith.addi %scan3A_84, %scan3A_85 : i32
    %scan3A_87 = arith.constant 1 : i32
    scf.for %scan3A_127 = %scan3A_84 to %scan3A_86 step %scan3A_87  : i32 {
      %mul3A_128 = arith.constant 128 : i32
      %mul3A_129 = arith.muli %scan3A_127, %mul3A_128 : i32
      %add3A_130 = arith.constant 0 : i32
      %add3A_131 = arith.addi %mul3A_129, %add3A_130 : i32
      %get3A = arith.index_cast %add3A_131 : i32 to index
      %get3A_132 = tpu.vector_load %arg9[%get3A] {strides = array<i32>} : memref<6912xf32, #tpu.memory_space<vmem>>, vector<16xf32>,
      %get3A_133 = vector.shape_cast %get3A_132 : vector<16xf32> to vector<16xf32>
      %mul3A_134 = arith.constant 128 : i32
      %mul3A_135 = arith.muli %scan3A_127, %mul3A_134 : i32
      %add3A_136 = arith.constant 0 : i32
      %add3A_137 = arith.addi %mul3A_135, %add3A_136 : i32
      %get3A_138 = arith.index_cast %add3A_137 : i32 to index
      %get3A_139 = tpu.vector_load %arg8[%get3A_138] {strides = array<i32>} : memref<6912xi32, #tpu.memory_space<vmem>>, vector<16xi32>,
      %get3A_140 = vector.shape_cast %get3A_139 : vector<16xi32> to vector<16xi32>
      %gt3A = arith.constant 0.000000e+00 : f32
      %gt3A_141 = vector.broadcast %gt3A : f32 to vector<16xf32>
      %gt3A_142 = arith.cmpf ogt, %get3A_133, %gt3A_141 : vector<16xf32>
      %select_n3A = arith.select %gt3A_142, %get3A_140, %broadcast_in_dim3A_82 : vector<16xi1>, vector<16xi32>
      %swap3A_143 = arith.index_cast %scan3A_127 : i32 to index
      %swap3A_144 = arith.constant 0 : index
      %swap3A_145 = tpu.vector_load %arg10[%swap3A_143, %swap3A_144] {strides = array<i32>} : memref<54x128xi32, #tpu.memory_space<vmem>>, vector<1x16xi32>,
      %swap3A_146 = vector.shape_cast %swap3A_145 : vector<1x16xi32> to vector<16xi32>
      %swap3A_147 = vector.shape_cast %select_n3A : vector<16xi32> to vector<1x16xi32>
      tpu.vector_store %arg10[%swap3A_143, %swap3A_144], %swap3A_147 {strides = array<i32>} : memref<54x128xi32, #tpu.memory_space<vmem>>, vector<1x16xi32>,
      %mul3A_148 = arith.constant 128 : i32
      %mul3A_149 = arith.muli %scan3A_127, %mul3A_148 : i32
      %add3A_150 = arith.constant 16 : i32
      %add3A_151 = arith.addi %mul3A_149, %add3A_150 : i32
      %get3A_152 = arith.index_cast %add3A_151 : i32 to index
      %get3A_153 = tpu.vector_load %arg9[%get3A_152] {strides = array<i32>} : memref<6912xf32, #tpu.memory_space<vmem>>, vector<16xf32>,
      %get3A_154 = vector.shape_cast %get3A_153 : vector<16xf32> to vector<16xf32>
      %mul3A_155 = arith.constant 128 : i32
      %mul3A_156 = arith.muli %scan3A_127, %mul3A_155 : i32
      %add3A_157 = arith.constant 16 : i32
      %add3A_158 = arith.addi %mul3A_156, %add3A_157 : i32
      %get3A_159 = arith.index_cast %add3A_158 : i32 to index
      %get3A_160 = tpu.vector_load %arg8[%get3A_159] {strides = array<i32>} : memref<6912xi32, #tpu.memory_space<vmem>>, vector<16xi32>,
      %get3A_161 = vector.shape_cast %get3A_160 : vector<16xi32> to vector<16xi32>
      %gt3A_162 = arith.constant 0.000000e+00 : f32
      %gt3A_163 = vector.broadcast %gt3A_162 : f32 to vector<16xf32>
      %gt3A_164 = arith.cmpf ogt, %get3A_154, %gt3A_163 : vector<16xf32>
      %select_n3A_165 = arith.select %gt3A_164, %get3A_161, %broadcast_in_dim3A_82 : vector<16xi1>, vector<16xi32>
      %swap3A_166 = arith.index_cast %scan3A_127 : i32 to index
      %swap3A_167 = arith.constant 16 : index
      %swap3A_168 = tpu.vector_load %arg10[%swap3A_166, %swap3A_167] {strides = array<i32>} : memref<54x128xi32, #tpu.memory_space<vmem>>, vector<1x16xi32>,
      %swap3A_169 = vector.shape_cast %swap3A_168 : vector<1x16xi32> to vector<16xi32>
      %swap3A_170 = vector.shape_cast %select_n3A_165 : vector<16xi32> to vector<1x16xi32>
      tpu.vector_store %arg10[%swap3A_166, %swap3A_167], %swap3A_170 {strides = array<i32>} : memref<54x128xi32, #tpu.memory_space<vmem>>, vector<1x16xi32>,
      %mul3A_171 = arith.constant 128 : i32
      %mul3A_172 = arith.muli %scan3A_127, %mul3A_171 : i32
      %add3A_173 = arith.constant 32 : i32
      %add3A_174 = arith.addi %mul3A_172, %add3A_173 : i32
      %get3A_175 = arith.index_cast %add3A_174 : i32 to index
      %get3A_176 = tpu.vector_load %arg9[%get3A_175] {strides = array<i32>} : memref<6912xf32, #tpu.memory_space<vmem>>, vector<16xf32>,
      %get3A_177 = vector.shape_cast %get3A_176 : vector<16xf32> to vector<16xf32>
      %mul3A_178 = arith.constant 128 : i32
      %mul3A_179 = arith.muli %scan3A_127, %mul3A_178 : i32
      %add3A_180 = arith.constant 32 : i32
      %add3A_181 = arith.addi %mul3A_179, %add3A_180 : i32
      %get3A_182 = arith.index_cast %add3A_181 : i32 to index
      %get3A_183 = tpu.vector_load %arg8[%get3A_182] {strides = array<i32>} : memref<6912xi32, #tpu.memory_space<vmem>>, vector<16xi32>,
      %get3A_184 = vector.shape_cast %get3A_183 : vector<16xi32> to vector<16xi32>
      %gt3A_185 = arith.constant 0.000000e+00 : f32
      %gt3A_186 = vector.broadcast %gt3A_185 : f32 to vector<16xf32>
      %gt3A_187 = arith.cmpf ogt, %get3A_177, %gt3A_186 : vector<16xf32>
      %select_n3A_188 = arith.select %gt3A_187, %get3A_184, %broadcast_in_dim3A_82 : vector<16xi1>, vector<16xi32>
      %swap3A_189 = arith.index_cast %scan3A_127 : i32 to index
      %swap3A_190 = arith.constant 32 : index
      %swap3A_191 = tpu.vector_load %arg10[%swap3A_189, %swap3A_190] {strides = array<i32>} : memref<54x128xi32, #tpu.memory_space<vmem>>, vector<1x16xi32>,
      %swap3A_192 = vector.shape_cast %swap3A_191 : vector<1x16xi32> to vector<16xi32>
      %swap3A_193 = vector.shape_cast %select_n3A_188 : vector<16xi32> to vector<1x16xi32>
      tpu.vector_store %arg10[%swap3A_189, %swap3A_190], %swap3A_193 {strides = array<i32>} : memref<54x128xi32, #tpu.memory_space<vmem>>, vector<1x16xi32>,
      %mul3A_194 = arith.constant 128 : i32
      %mul3A_195 = arith.muli %scan3A_127, %mul3A_194 : i32
      %add3A_196 = arith.constant 48 : i32
      %add3A_197 = arith.addi %mul3A_195, %add3A_196 : i32
      %get3A_198 = arith.index_cast %add3A_197 : i32 to index
      %get3A_199 = tpu.vector_load %arg9[%get3A_198] {strides = array<i32>} : memref<6912xf32, #tpu.memory_space<vmem>>, vector<16xf32>,
      %get3A_200 = vector.shape_cast %get3A_199 : vector<16xf32> to vector<16xf32>
      %mul3A_201 = arith.constant 128 : i32
      %mul3A_202 = arith.muli %scan3A_127, %mul3A_201 : i32
      %add3A_203 = arith.constant 48 : i32
      %add3A_204 = arith.addi %mul3A_202, %add3A_203 : i32
      %get3A_205 = arith.index_cast %add3A_204 : i32 to index
      %get3A_206 = tpu.vector_load %arg8[%get3A_205] {strides = array<i32>} : memref<6912xi32, #tpu.memory_space<vmem>>, vector<16xi32>,
      %get3A_207 = vector.shape_cast %get3A_206 : vector<16xi32> to vector<16xi32>
      %gt3A_208 = arith.constant 0.000000e+00 : f32
      %gt3A_209 = vector.broadcast %gt3A_208 : f32 to vector<16xf32>
      %gt3A_210 = arith.cmpf ogt, %get3A_200, %gt3A_209 : vector<16xf32>
      %select_n3A_211 = arith.select %gt3A_210, %get3A_207, %broadcast_in_dim3A_82 : vector<16xi1>, vector<16xi32>
      %swap3A_212 = arith.index_cast %scan3A_127 : i32 to index
      %swap3A_213 = arith.constant 48 : index
      %swap3A_214 = tpu.vector_load %arg10[%swap3A_212, %swap3A_213] {strides = array<i32>} : memref<54x128xi32, #tpu.memory_space<vmem>>, vector<1x16xi32>,
      %swap3A_215 = vector.shape_cast %swap3A_214 : vector<1x16xi32> to vector<16xi32>
      %swap3A_216 = vector.shape_cast %select_n3A_211 : vector<16xi32> to vector<1x16xi32>
      tpu.vector_store %arg10[%swap3A_212, %swap3A_213], %swap3A_216 {strides = array<i32>} : memref<54x128xi32, #tpu.memory_space<vmem>>, vector<1x16xi32>,
      %mul3A_217 = arith.constant 128 : i32
      %mul3A_218 = arith.muli %scan3A_127, %mul3A_217 : i32
      %add3A_219 = arith.constant 64 : i32
      %add3A_220 = arith.addi %mul3A_218, %add3A_219 : i32
      %get3A_221 = arith.index_cast %add3A_220 : i32 to index
      %get3A_222 = tpu.vector_load %arg9[%get3A_221] {strides = array<i32>} : memref<6912xf32, #tpu.memory_space<vmem>>, vector<16xf32>,
      %get3A_223 = vector.shape_cast %get3A_222 : vector<16xf32> to vector<16xf32>
      %mul3A_224 = arith.constant 128 : i32
      %mul3A_225 = arith.muli %scan3A_127, %mul3A_224 : i32
      %add3A_226 = arith.constant 64 : i32
      %add3A_227 = arith.addi %mul3A_225, %add3A_226 : i32
      %get3A_228 = arith.index_cast %add3A_227 : i32 to index
      %get3A_229 = tpu.vector_load %arg8[%get3A_228] {strides = array<i32>} : memref<6912xi32, #tpu.memory_space<vmem>>, vector<16xi32>,
      %get3A_230 = vector.shape_cast %get3A_229 : vector<16xi32> to vector<16xi32>
      %gt3A_231 = arith.constant 0.000000e+00 : f32
      %gt3A_232 = vector.broadcast %gt3A_231 : f32 to vector<16xf32>
      %gt3A_233 = arith.cmpf ogt, %get3A_223, %gt3A_232 : vector<16xf32>
      %select_n3A_234 = arith.select %gt3A_233, %get3A_230, %broadcast_in_dim3A_82 : vector<16xi1>, vector<16xi32>
      %swap3A_235 = arith.index_cast %scan3A_127 : i32 to index
      %swap3A_236 = arith.constant 64 : index
      %swap3A_237 = tpu.vector_load %arg10[%swap3A_235, %swap3A_236] {strides = array<i32>} : memref<54x128xi32, #tpu.memory_space<vmem>>, vector<1x16xi32>,
      %swap3A_238 = vector.shape_cast %swap3A_237 : vector<1x16xi32> to vector<16xi32>
      %swap3A_239 = vector.shape_cast %select_n3A_234 : vector<16xi32> to vector<1x16xi32>
      tpu.vector_store %arg10[%swap3A_235, %swap3A_236], %swap3A_239 {strides = array<i32>} : memref<54x128xi32, #tpu.memory_space<vmem>>, vector<1x16xi32>,
      %mul3A_240 = arith.constant 128 : i32
      %mul3A_241 = arith.muli %scan3A_127, %mul3A_240 : i32
      %add3A_242 = arith.constant 80 : i32
      %add3A_243 = arith.addi %mul3A_241, %add3A_242 : i32
      %get3A_244 = arith.index_cast %add3A_243 : i32 to index
      %get3A_245 = tpu.vector_load %arg9[%get3A_244] {strides = array<i32>} : memref<6912xf32, #tpu.memory_space<vmem>>, vector<16xf32>,
      %get3A_246 = vector.shape_cast %get3A_245 : vector<16xf32> to vector<16xf32>
      %mul3A_247 = arith.constant 128 : i32
      %mul3A_248 = arith.muli %scan3A_127, %mul3A_247 : i32
      %add3A_249 = arith.constant 80 : i32
      %add3A_250 = arith.addi %mul3A_248, %add3A_249 : i32
      %get3A_251 = arith.index_cast %add3A_250 : i32 to index
      %get3A_252 = tpu.vector_load %arg8[%get3A_251] {strides = array<i32>} : memref<6912xi32, #tpu.memory_space<vmem>>, vector<16xi32>,
      %get3A_253 = vector.shape_cast %get3A_252 : vector<16xi32> to vector<16xi32>
      %gt3A_254 = arith.constant 0.000000e+00 : f32
      %gt3A_255 = vector.broadcast %gt3A_254 : f32 to vector<16xf32>
      %gt3A_256 = arith.cmpf ogt, %get3A_246, %gt3A_255 : vector<16xf32>
      %select_n3A_257 = arith.select %gt3A_256, %get3A_253, %broadcast_in_dim3A_82 : vector<16xi1>, vector<16xi32>
      %swap3A_258 = arith.index_cast %scan3A_127 : i32 to index
      %swap3A_259 = arith.constant 80 : index
      %swap3A_260 = tpu.vector_load %arg10[%swap3A_258, %swap3A_259] {strides = array<i32>} : memref<54x128xi32, #tpu.memory_space<vmem>>, vector<1x16xi32>,
      %swap3A_261 = vector.shape_cast %swap3A_260 : vector<1x16xi32> to vector<16xi32>
      %swap3A_262 = vector.shape_cast %select_n3A_257 : vector<16xi32> to vector<1x16xi32>
      tpu.vector_store %arg10[%swap3A_258, %swap3A_259], %swap3A_262 {strides = array<i32>} : memref<54x128xi32, #tpu.memory_space<vmem>>, vector<1x16xi32>,
      %mul3A_263 = arith.constant 128 : i32
      %mul3A_264 = arith.muli %scan3A_127, %mul3A_263 : i32
      %add3A_265 = arith.constant 96 : i32
      %add3A_266 = arith.addi %mul3A_264, %add3A_265 : i32
      %get3A_267 = arith.index_cast %add3A_266 : i32 to index
      %get3A_268 = tpu.vector_load %arg9[%get3A_267] {strides = array<i32>} : memref<6912xf32, #tpu.memory_space<vmem>>, vector<16xf32>,
      %get3A_269 = vector.shape_cast %get3A_268 : vector<16xf32> to vector<16xf32>
      %mul3A_270 = arith.constant 128 : i32
      %mul3A_271 = arith.muli %scan3A_127, %mul3A_270 : i32
      %add3A_272 = arith.constant 96 : i32
      %add3A_273 = arith.addi %mul3A_271, %add3A_272 : i32
      %get3A_274 = arith.index_cast %add3A_273 : i32 to index
      %get3A_275 = tpu.vector_load %arg8[%get3A_274] {strides = array<i32>} : memref<6912xi32, #tpu.memory_space<vmem>>, vector<16xi32>,
      %get3A_276 = vector.shape_cast %get3A_275 : vector<16xi32> to vector<16xi32>
      %gt3A_277 = arith.constant 0.000000e+00 : f32
      %gt3A_278 = vector.broadcast %gt3A_277 : f32 to vector<16xf32>
      %gt3A_279 = arith.cmpf ogt, %get3A_269, %gt3A_278 : vector<16xf32>
      %select_n3A_280 = arith.select %gt3A_279, %get3A_276, %broadcast_in_dim3A_82 : vector<16xi1>, vector<16xi32>
      %swap3A_281 = arith.index_cast %scan3A_127 : i32 to index
      %swap3A_282 = arith.constant 96 : index
      %swap3A_283 = tpu.vector_load %arg10[%swap3A_281, %swap3A_282] {strides = array<i32>} : memref<54x128xi32, #tpu.memory_space<vmem>>, vector<1x16xi32>,
      %swap3A_284 = vector.shape_cast %swap3A_283 : vector<1x16xi32> to vector<16xi32>
      %swap3A_285 = vector.shape_cast %select_n3A_280 : vector<16xi32> to vector<1x16xi32>
      tpu.vector_store %arg10[%swap3A_281, %swap3A_282], %swap3A_285 {strides = array<i32>} : memref<54x128xi32, #tpu.memory_space<vmem>>, vector<1x16xi32>,
      %mul3A_286 = arith.constant 128 : i32
      %mul3A_287 = arith.muli %scan3A_127, %mul3A_286 : i32
      %add3A_288 = arith.constant 112 : i32
      %add3A_289 = arith.addi %mul3A_287, %add3A_288 : i32
      %get3A_290 = arith.index_cast %add3A_289 : i32 to index
      %get3A_291 = tpu.vector_load %arg9[%get3A_290] {strides = array<i32>} : memref<6912xf32, #tpu.memory_space<vmem>>, vector<16xf32>,
      %get3A_292 = vector.shape_cast %get3A_291 : vector<16xf32> to vector<16xf32>
      %mul3A_293 = arith.constant 128 : i32
      %mul3A_294 = arith.muli %scan3A_127, %mul3A_293 : i32
      %add3A_295 = arith.constant 112 : i32
      %add3A_296 = arith.addi %mul3A_294, %add3A_295 : i32
      %get3A_297 = arith.index_cast %add3A_296 : i32 to index
      %get3A_298 = tpu.vector_load %arg8[%get3A_297] {strides = array<i32>} : memref<6912xi32, #tpu.memory_space<vmem>>, vector<16xi32>,
      %get3A_299 = vector.shape_cast %get3A_298 : vector<16xi32> to vector<16xi32>
      %gt3A_300 = arith.constant 0.000000e+00 : f32
      %gt3A_301 = vector.broadcast %gt3A_300 : f32 to vector<16xf32>
      %gt3A_302 = arith.cmpf ogt, %get3A_292, %gt3A_301 : vector<16xf32>
      %select_n3A_303 = arith.select %gt3A_302, %get3A_299, %broadcast_in_dim3A_82 : vector<16xi1>, vector<16xi32>
      %swap3A_304 = arith.index_cast %scan3A_127 : i32 to index
      %swap3A_305 = arith.constant 112 : index
      %swap3A_306 = tpu.vector_load %arg10[%swap3A_304, %swap3A_305] {strides = array<i32>} : memref<54x128xi32, #tpu.memory_space<vmem>>, vector<1x16xi32>,
      %swap3A_307 = vector.shape_cast %swap3A_306 : vector<1x16xi32> to vector<16xi32>
      %swap3A_308 = vector.shape_cast %select_n3A_303 : vector<16xi32> to vector<1x16xi32>
      tpu.vector_store %arg10[%swap3A_304, %swap3A_305], %swap3A_308 {strides = array<i32>} : memref<54x128xi32, #tpu.memory_space<vmem>>, vector<1x16xi32>,
    }
    %scan3A_88 = arith.constant 54 : i32
    %scan3A_89 = arith.constant 0 : i32
    %scan3A_90 = arith.constant 0 : i32
    %scan3A_91 = arith.constant 6 : i32
    %scan3A_92 = arith.addi %scan3A_90, %scan3A_91 : i32
    %scan3A_93 = arith.constant 1 : i32
    scf.for %scan3A_127 = %scan3A_90 to %scan3A_92 step %scan3A_93  : i32 {
      %mul3A_128 = arith.constant 9 : i32
      %mul3A_129 = arith.muli %scan3A_127, %mul3A_128 : i32
      %add3A_130 = arith.constant 0 : i32
      %add3A_131 = arith.addi %mul3A_129, %add3A_130 : i32
      %dma_start3A = arith.constant 0 : i32
      %dma_start3A_132 = tpu.memref_slice %arg10[%add3A_131, %dma_start3A] : memref<54x128xi32, #tpu.memory_space<vmem>> -> memref<1x128xi32, #tpu.memory_space<vmem>>
      %dma_start3A_133 = tpu.memref_squeeze %dma_start3A_132 : memref<1x128xi32, #tpu.memory_space<vmem>> -> memref<128xi32, #tpu.memory_space<vmem>>
      %dma_start3A_134 = arith.constant 0 : i32
      %dma_start3A_135 = tpu.memref_slice %arg15[%dma_start3A_134] : memref<110720xf32, #tpu.memory_space<vmem_shared>> -> memref<110720xf32, #tpu.memory_space<vmem_shared>>
      tpu.enqueue_indirect_dma source(%arg11 : memref<128xf32, #tpu.memory_space<vmem>>) target(%dma_start3A_135 : memref<110720xf32, #tpu.memory_space<vmem_shared>>) offsets(%dma_start3A_133 : memref<128xi32, #tpu.memory_space<vmem>>) semaphore(%arg13 : memref<!tpu.dma_semaphore, #tpu.memory_space<semaphore_mem>>) {add = true}
      %mul3A_136 = arith.constant 9 : i32
      %mul3A_137 = arith.muli %scan3A_127, %mul3A_136 : i32
      %add3A_138 = arith.constant 1 : i32
      %add3A_139 = arith.addi %mul3A_137, %add3A_138 : i32
      %dma_start3A_140 = arith.constant 0 : i32
      %dma_start3A_141 = tpu.memref_slice %arg10[%add3A_139, %dma_start3A_140] : memref<54x128xi32, #tpu.memory_space<vmem>> -> memref<1x128xi32, #tpu.memory_space<vmem>>
      %dma_start3A_142 = tpu.memref_squeeze %dma_start3A_141 : memref<1x128xi32, #tpu.memory_space<vmem>> -> memref<128xi32, #tpu.memory_space<vmem>>
      %dma_start3A_143 = arith.constant 0 : i32
      %dma_start3A_144 = tpu.memref_slice %arg15[%dma_start3A_143] : memref<110720xf32, #tpu.memory_space<vmem_shared>> -> memref<110720xf32, #tpu.memory_space<vmem_shared>>
      tpu.enqueue_indirect_dma source(%arg11 : memref<128xf32, #tpu.memory_space<vmem>>) target(%dma_start3A_144 : memref<110720xf32, #tpu.memory_space<vmem_shared>>) offsets(%dma_start3A_142 : memref<128xi32, #tpu.memory_space<vmem>>) semaphore(%arg13 : memref<!tpu.dma_semaphore, #tpu.memory_space<semaphore_mem>>) {add = true}
      %mul3A_145 = arith.constant 9 : i32
      %mul3A_146 = arith.muli %scan3A_127, %mul3A_145 : i32
      %add3A_147 = arith.constant 2 : i32
      %add3A_148 = arith.addi %mul3A_146, %add3A_147 : i32
      %dma_start3A_149 = arith.constant 0 : i32
      %dma_start3A_150 = tpu.memref_slice %arg10[%add3A_148, %dma_start3A_149] : memref<54x128xi32, #tpu.memory_space<vmem>> -> memref<1x128xi32, #tpu.memory_space<vmem>>
      %dma_start3A_151 = tpu.memref_squeeze %dma_start3A_150 : memref<1x128xi32, #tpu.memory_space<vmem>> -> memref<128xi32, #tpu.memory_space<vmem>>
      %dma_start3A_152 = arith.constant 0 : i32
      %dma_start3A_153 = tpu.memref_slice %arg15[%dma_start3A_152] : memref<110720xf32, #tpu.memory_space<vmem_shared>> -> memref<110720xf32, #tpu.memory_space<vmem_shared>>
      tpu.enqueue_indirect_dma source(%arg11 : memref<128xf32, #tpu.memory_space<vmem>>) target(%dma_start3A_153 : memref<110720xf32, #tpu.memory_space<vmem_shared>>) offsets(%dma_start3A_151 : memref<128xi32, #tpu.memory_space<vmem>>) semaphore(%arg13 : memref<!tpu.dma_semaphore, #tpu.memory_space<semaphore_mem>>) {add = true}
      %mul3A_154 = arith.constant 9 : i32
      %mul3A_155 = arith.muli %scan3A_127, %mul3A_154 : i32
      %add3A_156 = arith.constant 3 : i32
      %add3A_157 = arith.addi %mul3A_155, %add3A_156 : i32
      %dma_start3A_158 = arith.constant 0 : i32
      %dma_start3A_159 = tpu.memref_slice %arg10[%add3A_157, %dma_start3A_158] : memref<54x128xi32, #tpu.memory_space<vmem>> -> memref<1x128xi32, #tpu.memory_space<vmem>>
      %dma_start3A_160 = tpu.memref_squeeze %dma_start3A_159 : memref<1x128xi32, #tpu.memory_space<vmem>> -> memref<128xi32, #tpu.memory_space<vmem>>
      %dma_start3A_161 = arith.constant 0 : i32
      %dma_start3A_162 = tpu.memref_slice %arg15[%dma_start3A_161] : memref<110720xf32, #tpu.memory_space<vmem_shared>> -> memref<110720xf32, #tpu.memory_space<vmem_shared>>
      tpu.enqueue_indirect_dma source(%arg11 : memref<128xf32, #tpu.memory_space<vmem>>) target(%dma_start3A_162 : memref<110720xf32, #tpu.memory_space<vmem_shared>>) offsets(%dma_start3A_160 : memref<128xi32, #tpu.memory_space<vmem>>) semaphore(%arg13 : memref<!tpu.dma_semaphore, #tpu.memory_space<semaphore_mem>>) {add = true}
      %mul3A_163 = arith.constant 9 : i32
      %mul3A_164 = arith.muli %scan3A_127, %mul3A_163 : i32
      %add3A_165 = arith.constant 4 : i32
      %add3A_166 = arith.addi %mul3A_164, %add3A_165 : i32
      %dma_start3A_167 = arith.constant 0 : i32
      %dma_start3A_168 = tpu.memref_slice %arg10[%add3A_166, %dma_start3A_167] : memref<54x128xi32, #tpu.memory_space<vmem>> -> memref<1x128xi32, #tpu.memory_space<vmem>>
      %dma_start3A_169 = tpu.memref_squeeze %dma_start3A_168 : memref<1x128xi32, #tpu.memory_space<vmem>> -> memref<128xi32, #tpu.memory_space<vmem>>
      %dma_start3A_170 = arith.constant 0 : i32
      %dma_start3A_171 = tpu.memref_slice %arg15[%dma_start3A_170] : memref<110720xf32, #tpu.memory_space<vmem_shared>> -> memref<110720xf32, #tpu.memory_space<vmem_shared>>
      tpu.enqueue_indirect_dma source(%arg11 : memref<128xf32, #tpu.memory_space<vmem>>) target(%dma_start3A_171 : memref<110720xf32, #tpu.memory_space<vmem_shared>>) offsets(%dma_start3A_169 : memref<128xi32, #tpu.memory_space<vmem>>) semaphore(%arg13 : memref<!tpu.dma_semaphore, #tpu.memory_space<semaphore_mem>>) {add = true}
      %mul3A_172 = arith.constant 9 : i32
      %mul3A_173 = arith.muli %scan3A_127, %mul3A_172 : i32
      %add3A_174 = arith.constant 5 : i32
      %add3A_175 = arith.addi %mul3A_173, %add3A_174 : i32
      %dma_start3A_176 = arith.constant 0 : i32
      %dma_start3A_177 = tpu.memref_slice %arg10[%add3A_175, %dma_start3A_176] : memref<54x128xi32, #tpu.memory_space<vmem>> -> memref<1x128xi32, #tpu.memory_space<vmem>>
      %dma_start3A_178 = tpu.memref_squeeze %dma_start3A_177 : memref<1x128xi32, #tpu.memory_space<vmem>> -> memref<128xi32, #tpu.memory_space<vmem>>
      %dma_start3A_179 = arith.constant 0 : i32
      %dma_start3A_180 = tpu.memref_slice %arg15[%dma_start3A_179] : memref<110720xf32, #tpu.memory_space<vmem_shared>> -> memref<110720xf32, #tpu.memory_space<vmem_shared>>
      tpu.enqueue_indirect_dma source(%arg11 : memref<128xf32, #tpu.memory_space<vmem>>) target(%dma_start3A_180 : memref<110720xf32, #tpu.memory_space<vmem_shared>>) offsets(%dma_start3A_178 : memref<128xi32, #tpu.memory_space<vmem>>) semaphore(%arg13 : memref<!tpu.dma_semaphore, #tpu.memory_space<semaphore_mem>>) {add = true}
      %mul3A_181 = arith.constant 9 : i32
      %mul3A_182 = arith.muli %scan3A_127, %mul3A_181 : i32
      %add3A_183 = arith.constant 6 : i32
      %add3A_184 = arith.addi %mul3A_182, %add3A_183 : i32
      %dma_start3A_185 = arith.constant 0 : i32
      %dma_start3A_186 = tpu.memref_slice %arg10[%add3A_184, %dma_start3A_185] : memref<54x128xi32, #tpu.memory_space<vmem>> -> memref<1x128xi32, #tpu.memory_space<vmem>>
      %dma_start3A_187 = tpu.memref_squeeze %dma_start3A_186 : memref<1x128xi32, #tpu.memory_space<vmem>> -> memref<128xi32, #tpu.memory_space<vmem>>
      %dma_start3A_188 = arith.constant 0 : i32
      %dma_start3A_189 = tpu.memref_slice %arg15[%dma_start3A_188] : memref<110720xf32, #tpu.memory_space<vmem_shared>> -> memref<110720xf32, #tpu.memory_space<vmem_shared>>
      tpu.enqueue_indirect_dma source(%arg11 : memref<128xf32, #tpu.memory_space<vmem>>) target(%dma_start3A_189 : memref<110720xf32, #tpu.memory_space<vmem_shared>>) offsets(%dma_start3A_187 : memref<128xi32, #tpu.memory_space<vmem>>) semaphore(%arg13 : memref<!tpu.dma_semaphore, #tpu.memory_space<semaphore_mem>>) {add = true}
      %mul3A_190 = arith.constant 9 : i32
      %mul3A_191 = arith.muli %scan3A_127, %mul3A_190 : i32
      %add3A_192 = arith.constant 7 : i32
      %add3A_193 = arith.addi %mul3A_191, %add3A_192 : i32
      %dma_start3A_194 = arith.constant 0 : i32
      %dma_start3A_195 = tpu.memref_slice %arg10[%add3A_193, %dma_start3A_194] : memref<54x128xi32, #tpu.memory_space<vmem>> -> memref<1x128xi32, #tpu.memory_space<vmem>>
      %dma_start3A_196 = tpu.memref_squeeze %dma_start3A_195 : memref<1x128xi32, #tpu.memory_space<vmem>> -> memref<128xi32, #tpu.memory_space<vmem>>
      %dma_start3A_197 = arith.constant 0 : i32
      %dma_start3A_198 = tpu.memref_slice %arg15[%dma_start3A_197] : memref<110720xf32, #tpu.memory_space<vmem_shared>> -> memref<110720xf32, #tpu.memory_space<vmem_shared>>
      tpu.enqueue_indirect_dma source(%arg11 : memref<128xf32, #tpu.memory_space<vmem>>) target(%dma_start3A_198 : memref<110720xf32, #tpu.memory_space<vmem_shared>>) offsets(%dma_start3A_196 : memref<128xi32, #tpu.memory_space<vmem>>) semaphore(%arg13 : memref<!tpu.dma_semaphore, #tpu.memory_space<semaphore_mem>>) {add = true}
      %mul3A_199 = arith.constant 9 : i32
      %mul3A_200 = arith.muli %scan3A_127, %mul3A_199 : i32
      %add3A_201 = arith.constant 8 : i32
      %add3A_202 = arith.addi %mul3A_200, %add3A_201 : i32
      %dma_start3A_203 = arith.constant 0 : i32
      %dma_start3A_204 = tpu.memref_slice %arg10[%add3A_202, %dma_start3A_203] : memref<54x128xi32, #tpu.memory_space<vmem>> -> memref<1x128xi32, #tpu.memory_space<vmem>>
      %dma_start3A_205 = tpu.memref_squeeze %dma_start3A_204 : memref<1x128xi32, #tpu.memory_space<vmem>> -> memref<128xi32, #tpu.memory_space<vmem>>
      %dma_start3A_206 = arith.constant 0 : i32
      %dma_start3A_207 = tpu.memref_slice %arg15[%dma_start3A_206] : memref<110720xf32, #tpu.memory_space<vmem_shared>> -> memref<110720xf32, #tpu.memory_space<vmem_shared>>
      tpu.enqueue_indirect_dma source(%arg11 : memref<128xf32, #tpu.memory_space<vmem>>) target(%dma_start3A_207 : memref<110720xf32, #tpu.memory_space<vmem_shared>>) offsets(%dma_start3A_205 : memref<128xi32, #tpu.memory_space<vmem>>) semaphore(%arg13 : memref<!tpu.dma_semaphore, #tpu.memory_space<semaphore_mem>>) {add = true}
      %dma_wait3A = arith.constant 0 : i32
      %dma_wait3A_208 = tpu.memref_slice %arg10[%add3A_131, %dma_wait3A] : memref<54x128xi32, #tpu.memory_space<vmem>> -> memref<1x128xi32, #tpu.memory_space<vmem>>
      %dma_wait3A_209 = tpu.memref_squeeze %dma_wait3A_208 : memref<1x128xi32, #tpu.memory_space<vmem>> -> memref<128xi32, #tpu.memory_space<vmem>>
      %dma_wait3A_210 = arith.constant 0 : i32
      %dma_wait3A_211 = tpu.memref_slice %arg15[%dma_wait3A_210] : memref<110720xf32, #tpu.memory_space<vmem_shared>> -> memref<110720xf32, #tpu.memory_space<vmem_shared>>
      tpu.wait_indirect_dma semaphore(%arg13 : memref<!tpu.dma_semaphore, #tpu.memory_space<semaphore_mem>>) src(%arg11 : memref<128xf32, #tpu.memory_space<vmem>>) dst(%dma_wait3A_211 : memref<110720xf32, #tpu.memory_space<vmem_shared>>)
      %dma_wait3A_212 = arith.constant 0 : i32
      %dma_wait3A_213 = tpu.memref_slice %arg10[%add3A_139, %dma_wait3A_212] : memref<54x128xi32, #tpu.memory_space<vmem>> -> memref<1x128xi32, #tpu.memory_space<vmem>>
      %dma_wait3A_214 = tpu.memref_squeeze %dma_wait3A_213 : memref<1x128xi32, #tpu.memory_space<vmem>> -> memref<128xi32, #tpu.memory_space<vmem>>
      %dma_wait3A_215 = arith.constant 0 : i32
      %dma_wait3A_216 = tpu.memref_slice %arg15[%dma_wait3A_215] : memref<110720xf32, #tpu.memory_space<vmem_shared>> -> memref<110720xf32, #tpu.memory_space<vmem_shared>>
      tpu.wait_indirect_dma semaphore(%arg13 : memref<!tpu.dma_semaphore, #tpu.memory_space<semaphore_mem>>) src(%arg11 : memref<128xf32, #tpu.memory_space<vmem>>) dst(%dma_wait3A_216 : memref<110720xf32, #tpu.memory_space<vmem_shared>>)
      %dma_wait3A_217 = arith.constant 0 : i32
      %dma_wait3A_218 = tpu.memref_slice %arg10[%add3A_148, %dma_wait3A_217] : memref<54x128xi32, #tpu.memory_space<vmem>> -> memref<1x128xi32, #tpu.memory_space<vmem>>
      %dma_wait3A_219 = tpu.memref_squeeze %dma_wait3A_218 : memref<1x128xi32, #tpu.memory_space<vmem>> -> memref<128xi32, #tpu.memory_space<vmem>>
      %dma_wait3A_220 = arith.constant 0 : i32
      %dma_wait3A_221 = tpu.memref_slice %arg15[%dma_wait3A_220] : memref<110720xf32, #tpu.memory_space<vmem_shared>> -> memref<110720xf32, #tpu.memory_space<vmem_shared>>
      tpu.wait_indirect_dma semaphore(%arg13 : memref<!tpu.dma_semaphore, #tpu.memory_space<semaphore_mem>>) src(%arg11 : memref<128xf32, #tpu.memory_space<vmem>>) dst(%dma_wait3A_221 : memref<110720xf32, #tpu.memory_space<vmem_shared>>)
      %dma_wait3A_222 = arith.constant 0 : i32
      %dma_wait3A_223 = tpu.memref_slice %arg10[%add3A_157, %dma_wait3A_222] : memref<54x128xi32, #tpu.memory_space<vmem>> -> memref<1x128xi32, #tpu.memory_space<vmem>>
      %dma_wait3A_224 = tpu.memref_squeeze %dma_wait3A_223 : memref<1x128xi32, #tpu.memory_space<vmem>> -> memref<128xi32, #tpu.memory_space<vmem>>
      %dma_wait3A_225 = arith.constant 0 : i32
      %dma_wait3A_226 = tpu.memref_slice %arg15[%dma_wait3A_225] : memref<110720xf32, #tpu.memory_space<vmem_shared>> -> memref<110720xf32, #tpu.memory_space<vmem_shared>>
      tpu.wait_indirect_dma semaphore(%arg13 : memref<!tpu.dma_semaphore, #tpu.memory_space<semaphore_mem>>) src(%arg11 : memref<128xf32, #tpu.memory_space<vmem>>) dst(%dma_wait3A_226 : memref<110720xf32, #tpu.memory_space<vmem_shared>>)
      %dma_wait3A_227 = arith.constant 0 : i32
      %dma_wait3A_228 = tpu.memref_slice %arg10[%add3A_166, %dma_wait3A_227] : memref<54x128xi32, #tpu.memory_space<vmem>> -> memref<1x128xi32, #tpu.memory_space<vmem>>
      %dma_wait3A_229 = tpu.memref_squeeze %dma_wait3A_228 : memref<1x128xi32, #tpu.memory_space<vmem>> -> memref<128xi32, #tpu.memory_space<vmem>>
      %dma_wait3A_230 = arith.constant 0 : i32
      %dma_wait3A_231 = tpu.memref_slice %arg15[%dma_wait3A_230] : memref<110720xf32, #tpu.memory_space<vmem_shared>> -> memref<110720xf32, #tpu.memory_space<vmem_shared>>
      tpu.wait_indirect_dma semaphore(%arg13 : memref<!tpu.dma_semaphore, #tpu.memory_space<semaphore_mem>>) src(%arg11 : memref<128xf32, #tpu.memory_space<vmem>>) dst(%dma_wait3A_231 : memref<110720xf32, #tpu.memory_space<vmem_shared>>)
      %dma_wait3A_232 = arith.constant 0 : i32
      %dma_wait3A_233 = tpu.memref_slice %arg10[%add3A_175, %dma_wait3A_232] : memref<54x128xi32, #tpu.memory_space<vmem>> -> memref<1x128xi32, #tpu.memory_space<vmem>>
      %dma_wait3A_234 = tpu.memref_squeeze %dma_wait3A_233 : memref<1x128xi32, #tpu.memory_space<vmem>> -> memref<128xi32, #tpu.memory_space<vmem>>
      %dma_wait3A_235 = arith.constant 0 : i32
      %dma_wait3A_236 = tpu.memref_slice %arg15[%dma_wait3A_235] : memref<110720xf32, #tpu.memory_space<vmem_shared>> -> memref<110720xf32, #tpu.memory_space<vmem_shared>>
      tpu.wait_indirect_dma semaphore(%arg13 : memref<!tpu.dma_semaphore, #tpu.memory_space<semaphore_mem>>) src(%arg11 : memref<128xf32, #tpu.memory_space<vmem>>) dst(%dma_wait3A_236 : memref<110720xf32, #tpu.memory_space<vmem_shared>>)
      %dma_wait3A_237 = arith.constant 0 : i32
      %dma_wait3A_238 = tpu.memref_slice %arg10[%add3A_184, %dma_wait3A_237] : memref<54x128xi32, #tpu.memory_space<vmem>> -> memref<1x128xi32, #tpu.memory_space<vmem>>
      %dma_wait3A_239 = tpu.memref_squeeze %dma_wait3A_238 : memref<1x128xi32, #tpu.memory_space<vmem>> -> memref<128xi32, #tpu.memory_space<vmem>>
      %dma_wait3A_240 = arith.constant 0 : i32
      %dma_wait3A_241 = tpu.memref_slice %arg15[%dma_wait3A_240] : memref<110720xf32, #tpu.memory_space<vmem_shared>> -> memref<110720xf32, #tpu.memory_space<vmem_shared>>
      tpu.wait_indirect_dma semaphore(%arg13 : memref<!tpu.dma_semaphore, #tpu.memory_space<semaphore_mem>>) src(%arg11 : memref<128xf32, #tpu.memory_space<vmem>>) dst(%dma_wait3A_241 : memref<110720xf32, #tpu.memory_space<vmem_shared>>)
      %dma_wait3A_242 = arith.constant 0 : i32
      %dma_wait3A_243 = tpu.memref_slice %arg10[%add3A_193, %dma_wait3A_242] : memref<54x128xi32, #tpu.memory_space<vmem>> -> memref<1x128xi32, #tpu.memory_space<vmem>>
      %dma_wait3A_244 = tpu.memref_squeeze %dma_wait3A_243 : memref<1x128xi32, #tpu.memory_space<vmem>> -> memref<128xi32, #tpu.memory_space<vmem>>
      %dma_wait3A_245 = arith.constant 0 : i32
      %dma_wait3A_246 = tpu.memref_slice %arg15[%dma_wait3A_245] : memref<110720xf32, #tpu.memory_space<vmem_shared>> -> memref<110720xf32, #tpu.memory_space<vmem_shared>>
      tpu.wait_indirect_dma semaphore(%arg13 : memref<!tpu.dma_semaphore, #tpu.memory_space<semaphore_mem>>) src(%arg11 : memref<128xf32, #tpu.memory_space<vmem>>) dst(%dma_wait3A_246 : memref<110720xf32, #tpu.memory_space<vmem_shared>>)
      %dma_wait3A_247 = arith.constant 0 : i32
      %dma_wait3A_248 = tpu.memref_slice %arg10[%add3A_202, %dma_wait3A_247] : memref<54x128xi32, #tpu.memory_space<vmem>> -> memref<1x128xi32, #tpu.memory_space<vmem>>
      %dma_wait3A_249 = tpu.memref_squeeze %dma_wait3A_248 : memref<1x128xi32, #tpu.memory_space<vmem>> -> memref<128xi32, #tpu.memory_space<vmem>>
      %dma_wait3A_250 = arith.constant 0 : i32
      %dma_wait3A_251 = tpu.memref_slice %arg15[%dma_wait3A_250] : memref<110720xf32, #tpu.memory_space<vmem_shared>> -> memref<110720xf32, #tpu.memory_space<vmem_shared>>
      tpu.wait_indirect_dma semaphore(%arg13 : memref<!tpu.dma_semaphore, #tpu.memory_space<semaphore_mem>>) src(%arg11 : memref<128xf32, #tpu.memory_space<vmem>>) dst(%dma_wait3A_251 : memref<110720xf32, #tpu.memory_space<vmem_shared>>)
    }
    %scan3A_94 = arith.constant 6 : i32
    "tpu.region"() ({
      %run_scoped3A = tpu.sem_alloc : memref<!tpu.dma_semaphore, #tpu.memory_space<semaphore_mem>>
      %dma_start3A = tpu.memref_slice %arg4[%mul3A_80] : memref<221184xi32, #tpu.memory_space<hbm>> -> memref<6912xi32, #tpu.memory_space<hbm>>
      %dma_start3A_127 = tpu.memref_slice %arg4[%mul3A_80] : memref<221184xi32, #tpu.memory_space<hbm>> -> memref<6912xi32, #tpu.memory_space<hbm>>
      tpu.enqueue_dma source(%dma_start3A_127 : memref<6912xi32, #tpu.memory_space<hbm>>) target(%arg8 : memref<6912xi32, #tpu.memory_space<vmem>>) target_semaphore(%run_scoped3A : memref<!tpu.dma_semaphore, #tpu.memory_space<semaphore_mem>>)
      %dma_wait3A = tpu.memref_slice %arg4[%mul3A_80] : memref<221184xi32, #tpu.memory_space<hbm>> -> memref<6912xi32, #tpu.memory_space<hbm>>
      %dma_wait3A_128 = tpu.memref_slice %arg4[%mul3A_80] : memref<221184xi32, #tpu.memory_space<hbm>> -> memref<6912xi32, #tpu.memory_space<hbm>>
      tpu.wait_dma2 semaphore(%run_scoped3A : memref<!tpu.dma_semaphore, #tpu.memory_space<semaphore_mem>>) src(%dma_wait3A_128 : memref<6912xi32, #tpu.memory_space<hbm>>) dst(%arg8 : memref<6912xi32, #tpu.memory_space<vmem>>)
      tpu.yield
    }) : () -> ()
    %scan3A_95 = arith.constant 0 : i32
    %scan3A_96 = arith.constant 0 : i32
    %scan3A_97 = arith.constant 54 : i32
    %scan3A_98 = arith.addi %scan3A_96, %scan3A_97 : i32
    %scan3A_99 = arith.constant 1 : i32
    scf.for %scan3A_127 = %scan3A_96 to %scan3A_98 step %scan3A_99  : i32 {
      %mul3A_128 = arith.constant 128 : i32
      %mul3A_129 = arith.muli %scan3A_127, %mul3A_128 : i32
      %add3A_130 = arith.constant 0 : i32
      %add3A_131 = arith.addi %mul3A_129, %add3A_130 : i32
      %get3A = arith.index_cast %add3A_131 : i32 to index
      %get3A_132 = tpu.vector_load %arg9[%get3A] {strides = array<i32>} : memref<6912xf32, #tpu.memory_space<vmem>>, vector<16xf32>,
      %get3A_133 = vector.shape_cast %get3A_132 : vector<16xf32> to vector<16xf32>
      %mul3A_134 = arith.constant 128 : i32
      %mul3A_135 = arith.muli %scan3A_127, %mul3A_134 : i32
      %add3A_136 = arith.constant 0 : i32
      %add3A_137 = arith.addi %mul3A_135, %add3A_136 : i32
      %get3A_138 = arith.index_cast %add3A_137 : i32 to index
      %get3A_139 = tpu.vector_load %arg8[%get3A_138] {strides = array<i32>} : memref<6912xi32, #tpu.memory_space<vmem>>, vector<16xi32>,
      %get3A_140 = vector.shape_cast %get3A_139 : vector<16xi32> to vector<16xi32>
      %gt3A = arith.constant 0.000000e+00 : f32
      %gt3A_141 = vector.broadcast %gt3A : f32 to vector<16xf32>
      %gt3A_142 = arith.cmpf ogt, %get3A_133, %gt3A_141 : vector<16xf32>
      %select_n3A = arith.select %gt3A_142, %get3A_140, %broadcast_in_dim3A_82 : vector<16xi1>, vector<16xi32>
      %swap3A_143 = arith.index_cast %scan3A_127 : i32 to index
      %swap3A_144 = arith.constant 0 : index
      %swap3A_145 = tpu.vector_load %arg10[%swap3A_143, %swap3A_144] {strides = array<i32>} : memref<54x128xi32, #tpu.memory_space<vmem>>, vector<1x16xi32>,
      %swap3A_146 = vector.shape_cast %swap3A_145 : vector<1x16xi32> to vector<16xi32>
      %swap3A_147 = vector.shape_cast %select_n3A : vector<16xi32> to vector<1x16xi32>
      tpu.vector_store %arg10[%swap3A_143, %swap3A_144], %swap3A_147 {strides = array<i32>} : memref<54x128xi32, #tpu.memory_space<vmem>>, vector<1x16xi32>,
      %mul3A_148 = arith.constant 128 : i32
      %mul3A_149 = arith.muli %scan3A_127, %mul3A_148 : i32
      %add3A_150 = arith.constant 16 : i32
      %add3A_151 = arith.addi %mul3A_149, %add3A_150 : i32
      %get3A_152 = arith.index_cast %add3A_151 : i32 to index
      %get3A_153 = tpu.vector_load %arg9[%get3A_152] {strides = array<i32>} : memref<6912xf32, #tpu.memory_space<vmem>>, vector<16xf32>,
      %get3A_154 = vector.shape_cast %get3A_153 : vector<16xf32> to vector<16xf32>
      %mul3A_155 = arith.constant 128 : i32
      %mul3A_156 = arith.muli %scan3A_127, %mul3A_155 : i32
      %add3A_157 = arith.constant 16 : i32
      %add3A_158 = arith.addi %mul3A_156, %add3A_157 : i32
      %get3A_159 = arith.index_cast %add3A_158 : i32 to index
      %get3A_160 = tpu.vector_load %arg8[%get3A_159] {strides = array<i32>} : memref<6912xi32, #tpu.memory_space<vmem>>, vector<16xi32>,
      %get3A_161 = vector.shape_cast %get3A_160 : vector<16xi32> to vector<16xi32>
      %gt3A_162 = arith.constant 0.000000e+00 : f32
      %gt3A_163 = vector.broadcast %gt3A_162 : f32 to vector<16xf32>
      %gt3A_164 = arith.cmpf ogt, %get3A_154, %gt3A_163 : vector<16xf32>
      %select_n3A_165 = arith.select %gt3A_164, %get3A_161, %broadcast_in_dim3A_82 : vector<16xi1>, vector<16xi32>
      %swap3A_166 = arith.index_cast %scan3A_127 : i32 to index
      %swap3A_167 = arith.constant 16 : index
      %swap3A_168 = tpu.vector_load %arg10[%swap3A_166, %swap3A_167] {strides = array<i32>} : memref<54x128xi32, #tpu.memory_space<vmem>>, vector<1x16xi32>,
      %swap3A_169 = vector.shape_cast %swap3A_168 : vector<1x16xi32> to vector<16xi32>
      %swap3A_170 = vector.shape_cast %select_n3A_165 : vector<16xi32> to vector<1x16xi32>
      tpu.vector_store %arg10[%swap3A_166, %swap3A_167], %swap3A_170 {strides = array<i32>} : memref<54x128xi32, #tpu.memory_space<vmem>>, vector<1x16xi32>,
      %mul3A_171 = arith.constant 128 : i32
      %mul3A_172 = arith.muli %scan3A_127, %mul3A_171 : i32
      %add3A_173 = arith.constant 32 : i32
      %add3A_174 = arith.addi %mul3A_172, %add3A_173 : i32
      %get3A_175 = arith.index_cast %add3A_174 : i32 to index
      %get3A_176 = tpu.vector_load %arg9[%get3A_175] {strides = array<i32>} : memref<6912xf32, #tpu.memory_space<vmem>>, vector<16xf32>,
      %get3A_177 = vector.shape_cast %get3A_176 : vector<16xf32> to vector<16xf32>
      %mul3A_178 = arith.constant 128 : i32
      %mul3A_179 = arith.muli %scan3A_127, %mul3A_178 : i32
      %add3A_180 = arith.constant 32 : i32
      %add3A_181 = arith.addi %mul3A_179, %add3A_180 : i32
      %get3A_182 = arith.index_cast %add3A_181 : i32 to index
      %get3A_183 = tpu.vector_load %arg8[%get3A_182] {strides = array<i32>} : memref<6912xi32, #tpu.memory_space<vmem>>, vector<16xi32>,
      %get3A_184 = vector.shape_cast %get3A_183 : vector<16xi32> to vector<16xi32>
      %gt3A_185 = arith.constant 0.000000e+00 : f32
      %gt3A_186 = vector.broadcast %gt3A_185 : f32 to vector<16xf32>
      %gt3A_187 = arith.cmpf ogt, %get3A_177, %gt3A_186 : vector<16xf32>
      %select_n3A_188 = arith.select %gt3A_187, %get3A_184, %broadcast_in_dim3A_82 : vector<16xi1>, vector<16xi32>
      %swap3A_189 = arith.index_cast %scan3A_127 : i32 to index
      %swap3A_190 = arith.constant 32 : index
      %swap3A_191 = tpu.vector_load %arg10[%swap3A_189, %swap3A_190] {strides = array<i32>} : memref<54x128xi32, #tpu.memory_space<vmem>>, vector<1x16xi32>,
      %swap3A_192 = vector.shape_cast %swap3A_191 : vector<1x16xi32> to vector<16xi32>
      %swap3A_193 = vector.shape_cast %select_n3A_188 : vector<16xi32> to vector<1x16xi32>
      tpu.vector_store %arg10[%swap3A_189, %swap3A_190], %swap3A_193 {strides = array<i32>} : memref<54x128xi32, #tpu.memory_space<vmem>>, vector<1x16xi32>,
      %mul3A_194 = arith.constant 128 : i32
      %mul3A_195 = arith.muli %scan3A_127, %mul3A_194 : i32
      %add3A_196 = arith.constant 48 : i32
      %add3A_197 = arith.addi %mul3A_195, %add3A_196 : i32
      %get3A_198 = arith.index_cast %add3A_197 : i32 to index
      %get3A_199 = tpu.vector_load %arg9[%get3A_198] {strides = array<i32>} : memref<6912xf32, #tpu.memory_space<vmem>>, vector<16xf32>,
      %get3A_200 = vector.shape_cast %get3A_199 : vector<16xf32> to vector<16xf32>
      %mul3A_201 = arith.constant 128 : i32
      %mul3A_202 = arith.muli %scan3A_127, %mul3A_201 : i32
      %add3A_203 = arith.constant 48 : i32
      %add3A_204 = arith.addi %mul3A_202, %add3A_203 : i32
      %get3A_205 = arith.index_cast %add3A_204 : i32 to index
      %get3A_206 = tpu.vector_load %arg8[%get3A_205] {strides = array<i32>} : memref<6912xi32, #tpu.memory_space<vmem>>, vector<16xi32>,
      %get3A_207 = vector.shape_cast %get3A_206 : vector<16xi32> to vector<16xi32>
      %gt3A_208 = arith.constant 0.000000e+00 : f32
      %gt3A_209 = vector.broadcast %gt3A_208 : f32 to vector<16xf32>
      %gt3A_210 = arith.cmpf ogt, %get3A_200, %gt3A_209 : vector<16xf32>
      %select_n3A_211 = arith.select %gt3A_210, %get3A_207, %broadcast_in_dim3A_82 : vector<16xi1>, vector<16xi32>
      %swap3A_212 = arith.index_cast %scan3A_127 : i32 to index
      %swap3A_213 = arith.constant 48 : index
      %swap3A_214 = tpu.vector_load %arg10[%swap3A_212, %swap3A_213] {strides = array<i32>} : memref<54x128xi32, #tpu.memory_space<vmem>>, vector<1x16xi32>,
      %swap3A_215 = vector.shape_cast %swap3A_214 : vector<1x16xi32> to vector<16xi32>
      %swap3A_216 = vector.shape_cast %select_n3A_211 : vector<16xi32> to vector<1x16xi32>
      tpu.vector_store %arg10[%swap3A_212, %swap3A_213], %swap3A_216 {strides = array<i32>} : memref<54x128xi32, #tpu.memory_space<vmem>>, vector<1x16xi32>,
      %mul3A_217 = arith.constant 128 : i32
      %mul3A_218 = arith.muli %scan3A_127, %mul3A_217 : i32
      %add3A_219 = arith.constant 64 : i32
      %add3A_220 = arith.addi %mul3A_218, %add3A_219 : i32
      %get3A_221 = arith.index_cast %add3A_220 : i32 to index
      %get3A_222 = tpu.vector_load %arg9[%get3A_221] {strides = array<i32>} : memref<6912xf32, #tpu.memory_space<vmem>>, vector<16xf32>,
      %get3A_223 = vector.shape_cast %get3A_222 : vector<16xf32> to vector<16xf32>
      %mul3A_224 = arith.constant 128 : i32
      %mul3A_225 = arith.muli %scan3A_127, %mul3A_224 : i32
      %add3A_226 = arith.constant 64 : i32
      %add3A_227 = arith.addi %mul3A_225, %add3A_226 : i32
      %get3A_228 = arith.index_cast %add3A_227 : i32 to index
      %get3A_229 = tpu.vector_load %arg8[%get3A_228] {strides = array<i32>} : memref<6912xi32, #tpu.memory_space<vmem>>, vector<16xi32>,
      %get3A_230 = vector.shape_cast %get3A_229 : vector<16xi32> to vector<16xi32>
      %gt3A_231 = arith.constant 0.000000e+00 : f32
      %gt3A_232 = vector.broadcast %gt3A_231 : f32 to vector<16xf32>
      %gt3A_233 = arith.cmpf ogt, %get3A_223, %gt3A_232 : vector<16xf32>
      %select_n3A_234 = arith.select %gt3A_233, %get3A_230, %broadcast_in_dim3A_82 : vector<16xi1>, vector<16xi32>
      %swap3A_235 = arith.index_cast %scan3A_127 : i32 to index
      %swap3A_236 = arith.constant 64 : index
      %swap3A_237 = tpu.vector_load %arg10[%swap3A_235, %swap3A_236] {strides = array<i32>} : memref<54x128xi32, #tpu.memory_space<vmem>>, vector<1x16xi32>,
      %swap3A_238 = vector.shape_cast %swap3A_237 : vector<1x16xi32> to vector<16xi32>
      %swap3A_239 = vector.shape_cast %select_n3A_234 : vector<16xi32> to vector<1x16xi32>
      tpu.vector_store %arg10[%swap3A_235, %swap3A_236], %swap3A_239 {strides = array<i32>} : memref<54x128xi32, #tpu.memory_space<vmem>>, vector<1x16xi32>,
      %mul3A_240 = arith.constant 128 : i32
      %mul3A_241 = arith.muli %scan3A_127, %mul3A_240 : i32
      %add3A_242 = arith.constant 80 : i32
      %add3A_243 = arith.addi %mul3A_241, %add3A_242 : i32
      %get3A_244 = arith.index_cast %add3A_243 : i32 to index
      %get3A_245 = tpu.vector_load %arg9[%get3A_244] {strides = array<i32>} : memref<6912xf32, #tpu.memory_space<vmem>>, vector<16xf32>,
      %get3A_246 = vector.shape_cast %get3A_245 : vector<16xf32> to vector<16xf32>
      %mul3A_247 = arith.constant 128 : i32
      %mul3A_248 = arith.muli %scan3A_127, %mul3A_247 : i32
      %add3A_249 = arith.constant 80 : i32
      %add3A_250 = arith.addi %mul3A_248, %add3A_249 : i32
      %get3A_251 = arith.index_cast %add3A_250 : i32 to index
      %get3A_252 = tpu.vector_load %arg8[%get3A_251] {strides = array<i32>} : memref<6912xi32, #tpu.memory_space<vmem>>, vector<16xi32>,
      %get3A_253 = vector.shape_cast %get3A_252 : vector<16xi32> to vector<16xi32>
      %gt3A_254 = arith.constant 0.000000e+00 : f32
      %gt3A_255 = vector.broadcast %gt3A_254 : f32 to vector<16xf32>
      %gt3A_256 = arith.cmpf ogt, %get3A_246, %gt3A_255 : vector<16xf32>
      %select_n3A_257 = arith.select %gt3A_256, %get3A_253, %broadcast_in_dim3A_82 : vector<16xi1>, vector<16xi32>
      %swap3A_258 = arith.index_cast %scan3A_127 : i32 to index
      %swap3A_259 = arith.constant 80 : index
      %swap3A_260 = tpu.vector_load %arg10[%swap3A_258, %swap3A_259] {strides = array<i32>} : memref<54x128xi32, #tpu.memory_space<vmem>>, vector<1x16xi32>,
      %swap3A_261 = vector.shape_cast %swap3A_260 : vector<1x16xi32> to vector<16xi32>
      %swap3A_262 = vector.shape_cast %select_n3A_257 : vector<16xi32> to vector<1x16xi32>
      tpu.vector_store %arg10[%swap3A_258, %swap3A_259], %swap3A_262 {strides = array<i32>} : memref<54x128xi32, #tpu.memory_space<vmem>>, vector<1x16xi32>,
      %mul3A_263 = arith.constant 128 : i32
      %mul3A_264 = arith.muli %scan3A_127, %mul3A_263 : i32
      %add3A_265 = arith.constant 96 : i32
      %add3A_266 = arith.addi %mul3A_264, %add3A_265 : i32
      %get3A_267 = arith.index_cast %add3A_266 : i32 to index
      %get3A_268 = tpu.vector_load %arg9[%get3A_267] {strides = array<i32>} : memref<6912xf32, #tpu.memory_space<vmem>>, vector<16xf32>,
      %get3A_269 = vector.shape_cast %get3A_268 : vector<16xf32> to vector<16xf32>
      %mul3A_270 = arith.constant 128 : i32
      %mul3A_271 = arith.muli %scan3A_127, %mul3A_270 : i32
      %add3A_272 = arith.constant 96 : i32
      %add3A_273 = arith.addi %mul3A_271, %add3A_272 : i32
      %get3A_274 = arith.index_cast %add3A_273 : i32 to index
      %get3A_275 = tpu.vector_load %arg8[%get3A_274] {strides = array<i32>} : memref<6912xi32, #tpu.memory_space<vmem>>, vector<16xi32>,
      %get3A_276 = vector.shape_cast %get3A_275 : vector<16xi32> to vector<16xi32>
      %gt3A_277 = arith.constant 0.000000e+00 : f32
      %gt3A_278 = vector.broadcast %gt3A_277 : f32 to vector<16xf32>
      %gt3A_279 = arith.cmpf ogt, %get3A_269, %gt3A_278 : vector<16xf32>
      %select_n3A_280 = arith.select %gt3A_279, %get3A_276, %broadcast_in_dim3A_82 : vector<16xi1>, vector<16xi32>
      %swap3A_281 = arith.index_cast %scan3A_127 : i32 to index
      %swap3A_282 = arith.constant 96 : index
      %swap3A_283 = tpu.vector_load %arg10[%swap3A_281, %swap3A_282] {strides = array<i32>} : memref<54x128xi32, #tpu.memory_space<vmem>>, vector<1x16xi32>,
      %swap3A_284 = vector.shape_cast %swap3A_283 : vector<1x16xi32> to vector<16xi32>
      %swap3A_285 = vector.shape_cast %select_n3A_280 : vector<16xi32> to vector<1x16xi32>
      tpu.vector_store %arg10[%swap3A_281, %swap3A_282], %swap3A_285 {strides = array<i32>} : memref<54x128xi32, #tpu.memory_space<vmem>>, vector<1x16xi32>,
      %mul3A_286 = arith.constant 128 : i32
      %mul3A_287 = arith.muli %scan3A_127, %mul3A_286 : i32
      %add3A_288 = arith.constant 112 : i32
      %add3A_289 = arith.addi %mul3A_287, %add3A_288 : i32
      %get3A_290 = arith.index_cast %add3A_289 : i32 to index
      %get3A_291 = tpu.vector_load %arg9[%get3A_290] {strides = array<i32>} : memref<6912xf32, #tpu.memory_space<vmem>>, vector<16xf32>,
      %get3A_292 = vector.shape_cast %get3A_291 : vector<16xf32> to vector<16xf32>
      %mul3A_293 = arith.constant 128 : i32
      %mul3A_294 = arith.muli %scan3A_127, %mul3A_293 : i32
      %add3A_295 = arith.constant 112 : i32
      %add3A_296 = arith.addi %mul3A_294, %add3A_295 : i32
      %get3A_297 = arith.index_cast %add3A_296 : i32 to index
      %get3A_298 = tpu.vector_load %arg8[%get3A_297] {strides = array<i32>} : memref<6912xi32, #tpu.memory_space<vmem>>, vector<16xi32>,
      %get3A_299 = vector.shape_cast %get3A_298 : vector<16xi32> to vector<16xi32>
      %gt3A_300 = arith.constant 0.000000e+00 : f32
      %gt3A_301 = vector.broadcast %gt3A_300 : f32 to vector<16xf32>
      %gt3A_302 = arith.cmpf ogt, %get3A_292, %gt3A_301 : vector<16xf32>
      %select_n3A_303 = arith.select %gt3A_302, %get3A_299, %broadcast_in_dim3A_82 : vector<16xi1>, vector<16xi32>
      %swap3A_304 = arith.index_cast %scan3A_127 : i32 to index
      %swap3A_305 = arith.constant 112 : index
      %swap3A_306 = tpu.vector_load %arg10[%swap3A_304, %swap3A_305] {strides = array<i32>} : memref<54x128xi32, #tpu.memory_space<vmem>>, vector<1x16xi32>,
      %swap3A_307 = vector.shape_cast %swap3A_306 : vector<1x16xi32> to vector<16xi32>
      %swap3A_308 = vector.shape_cast %select_n3A_303 : vector<16xi32> to vector<1x16xi32>
      tpu.vector_store %arg10[%swap3A_304, %swap3A_305], %swap3A_308 {strides = array<i32>} : memref<54x128xi32, #tpu.memory_space<vmem>>, vector<1x16xi32>,
    }
    %scan3A_100 = arith.constant 54 : i32
    %scan3A_101 = arith.constant 0 : i32
    %scan3A_102 = arith.constant 0 : i32
    %scan3A_103 = arith.constant 6 : i32
    %scan3A_104 = arith.addi %scan3A_102, %scan3A_103 : i32
    %scan3A_105 = arith.constant 1 : i32
    scf.for %scan3A_127 = %scan3A_102 to %scan3A_104 step %scan3A_105  : i32 {
      %mul3A_128 = arith.constant 9 : i32
      %mul3A_129 = arith.muli %scan3A_127, %mul3A_128 : i32
      %add3A_130 = arith.constant 0 : i32
      %add3A_131 = arith.addi %mul3A_129, %add3A_130 : i32
      %dma_start3A = arith.constant 0 : i32
      %dma_start3A_132 = tpu.memref_slice %arg10[%add3A_131, %dma_start3A] : memref<54x128xi32, #tpu.memory_space<vmem>> -> memref<1x128xi32, #tpu.memory_space<vmem>>
      %dma_start3A_133 = tpu.memref_squeeze %dma_start3A_132 : memref<1x128xi32, #tpu.memory_space<vmem>> -> memref<128xi32, #tpu.memory_space<vmem>>
      %dma_start3A_134 = arith.constant 0 : i32
      %dma_start3A_135 = tpu.memref_slice %arg15[%dma_start3A_134] : memref<110720xf32, #tpu.memory_space<vmem_shared>> -> memref<110720xf32, #tpu.memory_space<vmem_shared>>
      tpu.enqueue_indirect_dma source(%arg11 : memref<128xf32, #tpu.memory_space<vmem>>) target(%dma_start3A_135 : memref<110720xf32, #tpu.memory_space<vmem_shared>>) offsets(%dma_start3A_133 : memref<128xi32, #tpu.memory_space<vmem>>) semaphore(%arg13 : memref<!tpu.dma_semaphore, #tpu.memory_space<semaphore_mem>>) {add = true}
      %mul3A_136 = arith.constant 9 : i32
      %mul3A_137 = arith.muli %scan3A_127, %mul3A_136 : i32
      %add3A_138 = arith.constant 1 : i32
      %add3A_139 = arith.addi %mul3A_137, %add3A_138 : i32
      %dma_start3A_140 = arith.constant 0 : i32
      %dma_start3A_141 = tpu.memref_slice %arg10[%add3A_139, %dma_start3A_140] : memref<54x128xi32, #tpu.memory_space<vmem>> -> memref<1x128xi32, #tpu.memory_space<vmem>>
      %dma_start3A_142 = tpu.memref_squeeze %dma_start3A_141 : memref<1x128xi32, #tpu.memory_space<vmem>> -> memref<128xi32, #tpu.memory_space<vmem>>
      %dma_start3A_143 = arith.constant 0 : i32
      %dma_start3A_144 = tpu.memref_slice %arg15[%dma_start3A_143] : memref<110720xf32, #tpu.memory_space<vmem_shared>> -> memref<110720xf32, #tpu.memory_space<vmem_shared>>
      tpu.enqueue_indirect_dma source(%arg11 : memref<128xf32, #tpu.memory_space<vmem>>) target(%dma_start3A_144 : memref<110720xf32, #tpu.memory_space<vmem_shared>>) offsets(%dma_start3A_142 : memref<128xi32, #tpu.memory_space<vmem>>) semaphore(%arg13 : memref<!tpu.dma_semaphore, #tpu.memory_space<semaphore_mem>>) {add = true}
      %mul3A_145 = arith.constant 9 : i32
      %mul3A_146 = arith.muli %scan3A_127, %mul3A_145 : i32
      %add3A_147 = arith.constant 2 : i32
      %add3A_148 = arith.addi %mul3A_146, %add3A_147 : i32
      %dma_start3A_149 = arith.constant 0 : i32
      %dma_start3A_150 = tpu.memref_slice %arg10[%add3A_148, %dma_start3A_149] : memref<54x128xi32, #tpu.memory_space<vmem>> -> memref<1x128xi32, #tpu.memory_space<vmem>>
      %dma_start3A_151 = tpu.memref_squeeze %dma_start3A_150 : memref<1x128xi32, #tpu.memory_space<vmem>> -> memref<128xi32, #tpu.memory_space<vmem>>
      %dma_start3A_152 = arith.constant 0 : i32
      %dma_start3A_153 = tpu.memref_slice %arg15[%dma_start3A_152] : memref<110720xf32, #tpu.memory_space<vmem_shared>> -> memref<110720xf32, #tpu.memory_space<vmem_shared>>
      tpu.enqueue_indirect_dma source(%arg11 : memref<128xf32, #tpu.memory_space<vmem>>) target(%dma_start3A_153 : memref<110720xf32, #tpu.memory_space<vmem_shared>>) offsets(%dma_start3A_151 : memref<128xi32, #tpu.memory_space<vmem>>) semaphore(%arg13 : memref<!tpu.dma_semaphore, #tpu.memory_space<semaphore_mem>>) {add = true}
      %mul3A_154 = arith.constant 9 : i32
      %mul3A_155 = arith.muli %scan3A_127, %mul3A_154 : i32
      %add3A_156 = arith.constant 3 : i32
      %add3A_157 = arith.addi %mul3A_155, %add3A_156 : i32
      %dma_start3A_158 = arith.constant 0 : i32
      %dma_start3A_159 = tpu.memref_slice %arg10[%add3A_157, %dma_start3A_158] : memref<54x128xi32, #tpu.memory_space<vmem>> -> memref<1x128xi32, #tpu.memory_space<vmem>>
      %dma_start3A_160 = tpu.memref_squeeze %dma_start3A_159 : memref<1x128xi32, #tpu.memory_space<vmem>> -> memref<128xi32, #tpu.memory_space<vmem>>
      %dma_start3A_161 = arith.constant 0 : i32
      %dma_start3A_162 = tpu.memref_slice %arg15[%dma_start3A_161] : memref<110720xf32, #tpu.memory_space<vmem_shared>> -> memref<110720xf32, #tpu.memory_space<vmem_shared>>
      tpu.enqueue_indirect_dma source(%arg11 : memref<128xf32, #tpu.memory_space<vmem>>) target(%dma_start3A_162 : memref<110720xf32, #tpu.memory_space<vmem_shared>>) offsets(%dma_start3A_160 : memref<128xi32, #tpu.memory_space<vmem>>) semaphore(%arg13 : memref<!tpu.dma_semaphore, #tpu.memory_space<semaphore_mem>>) {add = true}
      %mul3A_163 = arith.constant 9 : i32
      %mul3A_164 = arith.muli %scan3A_127, %mul3A_163 : i32
      %add3A_165 = arith.constant 4 : i32
      %add3A_166 = arith.addi %mul3A_164, %add3A_165 : i32
      %dma_start3A_167 = arith.constant 0 : i32
      %dma_start3A_168 = tpu.memref_slice %arg10[%add3A_166, %dma_start3A_167] : memref<54x128xi32, #tpu.memory_space<vmem>> -> memref<1x128xi32, #tpu.memory_space<vmem>>
      %dma_start3A_169 = tpu.memref_squeeze %dma_start3A_168 : memref<1x128xi32, #tpu.memory_space<vmem>> -> memref<128xi32, #tpu.memory_space<vmem>>
      %dma_start3A_170 = arith.constant 0 : i32
      %dma_start3A_171 = tpu.memref_slice %arg15[%dma_start3A_170] : memref<110720xf32, #tpu.memory_space<vmem_shared>> -> memref<110720xf32, #tpu.memory_space<vmem_shared>>
      tpu.enqueue_indirect_dma source(%arg11 : memref<128xf32, #tpu.memory_space<vmem>>) target(%dma_start3A_171 : memref<110720xf32, #tpu.memory_space<vmem_shared>>) offsets(%dma_start3A_169 : memref<128xi32, #tpu.memory_space<vmem>>) semaphore(%arg13 : memref<!tpu.dma_semaphore, #tpu.memory_space<semaphore_mem>>) {add = true}
      %mul3A_172 = arith.constant 9 : i32
      %mul3A_173 = arith.muli %scan3A_127, %mul3A_172 : i32
      %add3A_174 = arith.constant 5 : i32
      %add3A_175 = arith.addi %mul3A_173, %add3A_174 : i32
      %dma_start3A_176 = arith.constant 0 : i32
      %dma_start3A_177 = tpu.memref_slice %arg10[%add3A_175, %dma_start3A_176] : memref<54x128xi32, #tpu.memory_space<vmem>> -> memref<1x128xi32, #tpu.memory_space<vmem>>
      %dma_start3A_178 = tpu.memref_squeeze %dma_start3A_177 : memref<1x128xi32, #tpu.memory_space<vmem>> -> memref<128xi32, #tpu.memory_space<vmem>>
      %dma_start3A_179 = arith.constant 0 : i32
      %dma_start3A_180 = tpu.memref_slice %arg15[%dma_start3A_179] : memref<110720xf32, #tpu.memory_space<vmem_shared>> -> memref<110720xf32, #tpu.memory_space<vmem_shared>>
      tpu.enqueue_indirect_dma source(%arg11 : memref<128xf32, #tpu.memory_space<vmem>>) target(%dma_start3A_180 : memref<110720xf32, #tpu.memory_space<vmem_shared>>) offsets(%dma_start3A_178 : memref<128xi32, #tpu.memory_space<vmem>>) semaphore(%arg13 : memref<!tpu.dma_semaphore, #tpu.memory_space<semaphore_mem>>) {add = true}
      %mul3A_181 = arith.constant 9 : i32
      %mul3A_182 = arith.muli %scan3A_127, %mul3A_181 : i32
      %add3A_183 = arith.constant 6 : i32
      %add3A_184 = arith.addi %mul3A_182, %add3A_183 : i32
      %dma_start3A_185 = arith.constant 0 : i32
      %dma_start3A_186 = tpu.memref_slice %arg10[%add3A_184, %dma_start3A_185] : memref<54x128xi32, #tpu.memory_space<vmem>> -> memref<1x128xi32, #tpu.memory_space<vmem>>
      %dma_start3A_187 = tpu.memref_squeeze %dma_start3A_186 : memref<1x128xi32, #tpu.memory_space<vmem>> -> memref<128xi32, #tpu.memory_space<vmem>>
      %dma_start3A_188 = arith.constant 0 : i32
      %dma_start3A_189 = tpu.memref_slice %arg15[%dma_start3A_188] : memref<110720xf32, #tpu.memory_space<vmem_shared>> -> memref<110720xf32, #tpu.memory_space<vmem_shared>>
      tpu.enqueue_indirect_dma source(%arg11 : memref<128xf32, #tpu.memory_space<vmem>>) target(%dma_start3A_189 : memref<110720xf32, #tpu.memory_space<vmem_shared>>) offsets(%dma_start3A_187 : memref<128xi32, #tpu.memory_space<vmem>>) semaphore(%arg13 : memref<!tpu.dma_semaphore, #tpu.memory_space<semaphore_mem>>) {add = true}
      %mul3A_190 = arith.constant 9 : i32
      %mul3A_191 = arith.muli %scan3A_127, %mul3A_190 : i32
      %add3A_192 = arith.constant 7 : i32
      %add3A_193 = arith.addi %mul3A_191, %add3A_192 : i32
      %dma_start3A_194 = arith.constant 0 : i32
      %dma_start3A_195 = tpu.memref_slice %arg10[%add3A_193, %dma_start3A_194] : memref<54x128xi32, #tpu.memory_space<vmem>> -> memref<1x128xi32, #tpu.memory_space<vmem>>
      %dma_start3A_196 = tpu.memref_squeeze %dma_start3A_195 : memref<1x128xi32, #tpu.memory_space<vmem>> -> memref<128xi32, #tpu.memory_space<vmem>>
      %dma_start3A_197 = arith.constant 0 : i32
      %dma_start3A_198 = tpu.memref_slice %arg15[%dma_start3A_197] : memref<110720xf32, #tpu.memory_space<vmem_shared>> -> memref<110720xf32, #tpu.memory_space<vmem_shared>>
      tpu.enqueue_indirect_dma source(%arg11 : memref<128xf32, #tpu.memory_space<vmem>>) target(%dma_start3A_198 : memref<110720xf32, #tpu.memory_space<vmem_shared>>) offsets(%dma_start3A_196 : memref<128xi32, #tpu.memory_space<vmem>>) semaphore(%arg13 : memref<!tpu.dma_semaphore, #tpu.memory_space<semaphore_mem>>) {add = true}
      %mul3A_199 = arith.constant 9 : i32
      %mul3A_200 = arith.muli %scan3A_127, %mul3A_199 : i32
      %add3A_201 = arith.constant 8 : i32
      %add3A_202 = arith.addi %mul3A_200, %add3A_201 : i32
      %dma_start3A_203 = arith.constant 0 : i32
      %dma_start3A_204 = tpu.memref_slice %arg10[%add3A_202, %dma_start3A_203] : memref<54x128xi32, #tpu.memory_space<vmem>> -> memref<1x128xi32, #tpu.memory_space<vmem>>
      %dma_start3A_205 = tpu.memref_squeeze %dma_start3A_204 : memref<1x128xi32, #tpu.memory_space<vmem>> -> memref<128xi32, #tpu.memory_space<vmem>>
      %dma_start3A_206 = arith.constant 0 : i32
      %dma_start3A_207 = tpu.memref_slice %arg15[%dma_start3A_206] : memref<110720xf32, #tpu.memory_space<vmem_shared>> -> memref<110720xf32, #tpu.memory_space<vmem_shared>>
      tpu.enqueue_indirect_dma source(%arg11 : memref<128xf32, #tpu.memory_space<vmem>>) target(%dma_start3A_207 : memref<110720xf32, #tpu.memory_space<vmem_shared>>) offsets(%dma_start3A_205 : memref<128xi32, #tpu.memory_space<vmem>>) semaphore(%arg13 : memref<!tpu.dma_semaphore, #tpu.memory_space<semaphore_mem>>) {add = true}
      %dma_wait3A = arith.constant 0 : i32
      %dma_wait3A_208 = tpu.memref_slice %arg10[%add3A_131, %dma_wait3A] : memref<54x128xi32, #tpu.memory_space<vmem>> -> memref<1x128xi32, #tpu.memory_space<vmem>>
      %dma_wait3A_209 = tpu.memref_squeeze %dma_wait3A_208 : memref<1x128xi32, #tpu.memory_space<vmem>> -> memref<128xi32, #tpu.memory_space<vmem>>
      %dma_wait3A_210 = arith.constant 0 : i32
      %dma_wait3A_211 = tpu.memref_slice %arg15[%dma_wait3A_210] : memref<110720xf32, #tpu.memory_space<vmem_shared>> -> memref<110720xf32, #tpu.memory_space<vmem_shared>>
      tpu.wait_indirect_dma semaphore(%arg13 : memref<!tpu.dma_semaphore, #tpu.memory_space<semaphore_mem>>) src(%arg11 : memref<128xf32, #tpu.memory_space<vmem>>) dst(%dma_wait3A_211 : memref<110720xf32, #tpu.memory_space<vmem_shared>>)
      %dma_wait3A_212 = arith.constant 0 : i32
      %dma_wait3A_213 = tpu.memref_slice %arg10[%add3A_139, %dma_wait3A_212] : memref<54x128xi32, #tpu.memory_space<vmem>> -> memref<1x128xi32, #tpu.memory_space<vmem>>
      %dma_wait3A_214 = tpu.memref_squeeze %dma_wait3A_213 : memref<1x128xi32, #tpu.memory_space<vmem>> -> memref<128xi32, #tpu.memory_space<vmem>>
      %dma_wait3A_215 = arith.constant 0 : i32
      %dma_wait3A_216 = tpu.memref_slice %arg15[%dma_wait3A_215] : memref<110720xf32, #tpu.memory_space<vmem_shared>> -> memref<110720xf32, #tpu.memory_space<vmem_shared>>
      tpu.wait_indirect_dma semaphore(%arg13 : memref<!tpu.dma_semaphore, #tpu.memory_space<semaphore_mem>>) src(%arg11 : memref<128xf32, #tpu.memory_space<vmem>>) dst(%dma_wait3A_216 : memref<110720xf32, #tpu.memory_space<vmem_shared>>)
      %dma_wait3A_217 = arith.constant 0 : i32
      %dma_wait3A_218 = tpu.memref_slice %arg10[%add3A_148, %dma_wait3A_217] : memref<54x128xi32, #tpu.memory_space<vmem>> -> memref<1x128xi32, #tpu.memory_space<vmem>>
      %dma_wait3A_219 = tpu.memref_squeeze %dma_wait3A_218 : memref<1x128xi32, #tpu.memory_space<vmem>> -> memref<128xi32, #tpu.memory_space<vmem>>
      %dma_wait3A_220 = arith.constant 0 : i32
      %dma_wait3A_221 = tpu.memref_slice %arg15[%dma_wait3A_220] : memref<110720xf32, #tpu.memory_space<vmem_shared>> -> memref<110720xf32, #tpu.memory_space<vmem_shared>>
      tpu.wait_indirect_dma semaphore(%arg13 : memref<!tpu.dma_semaphore, #tpu.memory_space<semaphore_mem>>) src(%arg11 : memref<128xf32, #tpu.memory_space<vmem>>) dst(%dma_wait3A_221 : memref<110720xf32, #tpu.memory_space<vmem_shared>>)
      %dma_wait3A_222 = arith.constant 0 : i32
      %dma_wait3A_223 = tpu.memref_slice %arg10[%add3A_157, %dma_wait3A_222] : memref<54x128xi32, #tpu.memory_space<vmem>> -> memref<1x128xi32, #tpu.memory_space<vmem>>
      %dma_wait3A_224 = tpu.memref_squeeze %dma_wait3A_223 : memref<1x128xi32, #tpu.memory_space<vmem>> -> memref<128xi32, #tpu.memory_space<vmem>>
      %dma_wait3A_225 = arith.constant 0 : i32
      %dma_wait3A_226 = tpu.memref_slice %arg15[%dma_wait3A_225] : memref<110720xf32, #tpu.memory_space<vmem_shared>> -> memref<110720xf32, #tpu.memory_space<vmem_shared>>
      tpu.wait_indirect_dma semaphore(%arg13 : memref<!tpu.dma_semaphore, #tpu.memory_space<semaphore_mem>>) src(%arg11 : memref<128xf32, #tpu.memory_space<vmem>>) dst(%dma_wait3A_226 : memref<110720xf32, #tpu.memory_space<vmem_shared>>)
      %dma_wait3A_227 = arith.constant 0 : i32
      %dma_wait3A_228 = tpu.memref_slice %arg10[%add3A_166, %dma_wait3A_227] : memref<54x128xi32, #tpu.memory_space<vmem>> -> memref<1x128xi32, #tpu.memory_space<vmem>>
      %dma_wait3A_229 = tpu.memref_squeeze %dma_wait3A_228 : memref<1x128xi32, #tpu.memory_space<vmem>> -> memref<128xi32, #tpu.memory_space<vmem>>
      %dma_wait3A_230 = arith.constant 0 : i32
      %dma_wait3A_231 = tpu.memref_slice %arg15[%dma_wait3A_230] : memref<110720xf32, #tpu.memory_space<vmem_shared>> -> memref<110720xf32, #tpu.memory_space<vmem_shared>>
      tpu.wait_indirect_dma semaphore(%arg13 : memref<!tpu.dma_semaphore, #tpu.memory_space<semaphore_mem>>) src(%arg11 : memref<128xf32, #tpu.memory_space<vmem>>) dst(%dma_wait3A_231 : memref<110720xf32, #tpu.memory_space<vmem_shared>>)
      %dma_wait3A_232 = arith.constant 0 : i32
      %dma_wait3A_233 = tpu.memref_slice %arg10[%add3A_175, %dma_wait3A_232] : memref<54x128xi32, #tpu.memory_space<vmem>> -> memref<1x128xi32, #tpu.memory_space<vmem>>
      %dma_wait3A_234 = tpu.memref_squeeze %dma_wait3A_233 : memref<1x128xi32, #tpu.memory_space<vmem>> -> memref<128xi32, #tpu.memory_space<vmem>>
      %dma_wait3A_235 = arith.constant 0 : i32
      %dma_wait3A_236 = tpu.memref_slice %arg15[%dma_wait3A_235] : memref<110720xf32, #tpu.memory_space<vmem_shared>> -> memref<110720xf32, #tpu.memory_space<vmem_shared>>
      tpu.wait_indirect_dma semaphore(%arg13 : memref<!tpu.dma_semaphore, #tpu.memory_space<semaphore_mem>>) src(%arg11 : memref<128xf32, #tpu.memory_space<vmem>>) dst(%dma_wait3A_236 : memref<110720xf32, #tpu.memory_space<vmem_shared>>)
      %dma_wait3A_237 = arith.constant 0 : i32
      %dma_wait3A_238 = tpu.memref_slice %arg10[%add3A_184, %dma_wait3A_237] : memref<54x128xi32, #tpu.memory_space<vmem>> -> memref<1x128xi32, #tpu.memory_space<vmem>>
      %dma_wait3A_239 = tpu.memref_squeeze %dma_wait3A_238 : memref<1x128xi32, #tpu.memory_space<vmem>> -> memref<128xi32, #tpu.memory_space<vmem>>
      %dma_wait3A_240 = arith.constant 0 : i32
      %dma_wait3A_241 = tpu.memref_slice %arg15[%dma_wait3A_240] : memref<110720xf32, #tpu.memory_space<vmem_shared>> -> memref<110720xf32, #tpu.memory_space<vmem_shared>>
      tpu.wait_indirect_dma semaphore(%arg13 : memref<!tpu.dma_semaphore, #tpu.memory_space<semaphore_mem>>) src(%arg11 : memref<128xf32, #tpu.memory_space<vmem>>) dst(%dma_wait3A_241 : memref<110720xf32, #tpu.memory_space<vmem_shared>>)
      %dma_wait3A_242 = arith.constant 0 : i32
      %dma_wait3A_243 = tpu.memref_slice %arg10[%add3A_193, %dma_wait3A_242] : memref<54x128xi32, #tpu.memory_space<vmem>> -> memref<1x128xi32, #tpu.memory_space<vmem>>
      %dma_wait3A_244 = tpu.memref_squeeze %dma_wait3A_243 : memref<1x128xi32, #tpu.memory_space<vmem>> -> memref<128xi32, #tpu.memory_space<vmem>>
      %dma_wait3A_245 = arith.constant 0 : i32
      %dma_wait3A_246 = tpu.memref_slice %arg15[%dma_wait3A_245] : memref<110720xf32, #tpu.memory_space<vmem_shared>> -> memref<110720xf32, #tpu.memory_space<vmem_shared>>
      tpu.wait_indirect_dma semaphore(%arg13 : memref<!tpu.dma_semaphore, #tpu.memory_space<semaphore_mem>>) src(%arg11 : memref<128xf32, #tpu.memory_space<vmem>>) dst(%dma_wait3A_246 : memref<110720xf32, #tpu.memory_space<vmem_shared>>)
      %dma_wait3A_247 = arith.constant 0 : i32
      %dma_wait3A_248 = tpu.memref_slice %arg10[%add3A_202, %dma_wait3A_247] : memref<54x128xi32, #tpu.memory_space<vmem>> -> memref<1x128xi32, #tpu.memory_space<vmem>>
      %dma_wait3A_249 = tpu.memref_squeeze %dma_wait3A_248 : memref<1x128xi32, #tpu.memory_space<vmem>> -> memref<128xi32, #tpu.memory_space<vmem>>
      %dma_wait3A_250 = arith.constant 0 : i32
      %dma_wait3A_251 = tpu.memref_slice %arg15[%dma_wait3A_250] : memref<110720xf32, #tpu.memory_space<vmem_shared>> -> memref<110720xf32, #tpu.memory_space<vmem_shared>>
      tpu.wait_indirect_dma semaphore(%arg13 : memref<!tpu.dma_semaphore, #tpu.memory_space<semaphore_mem>>) src(%arg11 : memref<128xf32, #tpu.memory_space<vmem>>) dst(%dma_wait3A_251 : memref<110720xf32, #tpu.memory_space<vmem_shared>>)
    }
    %scan3A_106 = arith.constant 6 : i32
    "tpu.region"() ({
      %run_scoped3A = tpu.sem_alloc : memref<!tpu.dma_semaphore, #tpu.memory_space<semaphore_mem>>
      %dma_start3A = tpu.memref_slice %arg5[%mul3A_80] : memref<221184xi32, #tpu.memory_space<hbm>> -> memref<6912xi32, #tpu.memory_space<hbm>>
      %dma_start3A_127 = tpu.memref_slice %arg5[%mul3A_80] : memref<221184xi32, #tpu.memory_space<hbm>> -> memref<6912xi32, #tpu.memory_space<hbm>>
      tpu.enqueue_dma source(%dma_start3A_127 : memref<6912xi32, #tpu.memory_space<hbm>>) target(%arg8 : memref<6912xi32, #tpu.memory_space<vmem>>) target_semaphore(%run_scoped3A : memref<!tpu.dma_semaphore, #tpu.memory_space<semaphore_mem>>)
      %dma_wait3A = tpu.memref_slice %arg5[%mul3A_80] : memref<221184xi32, #tpu.memory_space<hbm>> -> memref<6912xi32, #tpu.memory_space<hbm>>
      %dma_wait3A_128 = tpu.memref_slice %arg5[%mul3A_80] : memref<221184xi32, #tpu.memory_space<hbm>> -> memref<6912xi32, #tpu.memory_space<hbm>>
      tpu.wait_dma2 semaphore(%run_scoped3A : memref<!tpu.dma_semaphore, #tpu.memory_space<semaphore_mem>>) src(%dma_wait3A_128 : memref<6912xi32, #tpu.memory_space<hbm>>) dst(%arg8 : memref<6912xi32, #tpu.memory_space<vmem>>)
      tpu.yield
    }) : () -> ()
    %scan3A_107 = arith.constant 0 : i32
    %scan3A_108 = arith.constant 0 : i32
    %scan3A_109 = arith.constant 54 : i32
    %scan3A_110 = arith.addi %scan3A_108, %scan3A_109 : i32
    %scan3A_111 = arith.constant 1 : i32
    scf.for %scan3A_127 = %scan3A_108 to %scan3A_110 step %scan3A_111  : i32 {
      %mul3A_128 = arith.constant 128 : i32
      %mul3A_129 = arith.muli %scan3A_127, %mul3A_128 : i32
      %add3A_130 = arith.constant 0 : i32
      %add3A_131 = arith.addi %mul3A_129, %add3A_130 : i32
      %get3A = arith.index_cast %add3A_131 : i32 to index
      %get3A_132 = tpu.vector_load %arg9[%get3A] {strides = array<i32>} : memref<6912xf32, #tpu.memory_space<vmem>>, vector<16xf32>,
      %get3A_133 = vector.shape_cast %get3A_132 : vector<16xf32> to vector<16xf32>
      %mul3A_134 = arith.constant 128 : i32
      %mul3A_135 = arith.muli %scan3A_127, %mul3A_134 : i32
      %add3A_136 = arith.constant 0 : i32
      %add3A_137 = arith.addi %mul3A_135, %add3A_136 : i32
      %get3A_138 = arith.index_cast %add3A_137 : i32 to index
      %get3A_139 = tpu.vector_load %arg8[%get3A_138] {strides = array<i32>} : memref<6912xi32, #tpu.memory_space<vmem>>, vector<16xi32>,
      %get3A_140 = vector.shape_cast %get3A_139 : vector<16xi32> to vector<16xi32>
      %gt3A = arith.constant 0.000000e+00 : f32
      %gt3A_141 = vector.broadcast %gt3A : f32 to vector<16xf32>
      %gt3A_142 = arith.cmpf ogt, %get3A_133, %gt3A_141 : vector<16xf32>
      %select_n3A = arith.select %gt3A_142, %get3A_140, %broadcast_in_dim3A_82 : vector<16xi1>, vector<16xi32>
      %swap3A_143 = arith.index_cast %scan3A_127 : i32 to index
      %swap3A_144 = arith.constant 0 : index
      %swap3A_145 = tpu.vector_load %arg10[%swap3A_143, %swap3A_144] {strides = array<i32>} : memref<54x128xi32, #tpu.memory_space<vmem>>, vector<1x16xi32>,
      %swap3A_146 = vector.shape_cast %swap3A_145 : vector<1x16xi32> to vector<16xi32>
      %swap3A_147 = vector.shape_cast %select_n3A : vector<16xi32> to vector<1x16xi32>
      tpu.vector_store %arg10[%swap3A_143, %swap3A_144], %swap3A_147 {strides = array<i32>} : memref<54x128xi32, #tpu.memory_space<vmem>>, vector<1x16xi32>,
      %mul3A_148 = arith.constant 128 : i32
      %mul3A_149 = arith.muli %scan3A_127, %mul3A_148 : i32
      %add3A_150 = arith.constant 16 : i32
      %add3A_151 = arith.addi %mul3A_149, %add3A_150 : i32
      %get3A_152 = arith.index_cast %add3A_151 : i32 to index
      %get3A_153 = tpu.vector_load %arg9[%get3A_152] {strides = array<i32>} : memref<6912xf32, #tpu.memory_space<vmem>>, vector<16xf32>,
      %get3A_154 = vector.shape_cast %get3A_153 : vector<16xf32> to vector<16xf32>
      %mul3A_155 = arith.constant 128 : i32
      %mul3A_156 = arith.muli %scan3A_127, %mul3A_155 : i32
      %add3A_157 = arith.constant 16 : i32
      %add3A_158 = arith.addi %mul3A_156, %add3A_157 : i32
      %get3A_159 = arith.index_cast %add3A_158 : i32 to index
      %get3A_160 = tpu.vector_load %arg8[%get3A_159] {strides = array<i32>} : memref<6912xi32, #tpu.memory_space<vmem>>, vector<16xi32>,
      %get3A_161 = vector.shape_cast %get3A_160 : vector<16xi32> to vector<16xi32>
      %gt3A_162 = arith.constant 0.000000e+00 : f32
      %gt3A_163 = vector.broadcast %gt3A_162 : f32 to vector<16xf32>
      %gt3A_164 = arith.cmpf ogt, %get3A_154, %gt3A_163 : vector<16xf32>
      %select_n3A_165 = arith.select %gt3A_164, %get3A_161, %broadcast_in_dim3A_82 : vector<16xi1>, vector<16xi32>
      %swap3A_166 = arith.index_cast %scan3A_127 : i32 to index
      %swap3A_167 = arith.constant 16 : index
      %swap3A_168 = tpu.vector_load %arg10[%swap3A_166, %swap3A_167] {strides = array<i32>} : memref<54x128xi32, #tpu.memory_space<vmem>>, vector<1x16xi32>,
      %swap3A_169 = vector.shape_cast %swap3A_168 : vector<1x16xi32> to vector<16xi32>
      %swap3A_170 = vector.shape_cast %select_n3A_165 : vector<16xi32> to vector<1x16xi32>
      tpu.vector_store %arg10[%swap3A_166, %swap3A_167], %swap3A_170 {strides = array<i32>} : memref<54x128xi32, #tpu.memory_space<vmem>>, vector<1x16xi32>,
      %mul3A_171 = arith.constant 128 : i32
      %mul3A_172 = arith.muli %scan3A_127, %mul3A_171 : i32
      %add3A_173 = arith.constant 32 : i32
      %add3A_174 = arith.addi %mul3A_172, %add3A_173 : i32
      %get3A_175 = arith.index_cast %add3A_174 : i32 to index
      %get3A_176 = tpu.vector_load %arg9[%get3A_175] {strides = array<i32>} : memref<6912xf32, #tpu.memory_space<vmem>>, vector<16xf32>,
      %get3A_177 = vector.shape_cast %get3A_176 : vector<16xf32> to vector<16xf32>
      %mul3A_178 = arith.constant 128 : i32
      %mul3A_179 = arith.muli %scan3A_127, %mul3A_178 : i32
      %add3A_180 = arith.constant 32 : i32
      %add3A_181 = arith.addi %mul3A_179, %add3A_180 : i32
      %get3A_182 = arith.index_cast %add3A_181 : i32 to index
      %get3A_183 = tpu.vector_load %arg8[%get3A_182] {strides = array<i32>} : memref<6912xi32, #tpu.memory_space<vmem>>, vector<16xi32>,
      %get3A_184 = vector.shape_cast %get3A_183 : vector<16xi32> to vector<16xi32>
      %gt3A_185 = arith.constant 0.000000e+00 : f32
      %gt3A_186 = vector.broadcast %gt3A_185 : f32 to vector<16xf32>
      %gt3A_187 = arith.cmpf ogt, %get3A_177, %gt3A_186 : vector<16xf32>
      %select_n3A_188 = arith.select %gt3A_187, %get3A_184, %broadcast_in_dim3A_82 : vector<16xi1>, vector<16xi32>
      %swap3A_189 = arith.index_cast %scan3A_127 : i32 to index
      %swap3A_190 = arith.constant 32 : index
      %swap3A_191 = tpu.vector_load %arg10[%swap3A_189, %swap3A_190] {strides = array<i32>} : memref<54x128xi32, #tpu.memory_space<vmem>>, vector<1x16xi32>,
      %swap3A_192 = vector.shape_cast %swap3A_191 : vector<1x16xi32> to vector<16xi32>
      %swap3A_193 = vector.shape_cast %select_n3A_188 : vector<16xi32> to vector<1x16xi32>
      tpu.vector_store %arg10[%swap3A_189, %swap3A_190], %swap3A_193 {strides = array<i32>} : memref<54x128xi32, #tpu.memory_space<vmem>>, vector<1x16xi32>,
      %mul3A_194 = arith.constant 128 : i32
      %mul3A_195 = arith.muli %scan3A_127, %mul3A_194 : i32
      %add3A_196 = arith.constant 48 : i32
      %add3A_197 = arith.addi %mul3A_195, %add3A_196 : i32
      %get3A_198 = arith.index_cast %add3A_197 : i32 to index
      %get3A_199 = tpu.vector_load %arg9[%get3A_198] {strides = array<i32>} : memref<6912xf32, #tpu.memory_space<vmem>>, vector<16xf32>,
      %get3A_200 = vector.shape_cast %get3A_199 : vector<16xf32> to vector<16xf32>
      %mul3A_201 = arith.constant 128 : i32
      %mul3A_202 = arith.muli %scan3A_127, %mul3A_201 : i32
      %add3A_203 = arith.constant 48 : i32
      %add3A_204 = arith.addi %mul3A_202, %add3A_203 : i32
      %get3A_205 = arith.index_cast %add3A_204 : i32 to index
      %get3A_206 = tpu.vector_load %arg8[%get3A_205] {strides = array<i32>} : memref<6912xi32, #tpu.memory_space<vmem>>, vector<16xi32>,
      %get3A_207 = vector.shape_cast %get3A_206 : vector<16xi32> to vector<16xi32>
      %gt3A_208 = arith.constant 0.000000e+00 : f32
      %gt3A_209 = vector.broadcast %gt3A_208 : f32 to vector<16xf32>
      %gt3A_210 = arith.cmpf ogt, %get3A_200, %gt3A_209 : vector<16xf32>
      %select_n3A_211 = arith.select %gt3A_210, %get3A_207, %broadcast_in_dim3A_82 : vector<16xi1>, vector<16xi32>
      %swap3A_212 = arith.index_cast %scan3A_127 : i32 to index
      %swap3A_213 = arith.constant 48 : index
      %swap3A_214 = tpu.vector_load %arg10[%swap3A_212, %swap3A_213] {strides = array<i32>} : memref<54x128xi32, #tpu.memory_space<vmem>>, vector<1x16xi32>,
      %swap3A_215 = vector.shape_cast %swap3A_214 : vector<1x16xi32> to vector<16xi32>
      %swap3A_216 = vector.shape_cast %select_n3A_211 : vector<16xi32> to vector<1x16xi32>
      tpu.vector_store %arg10[%swap3A_212, %swap3A_213], %swap3A_216 {strides = array<i32>} : memref<54x128xi32, #tpu.memory_space<vmem>>, vector<1x16xi32>,
      %mul3A_217 = arith.constant 128 : i32
      %mul3A_218 = arith.muli %scan3A_127, %mul3A_217 : i32
      %add3A_219 = arith.constant 64 : i32
      %add3A_220 = arith.addi %mul3A_218, %add3A_219 : i32
      %get3A_221 = arith.index_cast %add3A_220 : i32 to index
      %get3A_222 = tpu.vector_load %arg9[%get3A_221] {strides = array<i32>} : memref<6912xf32, #tpu.memory_space<vmem>>, vector<16xf32>,
      %get3A_223 = vector.shape_cast %get3A_222 : vector<16xf32> to vector<16xf32>
      %mul3A_224 = arith.constant 128 : i32
      %mul3A_225 = arith.muli %scan3A_127, %mul3A_224 : i32
      %add3A_226 = arith.constant 64 : i32
      %add3A_227 = arith.addi %mul3A_225, %add3A_226 : i32
      %get3A_228 = arith.index_cast %add3A_227 : i32 to index
      %get3A_229 = tpu.vector_load %arg8[%get3A_228] {strides = array<i32>} : memref<6912xi32, #tpu.memory_space<vmem>>, vector<16xi32>,
      %get3A_230 = vector.shape_cast %get3A_229 : vector<16xi32> to vector<16xi32>
      %gt3A_231 = arith.constant 0.000000e+00 : f32
      %gt3A_232 = vector.broadcast %gt3A_231 : f32 to vector<16xf32>
      %gt3A_233 = arith.cmpf ogt, %get3A_223, %gt3A_232 : vector<16xf32>
      %select_n3A_234 = arith.select %gt3A_233, %get3A_230, %broadcast_in_dim3A_82 : vector<16xi1>, vector<16xi32>
      %swap3A_235 = arith.index_cast %scan3A_127 : i32 to index
      %swap3A_236 = arith.constant 64 : index
      %swap3A_237 = tpu.vector_load %arg10[%swap3A_235, %swap3A_236] {strides = array<i32>} : memref<54x128xi32, #tpu.memory_space<vmem>>, vector<1x16xi32>,
      %swap3A_238 = vector.shape_cast %swap3A_237 : vector<1x16xi32> to vector<16xi32>
      %swap3A_239 = vector.shape_cast %select_n3A_234 : vector<16xi32> to vector<1x16xi32>
      tpu.vector_store %arg10[%swap3A_235, %swap3A_236], %swap3A_239 {strides = array<i32>} : memref<54x128xi32, #tpu.memory_space<vmem>>, vector<1x16xi32>,
      %mul3A_240 = arith.constant 128 : i32
      %mul3A_241 = arith.muli %scan3A_127, %mul3A_240 : i32
      %add3A_242 = arith.constant 80 : i32
      %add3A_243 = arith.addi %mul3A_241, %add3A_242 : i32
      %get3A_244 = arith.index_cast %add3A_243 : i32 to index
      %get3A_245 = tpu.vector_load %arg9[%get3A_244] {strides = array<i32>} : memref<6912xf32, #tpu.memory_space<vmem>>, vector<16xf32>,
      %get3A_246 = vector.shape_cast %get3A_245 : vector<16xf32> to vector<16xf32>
      %mul3A_247 = arith.constant 128 : i32
      %mul3A_248 = arith.muli %scan3A_127, %mul3A_247 : i32
      %add3A_249 = arith.constant 80 : i32
      %add3A_250 = arith.addi %mul3A_248, %add3A_249 : i32
      %get3A_251 = arith.index_cast %add3A_250 : i32 to index
      %get3A_252 = tpu.vector_load %arg8[%get3A_251] {strides = array<i32>} : memref<6912xi32, #tpu.memory_space<vmem>>, vector<16xi32>,
      %get3A_253 = vector.shape_cast %get3A_252 : vector<16xi32> to vector<16xi32>
      %gt3A_254 = arith.constant 0.000000e+00 : f32
      %gt3A_255 = vector.broadcast %gt3A_254 : f32 to vector<16xf32>
      %gt3A_256 = arith.cmpf ogt, %get3A_246, %gt3A_255 : vector<16xf32>
      %select_n3A_257 = arith.select %gt3A_256, %get3A_253, %broadcast_in_dim3A_82 : vector<16xi1>, vector<16xi32>
      %swap3A_258 = arith.index_cast %scan3A_127 : i32 to index
      %swap3A_259 = arith.constant 80 : index
      %swap3A_260 = tpu.vector_load %arg10[%swap3A_258, %swap3A_259] {strides = array<i32>} : memref<54x128xi32, #tpu.memory_space<vmem>>, vector<1x16xi32>,
      %swap3A_261 = vector.shape_cast %swap3A_260 : vector<1x16xi32> to vector<16xi32>
      %swap3A_262 = vector.shape_cast %select_n3A_257 : vector<16xi32> to vector<1x16xi32>
      tpu.vector_store %arg10[%swap3A_258, %swap3A_259], %swap3A_262 {strides = array<i32>} : memref<54x128xi32, #tpu.memory_space<vmem>>, vector<1x16xi32>,
      %mul3A_263 = arith.constant 128 : i32
      %mul3A_264 = arith.muli %scan3A_127, %mul3A_263 : i32
      %add3A_265 = arith.constant 96 : i32
      %add3A_266 = arith.addi %mul3A_264, %add3A_265 : i32
      %get3A_267 = arith.index_cast %add3A_266 : i32 to index
      %get3A_268 = tpu.vector_load %arg9[%get3A_267] {strides = array<i32>} : memref<6912xf32, #tpu.memory_space<vmem>>, vector<16xf32>,
      %get3A_269 = vector.shape_cast %get3A_268 : vector<16xf32> to vector<16xf32>
      %mul3A_270 = arith.constant 128 : i32
      %mul3A_271 = arith.muli %scan3A_127, %mul3A_270 : i32
      %add3A_272 = arith.constant 96 : i32
      %add3A_273 = arith.addi %mul3A_271, %add3A_272 : i32
      %get3A_274 = arith.index_cast %add3A_273 : i32 to index
      %get3A_275 = tpu.vector_load %arg8[%get3A_274] {strides = array<i32>} : memref<6912xi32, #tpu.memory_space<vmem>>, vector<16xi32>,
      %get3A_276 = vector.shape_cast %get3A_275 : vector<16xi32> to vector<16xi32>
      %gt3A_277 = arith.constant 0.000000e+00 : f32
      %gt3A_278 = vector.broadcast %gt3A_277 : f32 to vector<16xf32>
      %gt3A_279 = arith.cmpf ogt, %get3A_269, %gt3A_278 : vector<16xf32>
      %select_n3A_280 = arith.select %gt3A_279, %get3A_276, %broadcast_in_dim3A_82 : vector<16xi1>, vector<16xi32>
      %swap3A_281 = arith.index_cast %scan3A_127 : i32 to index
      %swap3A_282 = arith.constant 96 : index
      %swap3A_283 = tpu.vector_load %arg10[%swap3A_281, %swap3A_282] {strides = array<i32>} : memref<54x128xi32, #tpu.memory_space<vmem>>, vector<1x16xi32>,
      %swap3A_284 = vector.shape_cast %swap3A_283 : vector<1x16xi32> to vector<16xi32>
      %swap3A_285 = vector.shape_cast %select_n3A_280 : vector<16xi32> to vector<1x16xi32>
      tpu.vector_store %arg10[%swap3A_281, %swap3A_282], %swap3A_285 {strides = array<i32>} : memref<54x128xi32, #tpu.memory_space<vmem>>, vector<1x16xi32>,
      %mul3A_286 = arith.constant 128 : i32
      %mul3A_287 = arith.muli %scan3A_127, %mul3A_286 : i32
      %add3A_288 = arith.constant 112 : i32
      %add3A_289 = arith.addi %mul3A_287, %add3A_288 : i32
      %get3A_290 = arith.index_cast %add3A_289 : i32 to index
      %get3A_291 = tpu.vector_load %arg9[%get3A_290] {strides = array<i32>} : memref<6912xf32, #tpu.memory_space<vmem>>, vector<16xf32>,
      %get3A_292 = vector.shape_cast %get3A_291 : vector<16xf32> to vector<16xf32>
      %mul3A_293 = arith.constant 128 : i32
      %mul3A_294 = arith.muli %scan3A_127, %mul3A_293 : i32
      %add3A_295 = arith.constant 112 : i32
      %add3A_296 = arith.addi %mul3A_294, %add3A_295 : i32
      %get3A_297 = arith.index_cast %add3A_296 : i32 to index
      %get3A_298 = tpu.vector_load %arg8[%get3A_297] {strides = array<i32>} : memref<6912xi32, #tpu.memory_space<vmem>>, vector<16xi32>,
      %get3A_299 = vector.shape_cast %get3A_298 : vector<16xi32> to vector<16xi32>
      %gt3A_300 = arith.constant 0.000000e+00 : f32
      %gt3A_301 = vector.broadcast %gt3A_300 : f32 to vector<16xf32>
      %gt3A_302 = arith.cmpf ogt, %get3A_292, %gt3A_301 : vector<16xf32>
      %select_n3A_303 = arith.select %gt3A_302, %get3A_299, %broadcast_in_dim3A_82 : vector<16xi1>, vector<16xi32>
      %swap3A_304 = arith.index_cast %scan3A_127 : i32 to index
      %swap3A_305 = arith.constant 112 : index
      %swap3A_306 = tpu.vector_load %arg10[%swap3A_304, %swap3A_305] {strides = array<i32>} : memref<54x128xi32, #tpu.memory_space<vmem>>, vector<1x16xi32>,
      %swap3A_307 = vector.shape_cast %swap3A_306 : vector<1x16xi32> to vector<16xi32>
      %swap3A_308 = vector.shape_cast %select_n3A_303 : vector<16xi32> to vector<1x16xi32>
      tpu.vector_store %arg10[%swap3A_304, %swap3A_305], %swap3A_308 {strides = array<i32>} : memref<54x128xi32, #tpu.memory_space<vmem>>, vector<1x16xi32>,
    }
    %scan3A_112 = arith.constant 54 : i32
    %scan3A_113 = arith.constant 0 : i32
    %scan3A_114 = arith.constant 0 : i32
    %scan3A_115 = arith.constant 6 : i32
    %scan3A_116 = arith.addi %scan3A_114, %scan3A_115 : i32
    %scan3A_117 = arith.constant 1 : i32
    scf.for %scan3A_127 = %scan3A_114 to %scan3A_116 step %scan3A_117  : i32 {
      %mul3A_128 = arith.constant 9 : i32
      %mul3A_129 = arith.muli %scan3A_127, %mul3A_128 : i32
      %add3A_130 = arith.constant 0 : i32
      %add3A_131 = arith.addi %mul3A_129, %add3A_130 : i32
      %dma_start3A = arith.constant 0 : i32
      %dma_start3A_132 = tpu.memref_slice %arg10[%add3A_131, %dma_start3A] : memref<54x128xi32, #tpu.memory_space<vmem>> -> memref<1x128xi32, #tpu.memory_space<vmem>>
      %dma_start3A_133 = tpu.memref_squeeze %dma_start3A_132 : memref<1x128xi32, #tpu.memory_space<vmem>> -> memref<128xi32, #tpu.memory_space<vmem>>
      %dma_start3A_134 = arith.constant 0 : i32
      %dma_start3A_135 = tpu.memref_slice %arg15[%dma_start3A_134] : memref<110720xf32, #tpu.memory_space<vmem_shared>> -> memref<110720xf32, #tpu.memory_space<vmem_shared>>
      tpu.enqueue_indirect_dma source(%arg11 : memref<128xf32, #tpu.memory_space<vmem>>) target(%dma_start3A_135 : memref<110720xf32, #tpu.memory_space<vmem_shared>>) offsets(%dma_start3A_133 : memref<128xi32, #tpu.memory_space<vmem>>) semaphore(%arg13 : memref<!tpu.dma_semaphore, #tpu.memory_space<semaphore_mem>>) {add = true}
      %mul3A_136 = arith.constant 9 : i32
      %mul3A_137 = arith.muli %scan3A_127, %mul3A_136 : i32
      %add3A_138 = arith.constant 1 : i32
      %add3A_139 = arith.addi %mul3A_137, %add3A_138 : i32
      %dma_start3A_140 = arith.constant 0 : i32
      %dma_start3A_141 = tpu.memref_slice %arg10[%add3A_139, %dma_start3A_140] : memref<54x128xi32, #tpu.memory_space<vmem>> -> memref<1x128xi32, #tpu.memory_space<vmem>>
      %dma_start3A_142 = tpu.memref_squeeze %dma_start3A_141 : memref<1x128xi32, #tpu.memory_space<vmem>> -> memref<128xi32, #tpu.memory_space<vmem>>
      %dma_start3A_143 = arith.constant 0 : i32
      %dma_start3A_144 = tpu.memref_slice %arg15[%dma_start3A_143] : memref<110720xf32, #tpu.memory_space<vmem_shared>> -> memref<110720xf32, #tpu.memory_space<vmem_shared>>
      tpu.enqueue_indirect_dma source(%arg11 : memref<128xf32, #tpu.memory_space<vmem>>) target(%dma_start3A_144 : memref<110720xf32, #tpu.memory_space<vmem_shared>>) offsets(%dma_start3A_142 : memref<128xi32, #tpu.memory_space<vmem>>) semaphore(%arg13 : memref<!tpu.dma_semaphore, #tpu.memory_space<semaphore_mem>>) {add = true}
      %mul3A_145 = arith.constant 9 : i32
      %mul3A_146 = arith.muli %scan3A_127, %mul3A_145 : i32
      %add3A_147 = arith.constant 2 : i32
      %add3A_148 = arith.addi %mul3A_146, %add3A_147 : i32
      %dma_start3A_149 = arith.constant 0 : i32
      %dma_start3A_150 = tpu.memref_slice %arg10[%add3A_148, %dma_start3A_149] : memref<54x128xi32, #tpu.memory_space<vmem>> -> memref<1x128xi32, #tpu.memory_space<vmem>>
      %dma_start3A_151 = tpu.memref_squeeze %dma_start3A_150 : memref<1x128xi32, #tpu.memory_space<vmem>> -> memref<128xi32, #tpu.memory_space<vmem>>
      %dma_start3A_152 = arith.constant 0 : i32
      %dma_start3A_153 = tpu.memref_slice %arg15[%dma_start3A_152] : memref<110720xf32, #tpu.memory_space<vmem_shared>> -> memref<110720xf32, #tpu.memory_space<vmem_shared>>
      tpu.enqueue_indirect_dma source(%arg11 : memref<128xf32, #tpu.memory_space<vmem>>) target(%dma_start3A_153 : memref<110720xf32, #tpu.memory_space<vmem_shared>>) offsets(%dma_start3A_151 : memref<128xi32, #tpu.memory_space<vmem>>) semaphore(%arg13 : memref<!tpu.dma_semaphore, #tpu.memory_space<semaphore_mem>>) {add = true}
      %mul3A_154 = arith.constant 9 : i32
      %mul3A_155 = arith.muli %scan3A_127, %mul3A_154 : i32
      %add3A_156 = arith.constant 3 : i32
      %add3A_157 = arith.addi %mul3A_155, %add3A_156 : i32
      %dma_start3A_158 = arith.constant 0 : i32
      %dma_start3A_159 = tpu.memref_slice %arg10[%add3A_157, %dma_start3A_158] : memref<54x128xi32, #tpu.memory_space<vmem>> -> memref<1x128xi32, #tpu.memory_space<vmem>>
      %dma_start3A_160 = tpu.memref_squeeze %dma_start3A_159 : memref<1x128xi32, #tpu.memory_space<vmem>> -> memref<128xi32, #tpu.memory_space<vmem>>
      %dma_start3A_161 = arith.constant 0 : i32
      %dma_start3A_162 = tpu.memref_slice %arg15[%dma_start3A_161] : memref<110720xf32, #tpu.memory_space<vmem_shared>> -> memref<110720xf32, #tpu.memory_space<vmem_shared>>
      tpu.enqueue_indirect_dma source(%arg11 : memref<128xf32, #tpu.memory_space<vmem>>) target(%dma_start3A_162 : memref<110720xf32, #tpu.memory_space<vmem_shared>>) offsets(%dma_start3A_160 : memref<128xi32, #tpu.memory_space<vmem>>) semaphore(%arg13 : memref<!tpu.dma_semaphore, #tpu.memory_space<semaphore_mem>>) {add = true}
      %mul3A_163 = arith.constant 9 : i32
      %mul3A_164 = arith.muli %scan3A_127, %mul3A_163 : i32
      %add3A_165 = arith.constant 4 : i32
      %add3A_166 = arith.addi %mul3A_164, %add3A_165 : i32
      %dma_start3A_167 = arith.constant 0 : i32
      %dma_start3A_168 = tpu.memref_slice %arg10[%add3A_166, %dma_start3A_167] : memref<54x128xi32, #tpu.memory_space<vmem>> -> memref<1x128xi32, #tpu.memory_space<vmem>>
      %dma_start3A_169 = tpu.memref_squeeze %dma_start3A_168 : memref<1x128xi32, #tpu.memory_space<vmem>> -> memref<128xi32, #tpu.memory_space<vmem>>
      %dma_start3A_170 = arith.constant 0 : i32
      %dma_start3A_171 = tpu.memref_slice %arg15[%dma_start3A_170] : memref<110720xf32, #tpu.memory_space<vmem_shared>> -> memref<110720xf32, #tpu.memory_space<vmem_shared>>
      tpu.enqueue_indirect_dma source(%arg11 : memref<128xf32, #tpu.memory_space<vmem>>) target(%dma_start3A_171 : memref<110720xf32, #tpu.memory_space<vmem_shared>>) offsets(%dma_start3A_169 : memref<128xi32, #tpu.memory_space<vmem>>) semaphore(%arg13 : memref<!tpu.dma_semaphore, #tpu.memory_space<semaphore_mem>>) {add = true}
      %mul3A_172 = arith.constant 9 : i32
      %mul3A_173 = arith.muli %scan3A_127, %mul3A_172 : i32
      %add3A_174 = arith.constant 5 : i32
      %add3A_175 = arith.addi %mul3A_173, %add3A_174 : i32
      %dma_start3A_176 = arith.constant 0 : i32
      %dma_start3A_177 = tpu.memref_slice %arg10[%add3A_175, %dma_start3A_176] : memref<54x128xi32, #tpu.memory_space<vmem>> -> memref<1x128xi32, #tpu.memory_space<vmem>>
      %dma_start3A_178 = tpu.memref_squeeze %dma_start3A_177 : memref<1x128xi32, #tpu.memory_space<vmem>> -> memref<128xi32, #tpu.memory_space<vmem>>
      %dma_start3A_179 = arith.constant 0 : i32
      %dma_start3A_180 = tpu.memref_slice %arg15[%dma_start3A_179] : memref<110720xf32, #tpu.memory_space<vmem_shared>> -> memref<110720xf32, #tpu.memory_space<vmem_shared>>
      tpu.enqueue_indirect_dma source(%arg11 : memref<128xf32, #tpu.memory_space<vmem>>) target(%dma_start3A_180 : memref<110720xf32, #tpu.memory_space<vmem_shared>>) offsets(%dma_start3A_178 : memref<128xi32, #tpu.memory_space<vmem>>) semaphore(%arg13 : memref<!tpu.dma_semaphore, #tpu.memory_space<semaphore_mem>>) {add = true}
      %mul3A_181 = arith.constant 9 : i32
      %mul3A_182 = arith.muli %scan3A_127, %mul3A_181 : i32
      %add3A_183 = arith.constant 6 : i32
      %add3A_184 = arith.addi %mul3A_182, %add3A_183 : i32
      %dma_start3A_185 = arith.constant 0 : i32
      %dma_start3A_186 = tpu.memref_slice %arg10[%add3A_184, %dma_start3A_185] : memref<54x128xi32, #tpu.memory_space<vmem>> -> memref<1x128xi32, #tpu.memory_space<vmem>>
      %dma_start3A_187 = tpu.memref_squeeze %dma_start3A_186 : memref<1x128xi32, #tpu.memory_space<vmem>> -> memref<128xi32, #tpu.memory_space<vmem>>
      %dma_start3A_188 = arith.constant 0 : i32
      %dma_start3A_189 = tpu.memref_slice %arg15[%dma_start3A_188] : memref<110720xf32, #tpu.memory_space<vmem_shared>> -> memref<110720xf32, #tpu.memory_space<vmem_shared>>
      tpu.enqueue_indirect_dma source(%arg11 : memref<128xf32, #tpu.memory_space<vmem>>) target(%dma_start3A_189 : memref<110720xf32, #tpu.memory_space<vmem_shared>>) offsets(%dma_start3A_187 : memref<128xi32, #tpu.memory_space<vmem>>) semaphore(%arg13 : memref<!tpu.dma_semaphore, #tpu.memory_space<semaphore_mem>>) {add = true}
      %mul3A_190 = arith.constant 9 : i32
      %mul3A_191 = arith.muli %scan3A_127, %mul3A_190 : i32
      %add3A_192 = arith.constant 7 : i32
      %add3A_193 = arith.addi %mul3A_191, %add3A_192 : i32
      %dma_start3A_194 = arith.constant 0 : i32
      %dma_start3A_195 = tpu.memref_slice %arg10[%add3A_193, %dma_start3A_194] : memref<54x128xi32, #tpu.memory_space<vmem>> -> memref<1x128xi32, #tpu.memory_space<vmem>>
      %dma_start3A_196 = tpu.memref_squeeze %dma_start3A_195 : memref<1x128xi32, #tpu.memory_space<vmem>> -> memref<128xi32, #tpu.memory_space<vmem>>
      %dma_start3A_197 = arith.constant 0 : i32
      %dma_start3A_198 = tpu.memref_slice %arg15[%dma_start3A_197] : memref<110720xf32, #tpu.memory_space<vmem_shared>> -> memref<110720xf32, #tpu.memory_space<vmem_shared>>
      tpu.enqueue_indirect_dma source(%arg11 : memref<128xf32, #tpu.memory_space<vmem>>) target(%dma_start3A_198 : memref<110720xf32, #tpu.memory_space<vmem_shared>>) offsets(%dma_start3A_196 : memref<128xi32, #tpu.memory_space<vmem>>) semaphore(%arg13 : memref<!tpu.dma_semaphore, #tpu.memory_space<semaphore_mem>>) {add = true}
      %mul3A_199 = arith.constant 9 : i32
      %mul3A_200 = arith.muli %scan3A_127, %mul3A_199 : i32
      %add3A_201 = arith.constant 8 : i32
      %add3A_202 = arith.addi %mul3A_200, %add3A_201 : i32
      %dma_start3A_203 = arith.constant 0 : i32
      %dma_start3A_204 = tpu.memref_slice %arg10[%add3A_202, %dma_start3A_203] : memref<54x128xi32, #tpu.memory_space<vmem>> -> memref<1x128xi32, #tpu.memory_space<vmem>>
      %dma_start3A_205 = tpu.memref_squeeze %dma_start3A_204 : memref<1x128xi32, #tpu.memory_space<vmem>> -> memref<128xi32, #tpu.memory_space<vmem>>
      %dma_start3A_206 = arith.constant 0 : i32
      %dma_start3A_207 = tpu.memref_slice %arg15[%dma_start3A_206] : memref<110720xf32, #tpu.memory_space<vmem_shared>> -> memref<110720xf32, #tpu.memory_space<vmem_shared>>
      tpu.enqueue_indirect_dma source(%arg11 : memref<128xf32, #tpu.memory_space<vmem>>) target(%dma_start3A_207 : memref<110720xf32, #tpu.memory_space<vmem_shared>>) offsets(%dma_start3A_205 : memref<128xi32, #tpu.memory_space<vmem>>) semaphore(%arg13 : memref<!tpu.dma_semaphore, #tpu.memory_space<semaphore_mem>>) {add = true}
      %dma_wait3A = arith.constant 0 : i32
      %dma_wait3A_208 = tpu.memref_slice %arg10[%add3A_131, %dma_wait3A] : memref<54x128xi32, #tpu.memory_space<vmem>> -> memref<1x128xi32, #tpu.memory_space<vmem>>
      %dma_wait3A_209 = tpu.memref_squeeze %dma_wait3A_208 : memref<1x128xi32, #tpu.memory_space<vmem>> -> memref<128xi32, #tpu.memory_space<vmem>>
      %dma_wait3A_210 = arith.constant 0 : i32
      %dma_wait3A_211 = tpu.memref_slice %arg15[%dma_wait3A_210] : memref<110720xf32, #tpu.memory_space<vmem_shared>> -> memref<110720xf32, #tpu.memory_space<vmem_shared>>
      tpu.wait_indirect_dma semaphore(%arg13 : memref<!tpu.dma_semaphore, #tpu.memory_space<semaphore_mem>>) src(%arg11 : memref<128xf32, #tpu.memory_space<vmem>>) dst(%dma_wait3A_211 : memref<110720xf32, #tpu.memory_space<vmem_shared>>)
      %dma_wait3A_212 = arith.constant 0 : i32
      %dma_wait3A_213 = tpu.memref_slice %arg10[%add3A_139, %dma_wait3A_212] : memref<54x128xi32, #tpu.memory_space<vmem>> -> memref<1x128xi32, #tpu.memory_space<vmem>>
      %dma_wait3A_214 = tpu.memref_squeeze %dma_wait3A_213 : memref<1x128xi32, #tpu.memory_space<vmem>> -> memref<128xi32, #tpu.memory_space<vmem>>
      %dma_wait3A_215 = arith.constant 0 : i32
      %dma_wait3A_216 = tpu.memref_slice %arg15[%dma_wait3A_215] : memref<110720xf32, #tpu.memory_space<vmem_shared>> -> memref<110720xf32, #tpu.memory_space<vmem_shared>>
      tpu.wait_indirect_dma semaphore(%arg13 : memref<!tpu.dma_semaphore, #tpu.memory_space<semaphore_mem>>) src(%arg11 : memref<128xf32, #tpu.memory_space<vmem>>) dst(%dma_wait3A_216 : memref<110720xf32, #tpu.memory_space<vmem_shared>>)
      %dma_wait3A_217 = arith.constant 0 : i32
      %dma_wait3A_218 = tpu.memref_slice %arg10[%add3A_148, %dma_wait3A_217] : memref<54x128xi32, #tpu.memory_space<vmem>> -> memref<1x128xi32, #tpu.memory_space<vmem>>
      %dma_wait3A_219 = tpu.memref_squeeze %dma_wait3A_218 : memref<1x128xi32, #tpu.memory_space<vmem>> -> memref<128xi32, #tpu.memory_space<vmem>>
      %dma_wait3A_220 = arith.constant 0 : i32
      %dma_wait3A_221 = tpu.memref_slice %arg15[%dma_wait3A_220] : memref<110720xf32, #tpu.memory_space<vmem_shared>> -> memref<110720xf32, #tpu.memory_space<vmem_shared>>
      tpu.wait_indirect_dma semaphore(%arg13 : memref<!tpu.dma_semaphore, #tpu.memory_space<semaphore_mem>>) src(%arg11 : memref<128xf32, #tpu.memory_space<vmem>>) dst(%dma_wait3A_221 : memref<110720xf32, #tpu.memory_space<vmem_shared>>)
      %dma_wait3A_222 = arith.constant 0 : i32
      %dma_wait3A_223 = tpu.memref_slice %arg10[%add3A_157, %dma_wait3A_222] : memref<54x128xi32, #tpu.memory_space<vmem>> -> memref<1x128xi32, #tpu.memory_space<vmem>>
      %dma_wait3A_224 = tpu.memref_squeeze %dma_wait3A_223 : memref<1x128xi32, #tpu.memory_space<vmem>> -> memref<128xi32, #tpu.memory_space<vmem>>
      %dma_wait3A_225 = arith.constant 0 : i32
      %dma_wait3A_226 = tpu.memref_slice %arg15[%dma_wait3A_225] : memref<110720xf32, #tpu.memory_space<vmem_shared>> -> memref<110720xf32, #tpu.memory_space<vmem_shared>>
      tpu.wait_indirect_dma semaphore(%arg13 : memref<!tpu.dma_semaphore, #tpu.memory_space<semaphore_mem>>) src(%arg11 : memref<128xf32, #tpu.memory_space<vmem>>) dst(%dma_wait3A_226 : memref<110720xf32, #tpu.memory_space<vmem_shared>>)
      %dma_wait3A_227 = arith.constant 0 : i32
      %dma_wait3A_228 = tpu.memref_slice %arg10[%add3A_166, %dma_wait3A_227] : memref<54x128xi32, #tpu.memory_space<vmem>> -> memref<1x128xi32, #tpu.memory_space<vmem>>
      %dma_wait3A_229 = tpu.memref_squeeze %dma_wait3A_228 : memref<1x128xi32, #tpu.memory_space<vmem>> -> memref<128xi32, #tpu.memory_space<vmem>>
      %dma_wait3A_230 = arith.constant 0 : i32
      %dma_wait3A_231 = tpu.memref_slice %arg15[%dma_wait3A_230] : memref<110720xf32, #tpu.memory_space<vmem_shared>> -> memref<110720xf32, #tpu.memory_space<vmem_shared>>
      tpu.wait_indirect_dma semaphore(%arg13 : memref<!tpu.dma_semaphore, #tpu.memory_space<semaphore_mem>>) src(%arg11 : memref<128xf32, #tpu.memory_space<vmem>>) dst(%dma_wait3A_231 : memref<110720xf32, #tpu.memory_space<vmem_shared>>)
      %dma_wait3A_232 = arith.constant 0 : i32
      %dma_wait3A_233 = tpu.memref_slice %arg10[%add3A_175, %dma_wait3A_232] : memref<54x128xi32, #tpu.memory_space<vmem>> -> memref<1x128xi32, #tpu.memory_space<vmem>>
      %dma_wait3A_234 = tpu.memref_squeeze %dma_wait3A_233 : memref<1x128xi32, #tpu.memory_space<vmem>> -> memref<128xi32, #tpu.memory_space<vmem>>
      %dma_wait3A_235 = arith.constant 0 : i32
      %dma_wait3A_236 = tpu.memref_slice %arg15[%dma_wait3A_235] : memref<110720xf32, #tpu.memory_space<vmem_shared>> -> memref<110720xf32, #tpu.memory_space<vmem_shared>>
      tpu.wait_indirect_dma semaphore(%arg13 : memref<!tpu.dma_semaphore, #tpu.memory_space<semaphore_mem>>) src(%arg11 : memref<128xf32, #tpu.memory_space<vmem>>) dst(%dma_wait3A_236 : memref<110720xf32, #tpu.memory_space<vmem_shared>>)
      %dma_wait3A_237 = arith.constant 0 : i32
      %dma_wait3A_238 = tpu.memref_slice %arg10[%add3A_184, %dma_wait3A_237] : memref<54x128xi32, #tpu.memory_space<vmem>> -> memref<1x128xi32, #tpu.memory_space<vmem>>
      %dma_wait3A_239 = tpu.memref_squeeze %dma_wait3A_238 : memref<1x128xi32, #tpu.memory_space<vmem>> -> memref<128xi32, #tpu.memory_space<vmem>>
      %dma_wait3A_240 = arith.constant 0 : i32
      %dma_wait3A_241 = tpu.memref_slice %arg15[%dma_wait3A_240] : memref<110720xf32, #tpu.memory_space<vmem_shared>> -> memref<110720xf32, #tpu.memory_space<vmem_shared>>
      tpu.wait_indirect_dma semaphore(%arg13 : memref<!tpu.dma_semaphore, #tpu.memory_space<semaphore_mem>>) src(%arg11 : memref<128xf32, #tpu.memory_space<vmem>>) dst(%dma_wait3A_241 : memref<110720xf32, #tpu.memory_space<vmem_shared>>)
      %dma_wait3A_242 = arith.constant 0 : i32
      %dma_wait3A_243 = tpu.memref_slice %arg10[%add3A_193, %dma_wait3A_242] : memref<54x128xi32, #tpu.memory_space<vmem>> -> memref<1x128xi32, #tpu.memory_space<vmem>>
      %dma_wait3A_244 = tpu.memref_squeeze %dma_wait3A_243 : memref<1x128xi32, #tpu.memory_space<vmem>> -> memref<128xi32, #tpu.memory_space<vmem>>
      %dma_wait3A_245 = arith.constant 0 : i32
      %dma_wait3A_246 = tpu.memref_slice %arg15[%dma_wait3A_245] : memref<110720xf32, #tpu.memory_space<vmem_shared>> -> memref<110720xf32, #tpu.memory_space<vmem_shared>>
      tpu.wait_indirect_dma semaphore(%arg13 : memref<!tpu.dma_semaphore, #tpu.memory_space<semaphore_mem>>) src(%arg11 : memref<128xf32, #tpu.memory_space<vmem>>) dst(%dma_wait3A_246 : memref<110720xf32, #tpu.memory_space<vmem_shared>>)
      %dma_wait3A_247 = arith.constant 0 : i32
      %dma_wait3A_248 = tpu.memref_slice %arg10[%add3A_202, %dma_wait3A_247] : memref<54x128xi32, #tpu.memory_space<vmem>> -> memref<1x128xi32, #tpu.memory_space<vmem>>
      %dma_wait3A_249 = tpu.memref_squeeze %dma_wait3A_248 : memref<1x128xi32, #tpu.memory_space<vmem>> -> memref<128xi32, #tpu.memory_space<vmem>>
      %dma_wait3A_250 = arith.constant 0 : i32
      %dma_wait3A_251 = tpu.memref_slice %arg15[%dma_wait3A_250] : memref<110720xf32, #tpu.memory_space<vmem_shared>> -> memref<110720xf32, #tpu.memory_space<vmem_shared>>
      tpu.wait_indirect_dma semaphore(%arg13 : memref<!tpu.dma_semaphore, #tpu.memory_space<semaphore_mem>>) src(%arg11 : memref<128xf32, #tpu.memory_space<vmem>>) dst(%dma_wait3A_251 : memref<110720xf32, #tpu.memory_space<vmem_shared>>)
    }
    %scan3A_118 = arith.constant 6 : i32
    %barrier3A_119 = arith.constant 0 : index
    tpu.barrier barrier_id(%barrier3A_119)
    %mul3A_120 = arith.constant 6912 : i32
    %mul3A_121 = arith.muli %arg1, %mul3A_120 : i32
    %mul3A_122 = arith.constant 110592 : i32
    %mul3A_123 = arith.muli %arg0, %mul3A_122 : i32
    %mul3A_124 = arith.constant 6912 : i32
    %mul3A_125 = arith.muli %arg1, %mul3A_124 : i32
    %add3A_126 = arith.addi %mul3A_123, %mul3A_125 : i32
    "tpu.region"() ({
      %run_scoped3A = tpu.sem_alloc : memref<!tpu.dma_semaphore, #tpu.memory_space<semaphore_mem>>
      %dma_start3A = tpu.memref_slice %arg6[%add3A_126] : memref<221184xf32, #tpu.memory_space<hbm>> -> memref<6912xf32, #tpu.memory_space<hbm>>
      %dma_start3A_127 = tpu.memref_slice %arg15[%mul3A_121] : memref<110720xf32, #tpu.memory_space<vmem_shared>> -> memref<6912xf32, #tpu.memory_space<vmem_shared>>
      tpu.enqueue_dma source(%dma_start3A_127 : memref<6912xf32, #tpu.memory_space<vmem_shared>>) target(%dma_start3A : memref<6912xf32, #tpu.memory_space<hbm>>) target_semaphore(%run_scoped3A : memref<!tpu.dma_semaphore, #tpu.memory_space<semaphore_mem>>)
      %dma_wait3A = tpu.memref_slice %arg6[%add3A_126] : memref<221184xf32, #tpu.memory_space<hbm>> -> memref<6912xf32, #tpu.memory_space<hbm>>
      %dma_wait3A_128 = tpu.memref_slice %arg15[%mul3A_121] : memref<110720xf32, #tpu.memory_space<vmem_shared>> -> memref<6912xf32, #tpu.memory_space<vmem_shared>>
      tpu.wait_dma2 semaphore(%run_scoped3A : memref<!tpu.dma_semaphore, #tpu.memory_space<semaphore_mem>>) src(%dma_wait3A_128 : memref<6912xf32, #tpu.memory_space<vmem_shared>>) dst(%dma_wait3A : memref<6912xf32, #tpu.memory_space<hbm>>)
      tpu.yield
    }) : () -> ()
    return
  }
}

module attributes {stable_mosaic.version = 14 : i64} {
  func.func @_tc_body(%arg0: i32, %arg1: i32, %arg2: memref<1x1024x4xf32, #tpu.memory_space<vmem>>, %arg3: memref<1x1x1024xf32, #tpu.memory_space<vmem>>, %arg4: memref<1x1x1xf32, #tpu.memory_space<smem>>, %arg5: memref<1x4x6912xf32, #tpu.memory_space<vmem>>, %arg6: memref<1x1x6912xf32, #tpu.memory_space<vmem>>, %arg7: memref<1x1x1xf32, #tpu.memory_space<smem>>, %arg8: memref<1024x1xf32, #tpu.memory_space<vmem>>) attributes {dimension_semantics = [#tpu.dimension_semantics<arbitrary>, #tpu.dimension_semantics<arbitrary>], iteration_bounds = array<i64: 16, 1>, scalar_prefetch = 0 : i64, scratch_operands = 1 : i64, tpu.core_type = #tpu.core_type<tc>, window_params = [{transform_indices = @transform_0, window_bounds = array<i64: 1, 1024, 4>}, {transform_indices = @transform_1, window_bounds = array<i64: 1, 1, 1024>}, {transform_indices = @transform_2, window_bounds = array<i64: 1, 1, 1>}, {transform_indices = @transform_3, window_bounds = array<i64: 1, 4, 6912>}, {transform_indices = @transform_4, window_bounds = array<i64: 1, 1, 6912>}, {transform_indices = @transform_5, window_bounds = array<i64: 1, 1, 1>}]} {
    %get3A = arith.constant 0 : index
    %get3A_0 = arith.constant 0 : index
    %get3A_1 = arith.constant 0 : index
    %get3A_2 = vector.load %arg2[%get3A, %get3A_0, %get3A_1] : memref<1x1024x4xf32, #tpu.memory_space<vmem>>, vector<1x1024x4xf32>
    %get3A_3 = vector.shape_cast %get3A_2 : vector<1x1024x4xf32> to vector<1024x4xf32>
    %get3A_4 = arith.constant 0 : index
    %get3A_5 = arith.constant 0 : index
    %get3A_6 = arith.constant 0 : index
    %get3A_7 = vector.load %arg5[%get3A_4, %get3A_5, %get3A_6] : memref<1x4x6912xf32, #tpu.memory_space<vmem>>, vector<1x4x6912xf32>
    %get3A_8 = vector.shape_cast %get3A_7 : vector<1x4x6912xf32> to vector<4x6912xf32>
    %dot_general3A = arith.constant dense<0.000000e+00> : vector<1024x6912xf32>
    %dot_general3A_9 = tpu.matmul %get3A_3, %get3A_8, %dot_general3A {dimension_numbers = #tpu.dot_dimension_numbers<[1], [0], [0], [1], [0, 0, 1, 1], [], []>, transpose_lhs_hint = false} : vector<1024x4xf32>, vector<4x6912xf32>, vector<1024x6912xf32> -> vector<1024x6912xf32>
    %get3A_10 = arith.constant 0 : index
    %get3A_11 = arith.constant 0 : index
    %get3A_12 = arith.constant 0 : index
    %get3A_13 = vector.load %arg6[%get3A_10, %get3A_11, %get3A_12] : memref<1x1x6912xf32, #tpu.memory_space<vmem>>, vector<1x1x6912xf32>
    %get3A_14 = vector.shape_cast %get3A_13 : vector<1x1x6912xf32> to vector<1x6912xf32>
    %add3A = vector.broadcast %get3A_14 : vector<1x6912xf32> to vector<1024x6912xf32>
    %add3A_15 = arith.addf %dot_general3A_9, %add3A : vector<1024x6912xf32>
    %reduce_min3A = arith.constant dense<0x7F800000> : vector<1024xf32>
    %reduce_min3A_16 = vector.multi_reduction <minimumf>, %add3A_15, %reduce_min3A [1] : vector<1024x6912xf32> to vector<1024xf32>
    %broadcast_in_dim3A = vector.shape_cast %reduce_min3A_16 : vector<1024xf32> to vector<1024x1xf32>
    %eq3A = arith.constant 0 : i32
    %eq3A_17 = arith.cmpi eq, %arg1, %eq3A : i32
    %convert_element_type3A = arith.extui %eq3A_17 : i1 to i32
    %cond3A = arith.constant 0 : i32
    %cond3A_18 = arith.cmpi ne, %convert_element_type3A, %cond3A : i32
    scf.if %cond3A_18 {
      %swap3A = arith.constant 0 : index
      %swap3A_28 = arith.constant 0 : index
      %swap3A_29 = vector.load %arg8[%swap3A, %swap3A_28] : memref<1024x1xf32, #tpu.memory_space<vmem>>, vector<1024x1xf32>
      tpu.vector_store %arg8[%swap3A, %swap3A_28], %broadcast_in_dim3A {strides = array<i32>} : memref<1024x1xf32, #tpu.memory_space<vmem>>, vector<1024x1xf32>,
    } else {
    }
    %gt3A = arith.constant 0 : i32
    %gt3A_19 = arith.cmpi sgt, %arg1, %gt3A : i32
    %convert_element_type3A_20 = arith.extui %gt3A_19 : i1 to i32
    %cond3A_21 = arith.constant 0 : i32
    %cond3A_22 = arith.cmpi ne, %convert_element_type3A_20, %cond3A_21 : i32
    scf.if %cond3A_22 {
      %get3A_28 = arith.constant 0 : index
      %get3A_29 = arith.constant 0 : index
      %get3A_30 = vector.load %arg8[%get3A_28, %get3A_29] : memref<1024x1xf32, #tpu.memory_space<vmem>>, vector<1024x1xf32>
      %min3A = arith.minimumf %get3A_30, %broadcast_in_dim3A : vector<1024x1xf32>
      %swap3A = arith.constant 0 : index
      %swap3A_31 = arith.constant 0 : index
      %swap3A_32 = vector.load %arg8[%swap3A, %swap3A_31] : memref<1024x1xf32, #tpu.memory_space<vmem>>, vector<1024x1xf32>
      tpu.vector_store %arg8[%swap3A, %swap3A_31], %min3A {strides = array<i32>} : memref<1024x1xf32, #tpu.memory_space<vmem>>, vector<1024x1xf32>,
    } else {
    }
    %eq3A_23 = arith.constant 0 : i32
    %eq3A_24 = arith.cmpi eq, %arg1, %eq3A_23 : i32
    %convert_element_type3A_25 = arith.extui %eq3A_24 : i1 to i32
    %cond3A_26 = arith.constant 0 : i32
    %cond3A_27 = arith.cmpi ne, %convert_element_type3A_25, %cond3A_26 : i32
    scf.if %cond3A_27 {
      %mul3A = arith.mulf %get3A_3, %get3A_3 : vector<1024x4xf32>
      %reduce_sum3A = arith.constant dense<0.000000e+00> : vector<1024xf32>
      %reduce_sum3A_28 = vector.multi_reduction <add>, %mul3A, %reduce_sum3A [1] : vector<1024x4xf32> to vector<1024xf32>
      %get3A_29 = arith.constant 0 : index
      %get3A_30 = arith.constant 0 : index
      %get3A_31 = arith.constant 0 : index
      %get3A_32 = memref.load %arg4[%get3A_29, %get3A_30, %get3A_31] : memref<1x1x1xf32, #tpu.memory_space<smem>>
      %get3A_33 = arith.constant 0 : index
      %get3A_34 = arith.constant 0 : index
      %get3A_35 = vector.load %arg8[%get3A_33, %get3A_34] : memref<1024x1xf32, #tpu.memory_space<vmem>>, vector<1024x1xf32>
      %squeeze3A = vector.shape_cast %get3A_35 : vector<1024x1xf32> to vector<1024xf32>
      %add3A_36 = arith.addf %squeeze3A, %reduce_sum3A_28 : vector<1024xf32>
      %min3A = vector.broadcast %get3A_32 : f32 to vector<1024xf32>
      %min3A_37 = arith.minimumf %add3A_36, %min3A : vector<1024xf32>
      %max3A = arith.constant 0.000000e+00 : f32
      %max3A_38 = vector.broadcast %max3A : f32 to vector<1024xf32>
      %max3A_39 = arith.maximumf %min3A_37, %max3A_38 : vector<1024xf32>
      %get3A_40 = arith.constant 0 : index
      %get3A_41 = arith.constant 0 : index
      %get3A_42 = arith.constant 0 : index
      %get3A_43 = vector.load %arg3[%get3A_40, %get3A_41, %get3A_42] : memref<1x1x1024xf32, #tpu.memory_space<vmem>>, vector<1x1x1024xf32>
      %get3A_44 = vector.shape_cast %get3A_43 : vector<1x1x1024xf32> to vector<1024xf32>
      %mul3A_45 = arith.mulf %max3A_39, %get3A_44 : vector<1024xf32>
      %reduce_sum3A_46 = vector.shape_cast %mul3A_45 : vector<1024xf32> to vector<1x1024xf32>
      %reduce_sum3A_47 = arith.constant dense<0.000000e+00> : vector<1xf32>
      %reduce_sum3A_48 = vector.multi_reduction <add>, %reduce_sum3A_46, %reduce_sum3A_47 [1] : vector<1x1024xf32> to vector<1xf32>
      %reduce_sum3A_49 = vector.shape_cast %reduce_sum3A_48 : vector<1xf32> to vector<1x1xf32>
      %reduce_sum3A_50 = vector.extract %reduce_sum3A_49[0, 0] : f32 from vector<1x1xf32>
      %swap3A = arith.constant 0 : index
      %swap3A_51 = arith.constant 0 : index
      %swap3A_52 = arith.constant 0 : index
      %swap3A_53 = memref.load %arg7[%swap3A, %swap3A_51, %swap3A_52] : memref<1x1x1xf32, #tpu.memory_space<smem>>
      memref.store %reduce_sum3A_50, %arg7[%swap3A, %swap3A_51, %swap3A_52] : memref<1x1x1xf32, #tpu.memory_space<smem>>
    } else {
    }
    return
  }
  func.func @transform_0(%arg0: i32, %arg1: i32) -> (i32, i32, i32) {
    %c0_i32 = arith.constant 0 : i32
    %c0_i32_0 = arith.constant 0 : i32
    %c0_i32_1 = arith.constant 0 : i32
    return %arg0, %c0_i32, %c0_i32_0 : i32, i32, i32
  }
  func.func @transform_1(%arg0: i32, %arg1: i32) -> (i32, i32, i32) {
    %c0_i32 = arith.constant 0 : i32
    %c0_i32_0 = arith.constant 0 : i32
    %c0_i32_1 = arith.constant 0 : i32
    return %arg0, %c0_i32, %c0_i32_0 : i32, i32, i32
  }
  func.func @transform_2(%arg0: i32, %arg1: i32) -> (i32, i32, i32) {
    %c0_i32 = arith.constant 0 : i32
    %c0_i32_0 = arith.constant 0 : i32
    %c0_i32_1 = arith.constant 0 : i32
    return %arg0, %c0_i32, %c0_i32_0 : i32, i32, i32
  }
  func.func @transform_3(%arg0: i32, %arg1: i32) -> (i32, i32, i32) {
    %c0_i32 = arith.constant 0 : i32
    %c0_i32_0 = arith.constant 0 : i32
    return %arg0, %c0_i32, %arg1 : i32, i32, i32
  }
  func.func @transform_4(%arg0: i32, %arg1: i32) -> (i32, i32, i32) {
    %c0_i32 = arith.constant 0 : i32
    %c0_i32_0 = arith.constant 0 : i32
    return %arg0, %c0_i32, %arg1 : i32, i32, i32
  }
  func.func @transform_5(%arg0: i32, %arg1: i32) -> (i32, i32, i32) {
    %c0_i32 = arith.constant 0 : i32
    %c0_i32_0 = arith.constant 0 : i32
    %c0_i32_1 = arith.constant 0 : i32
    return %arg0, %c0_i32, %c0_i32_0 : i32, i32, i32
  }
}

</mosaic_0001>

<sc_bundles>
// kernel: kernel.4.cloned.1.call-start
scs
__scs_entry_jumppad:
0x0: {  	(pc) =	sbr.rel $0x88, $3  }
0x1: {  	(tag) =	ssettag $0x0;
	lr =	simm.s32 $0x1  }
0x2: {  	[smem:$0x3F9D] =	sst lr;
	_ =	strace $0xD0000000  }
0x3: {  	_ = 	snop  }
0x4: {  	_ = 	snop  }
0x5: {  	_ = 	snop  }
0x6: {  	_ = 	snop  }
0x7: {  	_ = 	snop  }
__scs_overlays_trampoline_lowered:
0x8: {  	[smem:$0x3FAC] =	sst s0  }
0x9: {  	[smem:$0x3FAD] =	sst s1  }
0xa: {  	[smem:$0x3FAE] =	sst s2  }
0xb: {  	[smem:$0x3FAF] =	sst s3  }
0xc: {  	[smem:$0x3FB0] =	sst s4  }
0xd: {  	[smem:$0x3FB1] =	sst s5  }
0xe: {  	[smem:$0x3FB2] =	sst s6  }
0xf: {  	[smem:$0x3FB3] =	sst s7  }
0x10: {  	[smem:$0x3FB4] =	sst s8  }
0x11: {  	[smem:$0x3FB5] =	sst s9;
	s0 =	simm.s32 @!p0 $0x0  }
0x12: {  	s1 =	sld [smem:$0x3F9B];
	s0 =	simm.s32 @p0 $0x1  }
0x13: {  	[smem:$0x3FB6] =	sst s0;
	s0 =	simm.s32 @!p1 $0x0  }
0x14: {  	s2 =	sld [smem:$0x3F9A];
	s0 =	simm.s32 @p1 $0x1  }
0x15: {  	[smem:$0x3FB7] =	sst s0;
	s0 =	simm.s32 @!p2 $0x0  }
0x16: {  	s3 =	sld [smem:$0x3FDB];
	s0 =	simm.s32 @p2 $0x1  }
0x17: {  	s4 =	simm.s32 $0x1BF5;
	[smem:$0x3FB9] =	sst s0  }
0x18: {  	s0 =	sld [smem:$0x3F9C];
	_ =	swait.ge [sflag:s4], $0x0  }
0x19: {  	s7 =	sld [smem:$0x3F9D]  }
0x1a: {  	s8 =	sadd.s32 $0xFFFFE003, lr  }
0x1b: {  	s9 =	sadd.s32 $0xFFFFFEF7, lr;
	s5 =	simm.s32 $0xFFFFFFFF;
	p2 =	slt.u32 s8, $0xFFFFF086  }
0x1c: {  	p1 =	slt.u32 s9, $0xF7A;
	s5 =	simm.s32 @!p2 $0x0  }
0x1d: {  	s5 =	simm.s32 @p1 $0x1;
	p0 =	seq.s32 s7, s2  }
0x1e: {  	s7 =	smul.u32 @!p0 $0xF7A, s2;
	p2 =	seq.s32 @!p0 s5, $0x0  }
0x1f: {  	s9 =	smul.u32 $0xF7A, s1;
	s8 =	simm.s32 @!p0 $0x1BF5;
	p2 =	por !p2, p0  }
0x20: {  	[sflag:s8] =	ssyncset.s32 @!p0 $0xFFFFF086;
	s6 =	sadd.s32 @!p0 s3, s7;
	s7 =	simm.s32 @!p0 $0x108  }
0x21: {  	s3 =	sadd.s32 s3, s9;
	s6 =	sadd.s32 @!p0 $0x88, s6;
	s7 =	simm.s32 @p2 $0x1082  }
0x22: {  	[simem:s7], [sflag:s8] =	dma.local @!p0 [hbm:s6], $0xF7A  }
0x23: {  	s9 =	sor.u32 $0xD0000000, s2;
	s6 =	simm.s32 $0x108;
	_ =	swait.ge @!p0 [sflag:s8], $0x0  }
0x24: {  	s3 =	sadd.s32 $0x88, s3;
	s6 =	simm.s32 @!p1 $0x1082;
	[sflag:s4] =	ssyncset.s32 $0xFFFFF086  }
0x25: {  	[simem:s6], [sflag:s4] =	dma.local [hbm:s3], $0xF7A  }
0x26: {  	[smem:$0x3F9D] =	sst s1;
	(tag) =	ssettag s2;
	_ =	strace s9  }
0x27: {  	s1 =	sld [smem:$0x3FAD]  }
0x28: {  	s2 =	sld [smem:$0x3FAE]  }
0x29: {  	s4 =	sld [smem:$0x3FB0]  }
0x2a: {  	p0 =	seq.s32 s5, $0x0;
	s5 =	sld [smem:$0x3FB1]  }
0x2b: {  	s6 =	sld [smem:$0x3FB2]  }
0x2c: {  	s7 =	sld [smem:$0x3FB3]  }
0x2d: {  	s3 =	simm.s32 $0x108;
	s8 =	sld [smem:$0x3FB4]  }
0x2e: {  	s3 =	simm.s32 @!p0 $0x1082;
	s9 =	sld [smem:$0x3FB5]  }
0x2f: {  	lr =	sadd.s32 s0, s3;
	s0 =	sld [smem:$0x3FAC]  }
0x30: {  	s3 =	sld [smem:$0x3FAF]  }
0x31: {  	[smem:$0x3FB8] =	sst s10  }
0x32: {  	s10 =	sld [smem:$0x3FB6];
	_ =	sdelay $0x3  }
0x33: {  	p0 =	seq.s32 s10, $0x1;
	s10 =	sld [smem:$0x3FB8];
	_ =	sdelay $0x3  }
0x34: {  	[smem:$0x3FB8] =	sst s10  }
0x35: {  	s10 =	sld [smem:$0x3FB7];
	_ =	sdelay $0x3  }
0x36: {  	p1 =	seq.s32 s10, $0x1;
	s10 =	sld [smem:$0x3FB8];
	_ =	sdelay $0x3  }
0x37: {  	[smem:$0x3FB8] =	sst s10  }
0x38: {  	s10 =	sld [smem:$0x3FB9]  }
0x39: {  	_ = 	snop;
	(pc) =	sbr.ind lr, $3  }
0x3a: {  	_ = 	snop  }
0x3b: {  	_ = 	snop  }
0x3c: {  	p2 =	seq.s32 s10, $0x1;
	s10 =	sld [smem:$0x3FB8]  }
0x3d: {  	_ =	shalt  }
0x3e: {  	_ =	shalt  }
0x3f: {  	_ =	shalt  }
0x40: {  	_ =	shalt  }
0x41: {  	_ =	shalt  }
0x42: {  	_ =	shalt  }
0x43: {  	_ =	shalt  }
0x44: {  	_ =	shalt  }
0x45: {  	_ =	shalt  }
0x46: {  	_ =	shalt  }
0x47: {  	_ =	shalt  }
0x48: {  	_ =	shalt  }
0x49: {  	_ =	shalt  }
0x4a: {  	_ =	shalt  }
0x4b: {  	_ =	shalt  }
0x4c: {  	_ =	shalt  }
0x4d: {  	_ =	shalt  }
0x4e: {  	_ =	shalt  }
0x4f: {  	_ =	shalt  }
0x50: {  	_ =	shalt  }
0x51: {  	_ =	shalt  }
0x52: {  	_ =	shalt  }
0x53: {  	_ =	shalt  }
0x54: {  	_ =	shalt  }
0x55: {  	_ =	shalt  }
0x56: {  	_ =	shalt  }
0x57: {  	_ =	shalt  }
0x58: {  	_ =	shalt  }
0x59: {  	_ =	shalt  }
0x5a: {  	_ =	shalt  }
0x5b: {  	_ =	shalt  }
0x5c: {  	_ =	shalt  }
0x5d: {  	_ =	shalt  }
0x5e: {  	_ =	shalt  }
0x5f: {  	_ =	shalt  }
0x60: {  	_ =	shalt  }
0x61: {  	_ =	shalt  }
0x62: {  	_ =	shalt  }
0x63: {  	_ =	shalt  }
0x64: {  	_ =	shalt  }
0x65: {  	_ =	shalt  }
0x66: {  	_ =	shalt  }
0x67: {  	_ =	shalt  }
0x68: {  	_ =	shalt  }
0x69: {  	_ =	shalt  }
0x6a: {  	_ =	shalt  }
0x6b: {  	_ =	shalt  }
0x6c: {  	_ =	shalt  }
0x6d: {  	_ =	shalt  }
0x6e: {  	_ =	shalt  }
0x6f: {  	_ =	shalt  }
0x70: {  	_ =	shalt  }
0x71: {  	_ =	shalt  }
0x72: {  	_ =	shalt  }
0x73: {  	_ =	shalt  }
0x74: {  	_ =	shalt  }
0x75: {  	_ =	shalt  }
0x76: {  	_ =	shalt  }
0x77: {  	_ =	shalt  }
0x78: {  	_ =	shalt  }
0x79: {  	_ =	shalt  }
0x7a: {  	_ =	shalt  }
0x7b: {  	_ =	shalt  }
0x7c: {  	_ =	shalt  }
0x7d: {  	_ =	shalt  }
0x7e: {  	_ =	shalt  }
0x7f: {  	_ =	shalt  }
0x80: {  	_ =	shalt  }
0x81: {  	_ =	shalt  }
0x82: {  	_ =	shalt  }
0x83: {  	_ =	shalt  }
0x84: {  	_ =	shalt  }
0x85: {  	_ =	shalt  }
0x86: {  	_ =	shalt  }
0x87: {  	_ =	shalt  }
.Lfunc_end0:
.L_simem_size_0:
called_computation_lowered:
.L_overlay_start_0:
0x88: {  	s2 =	sld [smem:$0x3FD9]  }
0x89: {  	s3 =	sld [smem:$0x3FFE];
	_ =	sdelay $0x1  }
0x8a: {  	s1 =	srdreg.scid  }
0x8b: {  	s0 =	sand.u32 $0x1, s1  }
0x8c: {  	s17 =	sshll.u32 s0, $0xA;
	s2 =	sadd.s32 s3, s2  }
0x8d: {  	s2 =	sadd.s32 s2, s17  }
0x8e: {  	[smem:$0x3FC4] =	sst s2  }
0x8f: {  	_ = 	snop  }
0x90: {  	s2 =	sld [smem:$0x3FC6];
	(tm) =	ssettm $0x1  }
0x91: {  	s18 =	sld [smem:$0x3FFB];
	_ =	sdelay $0x3  }
0x92: {  	_ =	strace s18  }
0x93: {  	s3 =	sld [smem:$0x3FFC];
	_ =	sdelay $0x3  }
0x94: {  	_ =	strace s3  }
0x95: {  	s3 =	sld [smem:$0x3FFD];
	_ =	sdelay $0x3  }
0x96: {  	_ =	strace s3  }
0x97: {  	_ =	strace $0x8FFFFFFF  }
0x98: {  	s19 =	sld [smem:$0x3FDB];
	_ =	sdelay $0x1  }
0x99: {  	s4 =	simm.s32 $_scs_section_size  }
0x9a: {  	s5 =	simm.s32 $_size__tile_overlayer_lowered;
	s6 =	simm.s32 $_tile_overlayer_lowered  }
0x9b: {  	s22 =	simm.s32 $0x1BFF;
	s21 =	sshll.u32 s6, $0x1;
	s3 =	sadd.s32 s4, s19  }
0x9c: {  	s7 =	simm.s32 $0x0;
	s20 =	sshll.u32 s5, $0x1;
	s5 =	sadd.s32 s21, s3  }
0x9d: {  	[timem:s7], [sflag:s22] =	dma.local [hbm:s5], s20  }
0x9e: {  	_ =	swait.ge [sflag:s22], s20  }
0x9f: {  	s4 =	ssub.s32 $0x0, s20;
	[sflag:s22] =	ssyncset.done $0x0  }
0xa0: {  	[sflag:s22] =	ssyncadd.s32 s4;
	_ =	sdelay $0x1  }
0xa1: {  	s23 =	simm.s32 $0x1B8B  }
0xa2: {  	_ =	swait.ge [sflag:s23], $0x1  }
0xa3: {  	[sflag:s23] =	ssyncset.done $0x0  }
0xa4: {  	s25 =	simm.s32 $0x1B8E;
	s24 =	sld [smem:$0x3FFE];
	[sflag:s23] =	ssyncadd.s32 $0xFFFFFFFF  }
0xa5: {  	s26 =	simm.s32 $execute0_lowered;
	[smem:$0x3FD2] =	sst s25  }
0xa6: {  	s5 =	sshll.u32 s26, $0x1;
	_ =	strace $0x80000046;
	[dreg:$0x1] =	wrdreg $0xFFFFFFFF  }
0xa7: {  	s28 =	simm.s32 $_size_execute0_lowered;
	s3 =	sadd.s32 s3, s5;
	[dreg:$0x0] =	wrdreg $0x0  }
0xa8: {  	s5 =	sshll.u32 s28, $0x1;
	[dreg:$0x2] =	wrdreg s3  }
0xa9: {  	[dreg:$0x3] =	wrdreg s5  }
0xaa: {  	[dreg:$0x4] =	wrdreg $0xC0  }
0xab: {  	_ =	task [dreg:s7], $0x5FFFF  }
0xac: {  	[dreg:$0x1] =	wrdreg $0xFFFFFFFF  }
0xad: {  	[dreg:$0x0] =	wrdreg $0x60  }
0xae: {  	[dreg:$0x2] =	wrdreg s2  }
0xaf: {  	[dreg:$0x3] =	wrdreg s24  }
0xb0: {  	[dreg:$0x4] =	wrdreg $0xED800  }
0xb1: {  	[dreg:$0x5] =	wrdreg $0x123800  }
0xb2: {  	[dreg:$0x6] =	wrdreg $0x9  }
0xb3: {  	_ =	task.clear_ibuf [dreg:s7], $0x7FFFF;
	_ =	strace $0x90000046  }
0xb4: {  	s29 =	simm.s32 $0x9;
	_ =	strace $0x80000048  }
0xb5: {  	_ =	swait.ge [sflag:s29], $0x1  }
0xb6: {  	[sflag:s29] =	ssyncadd.s32 $0xFFFFFFFF  }
0xb7: {  	_ =	strace $0x90000048  }
0xb8: {  	_ =	sfence  }
0xb9: {  	s30 =	sld [smem:$0x0];
	_ =	sdelay $0x2  }
0xba: {  	s31 =	sshll.u32 s1, $0xD;
	s1 =	sshrl.u32 s1, $0x2  }
0xbb: {  	s3 =	sand.u32 $0x4000, s31;
	s1 =	sadd.s32 s1, s30  }
0xbc: {  	s0 =	sor.u32 s3, s0;
	s1 =	sshll.u32 s1, $0x11  }
0xbd: {  	s0 =	sor.u32 s1, s0  }
0xbe: {  	s0 =	sadd.s32 $0x8F2B, s0  }
0xbf: {  	[sflag:s0] =	ssyncadd.remote.s32 $0x1  }
0xc0: {  	_ =	sfence.sel $0xFFFF  }
0xc1: {  	[dreg:$0x0] =	wrdreg $0xFFFFFFFF;
	(pc) =	sbr.abs _section_cstart, $3  }
0xc2: {  	[dreg:$0x1] =	wrdreg $0xFFFFFFFF  }
0xc3: {  	_ =	task.clear_ibuf [dreg:s7], $0x2FFFF;
	_ =	strace $0x9FFFFFFF  }
0xc4: {  	(tm) =	ssettm $0x7FFFFFFF  }
0xc5: {  	_ =	shalt  }
tec
execute0_lowered:
.L_overlay_start_1:
0x0: {  	(tag) =	ssettag $0x1  }
0x1: {  	s9 =	rddreg [dreg:$0x0]  }
0x2: {  	s10 =	rddreg [dreg:$0x1]  }
0x3: {  	s1 =	srdreg.scid;
	s2 =	rddreg [dreg:$0x2]  }
0x4: {  	s0 =	stileid.u32;
	s3 =	rddreg [dreg:$0x3]  }
0x5: {  	s4 =	simm.s32 $0x0;
	s17 =	simm.s32 $0x2;
	s18 =	simm.s32 $0x80  }
0x6: {  	s19 =	simm.s32 $0xD200;
	s20 =	simm.s32 $0x1;
	s21 =	simm.s32 $0x9B00  }
0x7: {  	s5 =	sand.u32 $0x1, s1;
	s7 =	smul.u32 $0x1B00, s0;
	s1 =	rddreg [dreg:$0x4]  }
0x8: {  	s22 =	simm.s32 $0x8000;
	[smem:$0x7FF] =	sst s4;
	s11 =	smul.u32 $0xD800, s0  }
0x9: {  	s12 =	sshllo.u32 s0, $0x1;
	s30 =	sshll.u32 s0, $0xD;
	s6 =	smul.u32 $0x1B000, s5  }
0xa: {  	_ =	strace $0x80000047;
	s8 =	ssub.s32 $0x2, s5;
	s5 =	sshll.u32 s5, $0x4  }
0xb: {  	s14 =	smul.u32 $0x6C00, s12;
	s12 =	sshll.u32 s12, $0xC;
	s13 =	sshrl.u32 s8, $0x1  }
0xc: {  	s5 =	sor.u32 s0, s5;
	s26 =	sshrl.u32 s11, $0x2;
	s6 =	sadd.s32 s7, s6  }
0xd: {  	s16 =	ssub.s32 s8, s13;
	s28 =	sshrl.u32 s14, $0x2;
	s29 =	smul.u32 $0x1B00, s5  }
0xe: {  	s5 =	sadd.s32 s26, s2;
	s7 =	sadd.s32 s7, s3;
	s6 =	sshrl.u32 s6, $0x3  }
0xf: {  	s8 =	sadd.s32 s9, s30;
	s9 =	sadd.s32 s9, s12;
	s15 =	sadd.s32 s6, s10  }
0x10: {  	s6 =	sadd.s32 s28, s2;
	s31 =	sshrl.u32 s29, $0x3;
	s11 =	sadd.s32 s29, s2  }
0x11: {  	s10 =	sadd.s32 s10, s31;
	s14 =	sadd.s32 $0x14400, s15;
	s15 =	smax.u32 s16, $0x1  }
0x12: {  	v0 =	vimm.f32 $0.0e+00;
	v1 =	vimm.f32 $1.000000000e+00;
	s16 =	simm.s32 $0xD280;
	s12 =	sadd.s32 $0xD800, s10;
	s13 =	sadd.s32 $0x6C00, s10  }
.LBB2_1:
0x13: {  	s23 =	simm.s32 $0x40;
	s24 =	simm.s32 $0x0  }
.LBB2_2:
0x14: {  	p0 =	sne.s32 s23, $0x6BC0;
	[tilespmem:s24+$0xD280] =	vst v0;
	s24 =	smov.u32 s23;
	s23 =	sadd.s32 $0x40, s23  }
.Ltmp0:
0x15: {  	(pc) =	sbr.rel @p0 .LBB2_2-.Ltmp0, $2  }
0x16: {  	_ =	sdelay $0x2  }
0x17: {  	s24 =	sshra.s32 s24, $0x2  }
0x18: {  	[tilespmem:s24+$0xD280] =	vst v0  }
0x19: {  	[tilespmem:$0xD200] =	vst v1  }
0x1a: {  	[tilespmem:$0xD210] =	vst v1  }
0x1b: {  	[tilespmem:$0xD220] =	vst v1  }
0x1c: {  	[tilespmem:$0xD230] =	vst v1  }
0x1d: {  	[tilespmem:$0xD240] =	vst v1  }
0x1e: {  	[tilespmem:$0xD250] =	vst v1  }
0x1f: {  	[tilespmem:$0xD260] =	vst v1  }
0x20: {  	[tilespmem:$0xD270] =	vst v1  }
0x21: {  	[spmem:s5] =	stream.linear.scatter [tilespmem:s16], [sflag:$0x2], $0x1B00, $0x38;
	[tilespmem:$0x13E88] =	vst v63  }
0x22: {  	_ =	swait.ge [sflag:s17], $0x1B00  }
0x23: {  	[sflag:s17] =	ssyncset.done $0x0  }
0x24: {  	[sflag:s17] =	ssyncadd.s32 $0xFFFFE500  }
0x25: {  	[spmem:s6] =	stream.linear.scatter [tilespmem:s16], [sflag:$0x2], $0x1B00, $0x38;
	[tilespmem:$0x13E88] =	vst v63  }
0x26: {  	_ =	swait.ge [sflag:s17], $0x1B00  }
0x27: {  	[sflag:s17] =	ssyncset.done $0x0  }
0x28: {  	[sflag:s17] =	ssyncadd.s32 $0xFFFFE500  }
0x29: {  	[spmem:s7] =	stream.linear.scatter [tilespmem:s16], [sflag:$0x2], $0x1B00, $0x38;
	[tilespmem:$0x13E88] =	vst v63  }
0x2a: {  	_ =	swait.ge [sflag:s17], $0x1B00  }
0x2b: {  	[sflag:s17] =	ssyncset.done $0x0  }
0x2c: {  	[sflag:s17] =	ssyncadd.s32 $0xFFFFE500  }
0x2d: {  	s23 =	simm.s32 $0x0;
	[bflag:$0x0] =	sbarrier.arrive $0xFFFF  }
0x2e: {  	[tilespmem:s23], [sflag:$0x2] =	stream.linear.gather [hbm4b:s8+s23], $0x8000, $0x38;
	[tilespmem:$0x13E88] =	vst v63  }
0x2f: {  	_ =	swait.ge [sflag:s17], $0x8000  }
0x30: {  	[sflag:s17] =	ssyncset.done $0x0  }
0x31: {  	s31 =	simm.s32 $0x0;
	[sflag:s17] =	ssyncadd.s32 $0xFFFF8000  }
0x32: {  	[spmem:s2] =	stream.indirect.scatter.add.f32 [tilespmem:s19], [sflag:$0x1], $0x1, s31, s18, $0xb8;
	[tilespmem:$0x13E88] =	vst v63  }
0x33: {  	s24 =	simm.s32 $0x80  }
0x34: {  	[spmem:s2] =	stream.indirect.scatter.add.f32 [tilespmem:s19], [sflag:$0x1], $0x1, s24, s18, $0xb8;
	[tilespmem:$0x13E88] =	vst v63  }
0x35: {  	s25 =	simm.s32 $0x100  }
0x36: {  	[spmem:s2] =	stream.indirect.scatter.add.f32 [tilespmem:s19], [sflag:$0x1], $0x1, s25, s18, $0xb8;
	[tilespmem:$0x13E88] =	vst v63  }
0x37: {  	s26 =	simm.s32 $0x180  }
0x38: {  	[spmem:s2] =	stream.indirect.scatter.add.f32 [tilespmem:s19], [sflag:$0x1], $0x1, s26, s18, $0xb8;
	[tilespmem:$0x13E88] =	vst v63  }
0x39: {  	s28 =	simm.s32 $0x200  }
0x3a: {  	[spmem:s2] =	stream.indirect.scatter.add.f32 [tilespmem:s19], [sflag:$0x1], $0x1, s28, s18, $0xb8;
	[tilespmem:$0x13E88] =	vst v63  }
0x3b: {  	s29 =	simm.s32 $0x280  }
0x3c: {  	[spmem:s2] =	stream.indirect.scatter.add.f32 [tilespmem:s19], [sflag:$0x1], $0x1, s29, s18, $0xb8;
	[tilespmem:$0x13E88] =	vst v63  }
0x3d: {  	s30 =	simm.s32 $0x300  }
0x3e: {  	[spmem:s2] =	stream.indirect.scatter.add.f32 [tilespmem:s19], [sflag:$0x1], $0x1, s30, s18, $0xb8;
	[tilespmem:$0x13E88] =	vst v63  }
0x3f: {  	s31 =	simm.s32 $0x380  }
0x40: {  	[spmem:s2] =	stream.indirect.scatter.add.f32 [tilespmem:s19], [sflag:$0x1], $0x1, s31, s18, $0xb8;
	[tilespmem:$0x13E88] =	vst v63  }
0x41: {  	_ =	swait.ge [sflag:s20], $0x80  }
0x42: {  	[sflag:s20] =	ssyncset.done $0x0  }
0x43: {  	[sflag:s20] =	ssyncadd.s32 $0xFFFFFF80  }
0x44: {  	_ =	swait.ge [sflag:s20], $0x80  }
0x45: {  	[sflag:s20] =	ssyncset.done $0x0  }
0x46: {  	[sflag:s20] =	ssyncadd.s32 $0xFFFFFF80  }
0x47: {  	_ =	swait.ge [sflag:s20], $0x80  }
0x48: {  	[sflag:s20] =	ssyncset.done $0x0  }
0x49: {  	[sflag:s20] =	ssyncadd.s32 $0xFFFFFF80  }
0x4a: {  	_ =	swait.ge [sflag:s20], $0x80  }
0x4b: {  	[sflag:s20] =	ssyncset.done $0x0  }
0x4c: {  	[sflag:s20] =	ssyncadd.s32 $0xFFFFFF80  }
0x4d: {  	_ =	swait.ge [sflag:s20], $0x80  }
0x4e: {  	[sflag:s20] =	ssyncset.done $0x0  }
0x4f: {  	[sflag:s20] =	ssyncadd.s32 $0xFFFFFF80  }
0x50: {  	_ =	swait.ge [sflag:s20], $0x80  }
0x51: {  	[sflag:s20] =	ssyncset.done $0x0  }
0x52: {  	[sflag:s20] =	ssyncadd.s32 $0xFFFFFF80  }
0x53: {  	_ =	swait.ge [sflag:s20], $0x80  }
0x54: {  	[sflag:s20] =	ssyncset.done $0x0  }
0x55: {  	[sflag:s20] =	ssyncadd.s32 $0xFFFFFF80  }
0x56: {  	_ =	swait.ge [sflag:s20], $0x80  }
0x57: {  	s23 =	simm.s32 $0x1000;
	s25 =	simm.s32 $0x2000;
	[sflag:s20] =	ssyncset.done $0x0  }
.LBB2_4:
0x58: {  	s26 =	sshra.s32 s23, $0x2  }
0x59: {  	[sflag:s20] =	ssyncadd.s32 $0xFFFFFF80;
	s23 =	smov.u32 s25;
	s24 =	sadd.s32 $0x1000, s25  }
0x5a: {  	[spmem:s2] =	stream.indirect.scatter.add.f32 [tilespmem:s19], [sflag:$0x1], $0x1, s26, s18, $0xb8;
	[tilespmem:$0x13E88] =	vst v63  }
0x5b: {  	p0 =	sne.s32 s25, $0x1F000;
	s25 =	sadd.s32 $0x80, s26  }
0x5c: {  	[spmem:s2] =	stream.indirect.scatter.add.f32 [tilespmem:s19], [sflag:$0x1], $0x1, s25, s18, $0xb8;
	[tilespmem:$0x13E88] =	vst v63  }
0x5d: {  	s25 =	sadd.s32 $0x100, s26  }
0x5e: {  	[spmem:s2] =	stream.indirect.scatter.add.f32 [tilespmem:s19], [sflag:$0x1], $0x1, s25, s18, $0xb8;
	[tilespmem:$0x13E88] =	vst v63  }
0x5f: {  	s25 =	sadd.s32 $0x180, s26  }
0x60: {  	[spmem:s2] =	stream.indirect.scatter.add.f32 [tilespmem:s19], [sflag:$0x1], $0x1, s25, s18, $0xb8;
	[tilespmem:$0x13E88] =	vst v63  }
0x61: {  	s25 =	sadd.s32 $0x200, s26  }
0x62: {  	[spmem:s2] =	stream.indirect.scatter.add.f32 [tilespmem:s19], [sflag:$0x1], $0x1, s25, s18, $0xb8;
	[tilespmem:$0x13E88] =	vst v63  }
0x63: {  	s25 =	sadd.s32 $0x280, s26  }
0x64: {  	[spmem:s2] =	stream.indirect.scatter.add.f32 [tilespmem:s19], [sflag:$0x1], $0x1, s25, s18, $0xb8;
	[tilespmem:$0x13E88] =	vst v63  }
0x65: {  	s25 =	sadd.s32 $0x300, s26  }
0x66: {  	[spmem:s2] =	stream.indirect.scatter.add.f32 [tilespmem:s19], [sflag:$0x1], $0x1, s25, s18, $0xb8;
	[tilespmem:$0x13E88] =	vst v63  }
0x67: {  	s25 =	sadd.s32 $0x380, s26  }
0x68: {  	[spmem:s2] =	stream.indirect.scatter.add.f32 [tilespmem:s19], [sflag:$0x1], $0x1, s25, s18, $0xb8;
	[tilespmem:$0x13E88] =	vst v63  }
0x69: {  	_ =	swait.ge [sflag:s20], $0x80  }
0x6a: {  	[sflag:s20] =	ssyncset.done $0x0  }
0x6b: {  	[sflag:s20] =	ssyncadd.s32 $0xFFFFFF80  }
0x6c: {  	_ =	swait.ge [sflag:s20], $0x80  }
0x6d: {  	[sflag:s20] =	ssyncset.done $0x0  }
0x6e: {  	[sflag:s20] =	ssyncadd.s32 $0xFFFFFF80  }
0x6f: {  	_ =	swait.ge [sflag:s20], $0x80  }
0x70: {  	[sflag:s20] =	ssyncset.done $0x0  }
0x71: {  	[sflag:s20] =	ssyncadd.s32 $0xFFFFFF80  }
0x72: {  	_ =	swait.ge [sflag:s20], $0x80  }
0x73: {  	[sflag:s20] =	ssyncset.done $0x0  }
0x74: {  	[sflag:s20] =	ssyncadd.s32 $0xFFFFFF80  }
0x75: {  	_ =	swait.ge [sflag:s20], $0x80  }
0x76: {  	[sflag:s20] =	ssyncset.done $0x0  }
0x77: {  	[sflag:s20] =	ssyncadd.s32 $0xFFFFFF80  }
0x78: {  	_ =	swait.ge [sflag:s20], $0x80  }
0x79: {  	[sflag:s20] =	ssyncset.done $0x0  }
0x7a: {  	[sflag:s20] =	ssyncadd.s32 $0xFFFFFF80  }
.Ltmp1:
0x7b: {  	_ =	swait.ge [sflag:s20], $0x80;
	(pc) =	sbr.rel @p0 .LBB2_4-.Ltmp1, $4  }
0x7c: {  	[sflag:s20] =	ssyncset.done $0x0  }
0x7d: {  	[sflag:s20] =	ssyncadd.s32 $0xFFFFFF80  }
0x7e: {  	_ =	swait.ge [sflag:s20], $0x80  }
0x7f: {  	s25 =	smov.u32 s24;
	[sflag:s20] =	ssyncset.done $0x0  }
0x80: {  	s23 =	sshra.s32 s23, $0x2;
	[sflag:s20] =	ssyncadd.s32 $0xFFFFFF80  }
0x81: {  	[spmem:s2] =	stream.indirect.scatter.add.f32 [tilespmem:s19], [sflag:$0x1], $0x1, s23, s18, $0xb8;
	[tilespmem:$0x13E88] =	vst v63  }
0x82: {  	s24 =	sadd.s32 $0x80, s23  }
0x83: {  	[spmem:s2] =	stream.indirect.scatter.add.f32 [tilespmem:s19], [sflag:$0x1], $0x1, s24, s18, $0xb8;
	[tilespmem:$0x13E88] =	vst v63  }
0x84: {  	s31 =	sadd.s32 $0x100, s23  }
0x85: {  	[spmem:s2] =	stream.indirect.scatter.add.f32 [tilespmem:s19], [sflag:$0x1], $0x1, s31, s18, $0xb8;
	[tilespmem:$0x13E88] =	vst v63  }
0x86: {  	s25 =	sadd.s32 $0x180, s23  }
0x87: {  	[spmem:s2] =	stream.indirect.scatter.add.f32 [tilespmem:s19], [sflag:$0x1], $0x1, s25, s18, $0xb8;
	[tilespmem:$0x13E88] =	vst v63  }
0x88: {  	s26 =	sadd.s32 $0x200, s23  }
0x89: {  	[spmem:s2] =	stream.indirect.scatter.add.f32 [tilespmem:s19], [sflag:$0x1], $0x1, s26, s18, $0xb8;
	[tilespmem:$0x13E88] =	vst v63  }
0x8a: {  	s28 =	sadd.s32 $0x280, s23  }
0x8b: {  	[spmem:s2] =	stream.indirect.scatter.add.f32 [tilespmem:s19], [sflag:$0x1], $0x1, s28, s18, $0xb8;
	[tilespmem:$0x13E88] =	vst v63  }
0x8c: {  	s29 =	sadd.s32 $0x300, s23  }
0x8d: {  	[spmem:s2] =	stream.indirect.scatter.add.f32 [tilespmem:s19], [sflag:$0x1], $0x1, s29, s18, $0xb8;
	[tilespmem:$0x13E88] =	vst v63  }
0x8e: {  	s23 =	sadd.s32 $0x380, s23  }
0x8f: {  	[spmem:s2] =	stream.indirect.scatter.add.f32 [tilespmem:s19], [sflag:$0x1], $0x1, s23, s18, $0xb8;
	[tilespmem:$0x13E88] =	vst v63  }
0x90: {  	_ =	swait.ge [sflag:s20], $0x80  }
0x91: {  	[sflag:s20] =	ssyncset.done $0x0  }
0x92: {  	[sflag:s20] =	ssyncadd.s32 $0xFFFFFF80  }
0x93: {  	_ =	swait.ge [sflag:s20], $0x80  }
0x94: {  	[sflag:s20] =	ssyncset.done $0x0  }
0x95: {  	[sflag:s20] =	ssyncadd.s32 $0xFFFFFF80  }
0x96: {  	_ =	swait.ge [sflag:s20], $0x80  }
0x97: {  	[sflag:s20] =	ssyncset.done $0x0  }
0x98: {  	[sflag:s20] =	ssyncadd.s32 $0xFFFFFF80  }
0x99: {  	_ =	swait.ge [sflag:s20], $0x80  }
0x9a: {  	[sflag:s20] =	ssyncset.done $0x0  }
0x9b: {  	[sflag:s20] =	ssyncadd.s32 $0xFFFFFF80  }
0x9c: {  	_ =	swait.ge [sflag:s20], $0x80  }
0x9d: {  	[sflag:s20] =	ssyncset.done $0x0  }
0x9e: {  	[sflag:s20] =	ssyncadd.s32 $0xFFFFFF80  }
0x9f: {  	_ =	swait.ge [sflag:s20], $0x80  }
0xa0: {  	[sflag:s20] =	ssyncset.done $0x0  }
0xa1: {  	[sflag:s20] =	ssyncadd.s32 $0xFFFFFF80  }
0xa2: {  	_ =	swait.ge [sflag:s20], $0x80  }
0xa3: {  	[sflag:s20] =	ssyncset.done $0x0  }
0xa4: {  	[sflag:s20] =	ssyncadd.s32 $0xFFFFFF80  }
0xa5: {  	_ =	swait.ge [sflag:s20], $0x80  }
0xa6: {  	[sflag:s20] =	ssyncset.done $0x0  }
0xa7: {  	s30 =	simm.s32 $0x0;
	[sflag:s20] =	ssyncadd.s32 $0xFFFFFF80  }
0xa8: {  	[tilespmem:s30], [sflag:$0x2] =	stream.linear.gather [hbm4b:s9+s30], $0x8000, $0x38;
	[tilespmem:$0x13E88] =	vst v63  }
0xa9: {  	_ =	swait.ge [sflag:s17], $0x8000  }
0xaa: {  	[sflag:s17] =	ssyncset.done $0x0  }
0xab: {  	s31 =	simm.s32 $0x0;
	[sflag:s17] =	ssyncadd.s32 $0xFFFF8000  }
0xac: {  	[spmem:s2] =	stream.indirect.scatter.add.f32 [tilespmem:s19], [sflag:$0x1], $0x1, s31, s18, $0xb8;
	[tilespmem:$0x13E88] =	vst v63  }
0xad: {  	s24 =	simm.s32 $0x80  }
0xae: {  	[spmem:s2] =	stream.indirect.scatter.add.f32 [tilespmem:s19], [sflag:$0x1], $0x1, s24, s18, $0xb8;
	[tilespmem:$0x13E88] =	vst v63  }
0xaf: {  	s25 =	simm.s32 $0x100  }
0xb0: {  	[spmem:s2] =	stream.indirect.scatter.add.f32 [tilespmem:s19], [sflag:$0x1], $0x1, s25, s18, $0xb8;
	[tilespmem:$0x13E88] =	vst v63  }
0xb1: {  	s26 =	simm.s32 $0x180  }
0xb2: {  	[spmem:s2] =	stream.indirect.scatter.add.f32 [tilespmem:s19], [sflag:$0x1], $0x1, s26, s18, $0xb8;
	[tilespmem:$0x13E88] =	vst v63  }
0xb3: {  	s28 =	simm.s32 $0x200  }
0xb4: {  	[spmem:s2] =	stream.indirect.scatter.add.f32 [tilespmem:s19], [sflag:$0x1], $0x1, s28, s18, $0xb8;
	[tilespmem:$0x13E88] =	vst v63  }
0xb5: {  	s29 =	simm.s32 $0x280  }
0xb6: {  	[spmem:s2] =	stream.indirect.scatter.add.f32 [tilespmem:s19], [sflag:$0x1], $0x1, s29, s18, $0xb8;
	[tilespmem:$0x13E88] =	vst v63  }
0xb7: {  	s30 =	simm.s32 $0x300  }
0xb8: {  	[spmem:s2] =	stream.indirect.scatter.add.f32 [tilespmem:s19], [sflag:$0x1], $0x1, s30, s18, $0xb8;
	[tilespmem:$0x13E88] =	vst v63  }
0xb9: {  	s31 =	simm.s32 $0x380  }
0xba: {  	[spmem:s2] =	stream.indirect.scatter.add.f32 [tilespmem:s19], [sflag:$0x1], $0x1, s31, s18, $0xb8;
	[tilespmem:$0x13E88] =	vst v63  }
0xbb: {  	_ =	swait.ge [sflag:s20], $0x80  }
0xbc: {  	[sflag:s20] =	ssyncset.done $0x0  }
0xbd: {  	[sflag:s20] =	ssyncadd.s32 $0xFFFFFF80  }
0xbe: {  	_ =	swait.ge [sflag:s20], $0x80  }
0xbf: {  	[sflag:s20] =	ssyncset.done $0x0  }
0xc0: {  	[sflag:s20] =	ssyncadd.s32 $0xFFFFFF80  }
0xc1: {  	_ =	swait.ge [sflag:s20], $0x80  }
0xc2: {  	[sflag:s20] =	ssyncset.done $0x0  }
0xc3: {  	[sflag:s20] =	ssyncadd.s32 $0xFFFFFF80  }
0xc4: {  	_ =	swait.ge [sflag:s20], $0x80  }
0xc5: {  	[sflag:s20] =	ssyncset.done $0x0  }
0xc6: {  	[sflag:s20] =	ssyncadd.s32 $0xFFFFFF80  }
0xc7: {  	_ =	swait.ge [sflag:s20], $0x80  }
0xc8: {  	[sflag:s20] =	ssyncset.done $0x0  }
0xc9: {  	[sflag:s20] =	ssyncadd.s32 $0xFFFFFF80  }
0xca: {  	_ =	swait.ge [sflag:s20], $0x80  }
0xcb: {  	[sflag:s20] =	ssyncset.done $0x0  }
0xcc: {  	[sflag:s20] =	ssyncadd.s32 $0xFFFFFF80  }
0xcd: {  	_ =	swait.ge [sflag:s20], $0x80  }
0xce: {  	[sflag:s20] =	ssyncset.done $0x0  }
0xcf: {  	[sflag:s20] =	ssyncadd.s32 $0xFFFFFF80  }
0xd0: {  	_ =	swait.ge [sflag:s20], $0x80  }
0xd1: {  	s23 =	simm.s32 $0x1000;
	s25 =	simm.s32 $0x2000;
	[sflag:s20] =	ssyncset.done $0x0  }
.LBB2_6:
0xd2: {  	s26 =	sshra.s32 s23, $0x2  }
0xd3: {  	[sflag:s20] =	ssyncadd.s32 $0xFFFFFF80;
	s23 =	smov.u32 s25;
	s24 =	sadd.s32 $0x1000, s25  }
0xd4: {  	[spmem:s2] =	stream.indirect.scatter.add.f32 [tilespmem:s19], [sflag:$0x1], $0x1, s26, s18, $0xb8;
	[tilespmem:$0x13E88] =	vst v63  }
0xd5: {  	p0 =	sne.s32 s25, $0x1F000;
	s25 =	sadd.s32 $0x80, s26  }
0xd6: {  	[spmem:s2] =	stream.indirect.scatter.add.f32 [tilespmem:s19], [sflag:$0x1], $0x1, s25, s18, $0xb8;
	[tilespmem:$0x13E88] =	vst v63  }
0xd7: {  	s25 =	sadd.s32 $0x100, s26  }
0xd8: {  	[spmem:s2] =	stream.indirect.scatter.add.f32 [tilespmem:s19], [sflag:$0x1], $0x1, s25, s18, $0xb8;
	[tilespmem:$0x13E88] =	vst v63  }
0xd9: {  	s25 =	sadd.s32 $0x180, s26  }
0xda: {  	[spmem:s2] =	stream.indirect.scatter.add.f32 [tilespmem:s19], [sflag:$0x1], $0x1, s25, s18, $0xb8;
	[tilespmem:$0x13E88] =	vst v63  }
0xdb: {  	s25 =	sadd.s32 $0x200, s26  }
0xdc: {  	[spmem:s2] =	stream.indirect.scatter.add.f32 [tilespmem:s19], [sflag:$0x1], $0x1, s25, s18, $0xb8;
	[tilespmem:$0x13E88] =	vst v63  }
0xdd: {  	s25 =	sadd.s32 $0x280, s26  }
0xde: {  	[spmem:s2] =	stream.indirect.scatter.add.f32 [tilespmem:s19], [sflag:$0x1], $0x1, s25, s18, $0xb8;
	[tilespmem:$0x13E88] =	vst v63  }
0xdf: {  	s25 =	sadd.s32 $0x300, s26  }
0xe0: {  	[spmem:s2] =	stream.indirect.scatter.add.f32 [tilespmem:s19], [sflag:$0x1], $0x1, s25, s18, $0xb8;
	[tilespmem:$0x13E88] =	vst v63  }
0xe1: {  	s25 =	sadd.s32 $0x380, s26  }
0xe2: {  	[spmem:s2] =	stream.indirect.scatter.add.f32 [tilespmem:s19], [sflag:$0x1], $0x1, s25, s18, $0xb8;
	[tilespmem:$0x13E88] =	vst v63  }
0xe3: {  	_ =	swait.ge [sflag:s20], $0x80  }
0xe4: {  	[sflag:s20] =	ssyncset.done $0x0  }
0xe5: {  	[sflag:s20] =	ssyncadd.s32 $0xFFFFFF80  }
0xe6: {  	_ =	swait.ge [sflag:s20], $0x80  }
0xe7: {  	[sflag:s20] =	ssyncset.done $0x0  }
0xe8: {  	[sflag:s20] =	ssyncadd.s32 $0xFFFFFF80  }
0xe9: {  	_ =	swait.ge [sflag:s20], $0x80  }
0xea: {  	[sflag:s20] =	ssyncset.done $0x0  }
0xeb: {  	[sflag:s20] =	ssyncadd.s32 $0xFFFFFF80  }
0xec: {  	_ =	swait.ge [sflag:s20], $0x80  }
0xed: {  	[sflag:s20] =	ssyncset.done $0x0  }
0xee: {  	[sflag:s20] =	ssyncadd.s32 $0xFFFFFF80  }
0xef: {  	_ =	swait.ge [sflag:s20], $0x80  }
0xf0: {  	[sflag:s20] =	ssyncset.done $0x0  }
0xf1: {  	[sflag:s20] =	ssyncadd.s32 $0xFFFFFF80  }
0xf2: {  	_ =	swait.ge [sflag:s20], $0x80  }
0xf3: {  	[sflag:s20] =	ssyncset.done $0x0  }
0xf4: {  	[sflag:s20] =	ssyncadd.s32 $0xFFFFFF80  }
.Ltmp2:
0xf5: {  	_ =	swait.ge [sflag:s20], $0x80;
	(pc) =	sbr.rel @p0 .LBB2_6-.Ltmp2, $4  }
0xf6: {  	[sflag:s20] =	ssyncset.done $0x0  }
0xf7: {  	[sflag:s20] =	ssyncadd.s32 $0xFFFFFF80  }
0xf8: {  	_ =	swait.ge [sflag:s20], $0x80  }
0xf9: {  	s25 =	smov.u32 s24;
	[sflag:s20] =	ssyncset.done $0x0  }
0xfa: {  	s23 =	sshra.s32 s23, $0x2;
	[sflag:s20] =	ssyncadd.s32 $0xFFFFFF80  }
0xfb: {  	[spmem:s2] =	stream.indirect.scatter.add.f32 [tilespmem:s19], [sflag:$0x1], $0x1, s23, s18, $0xb8;
	[tilespmem:$0x13E88] =	vst v63  }
0xfc: {  	s24 =	sadd.s32 $0x80, s23  }
0xfd: {  	[spmem:s2] =	stream.indirect.scatter.add.f32 [tilespmem:s19], [sflag:$0x1], $0x1, s24, s18, $0xb8;
	[tilespmem:$0x13E88] =	vst v63  }
0xfe: {  	s25 =	sadd.s32 $0x100, s23  }
0xff: {  	[spmem:s2] =	stream.indirect.scatter.add.f32 [tilespmem:s19], [sflag:$0x1], $0x1, s25, s18, $0xb8;
	[tilespmem:$0x13E88] =	vst v63  }
0x100: {  	s26 =	sadd.s32 $0x180, s23  }
0x101: {  	[spmem:s2] =	stream.indirect.scatter.add.f32 [tilespmem:s19], [sflag:$0x1], $0x1, s26, s18, $0xb8;
	[tilespmem:$0x13E88] =	vst v63  }
0x102: {  	s28 =	sadd.s32 $0x200, s23  }
0x103: {  	[spmem:s2] =	stream.indirect.scatter.add.f32 [tilespmem:s19], [sflag:$0x1], $0x1, s28, s18, $0xb8;
	[tilespmem:$0x13E88] =	vst v63  }
0x104: {  	s29 =	sadd.s32 $0x280, s23  }
0x105: {  	[spmem:s2] =	stream.indirect.scatter.add.f32 [tilespmem:s19], [sflag:$0x1], $0x1, s29, s18, $0xb8;
	[tilespmem:$0x13E88] =	vst v63  }
0x106: {  	s30 =	sadd.s32 $0x300, s23  }
0x107: {  	[spmem:s2] =	stream.indirect.scatter.add.f32 [tilespmem:s19], [sflag:$0x1], $0x1, s30, s18, $0xb8;
	[tilespmem:$0x13E88] =	vst v63  }
0x108: {  	s23 =	sadd.s32 $0x380, s23  }
0x109: {  	[spmem:s2] =	stream.indirect.scatter.add.f32 [tilespmem:s19], [sflag:$0x1], $0x1, s23, s18, $0xb8;
	[tilespmem:$0x13E88] =	vst v63  }
0x10a: {  	_ =	swait.ge [sflag:s20], $0x80  }
0x10b: {  	[sflag:s20] =	ssyncset.done $0x0  }
0x10c: {  	[sflag:s20] =	ssyncadd.s32 $0xFFFFFF80  }
0x10d: {  	_ =	swait.ge [sflag:s20], $0x80  }
0x10e: {  	[sflag:s20] =	ssyncset.done $0x0  }
0x10f: {  	[sflag:s20] =	ssyncadd.s32 $0xFFFFFF80  }
0x110: {  	_ =	swait.ge [sflag:s20], $0x80  }
0x111: {  	[sflag:s20] =	ssyncset.done $0x0  }
0x112: {  	[sflag:s20] =	ssyncadd.s32 $0xFFFFFF80  }
0x113: {  	_ =	swait.ge [sflag:s20], $0x80  }
0x114: {  	[sflag:s20] =	ssyncset.done $0x0  }
0x115: {  	[sflag:s20] =	ssyncadd.s32 $0xFFFFFF80  }
0x116: {  	_ =	swait.ge [sflag:s20], $0x80  }
0x117: {  	[sflag:s20] =	ssyncset.done $0x0  }
0x118: {  	[sflag:s20] =	ssyncadd.s32 $0xFFFFFF80  }
0x119: {  	_ =	swait.ge [sflag:s20], $0x80  }
0x11a: {  	[sflag:s20] =	ssyncset.done $0x0  }
0x11b: {  	[sflag:s20] =	ssyncadd.s32 $0xFFFFFF80  }
0x11c: {  	_ =	swait.ge [sflag:s20], $0x80  }
0x11d: {  	[sflag:s20] =	ssyncset.done $0x0  }
0x11e: {  	[sflag:s20] =	ssyncadd.s32 $0xFFFFFF80  }
0x11f: {  	_ =	swait.ge [sflag:s20], $0x80  }
0x120: {  	[sflag:s20] =	ssyncset.done $0x0  }
0x121: {  	[sflag:s20] =	ssyncadd.s32 $0xFFFFFF80  }
0x122: {  	[bflag:$0x0] =	sbarrier.arrive $0xFFFF  }
0x123: {  	[tilespmem:s21], [sflag:$0x2] =	stream.linear.gather [spmem:s11], $0x1B00, $0x38;
	[tilespmem:$0x13E88] =	vst v63  }
0x124: {  	_ =	swait.ge [sflag:s17], $0x1B00  }
0x125: {  	[sflag:s17] =	ssyncset.done $0x0  }
0x126: {  	s31 =	simm.s32 $0x0;
	[sflag:s17] =	ssyncadd.s32 $0xFFFFE500  }
0x127: {  	[tilespmem:s22], [sflag:$0x2] =	stream.linear.gather [hbm4b:s12+s31], $0x1B00, $0x38;
	[tilespmem:$0x13E88] =	vst v63  }
0x128: {  	_ =	swait.ge [sflag:s17], $0x1B00  }
0x129: {  	[sflag:s17] =	ssyncset.done $0x0  }
0x12a: {  	s23 =	simm.s32 $0x0;
	[sflag:s17] =	ssyncadd.s32 $0xFFFFE500  }
0x12b: {  	v2 =	vld [tilespmem:s23+$0x9B70]  }
0x12c: {  	v3 =	vld [tilespmem:s23+$0x8070]  }
0x12d: {  	v6 =	vld [tilespmem:s23+$0x9B00]  }
0x12e: {  	v7 =	vld [tilespmem:s23+$0x9B10]  }
0x12f: {  	v8 =	vld [tilespmem:s23+$0x9B20]  }
0x130: {  	v9 =	vld [tilespmem:s23+$0x9B30]  }
0x131: {  	v10 =	vld [tilespmem:s23+$0x9B40]  }
0x132: {  	v11 =	vld [tilespmem:s23+$0x9B50]  }
0x133: {  	v12 =	vld [tilespmem:s23+$0x9B60];
	vm0 =	vgt.f32 v2, $0.0e+00  }
0x134: {  	v2 =	vnsel vm0, $0x1B000, v3;
	v3 =	vld [tilespmem:s23+$0x8000]  }
0x135: {  	v13 =	vld [tilespmem:s23+$0x8010]  }
0x136: {  	v5 =	vld [tilespmem:s23+$0x8020]  }
0x137: {  	v4 =	vld [tilespmem:s23+$0x8030]  }
0x138: {  	vm5 =	vgt.f32 v7, $0.0e+00;
	vm4 =	vgt.f32 v8, $0.0e+00;
	vm0 =	vgt.f32 v6, $0.0e+00;
	[tilespmem:s23+$0xB670] =	vst v2;
	v2 =	vld [tilespmem:s23+$0x8040]  }
0x139: {  	vm3 =	vgt.f32 v9, $0.0e+00;
	vm2 =	vgt.f32 v10, $0.0e+00;
	v6 =	vnsel vm0, $0x1B000, v3;
	v3 =	vld [tilespmem:s23+$0x8050]  }
0x13a: {  	s24 =	simm.s32 $0x80;
	s25 =	simm.s32 $0x400;
	vm1 =	vgt.f32 v11, $0.0e+00;
	v7 =	vnsel vm5, $0x1B000, v13;
	vm0 =	vgt.f32 v12, $0.0e+00;
	[tilespmem:s23+$0xB600] =	vst v6;
	v6 =	vld [tilespmem:s23+$0x8060]  }
.LBB2_8:
0x13b: {  	p0 =	sne.s32 s25, $0x6A00;
	v8 =	vld [tilespmem:s24+$0x9B70];
	[tilespmem:s23+$0xB610] =	vst v7;
	v5 =	vnsel vm4, $0x1B000, v5  }
0x13c: {  	v7 =	vld [tilespmem:s24+$0x8070];
	[tilespmem:s23+$0xB620] =	vst v5;
	v4 =	vnsel vm3, $0x1B000, v4  }
0x13d: {  	v5 =	vld [tilespmem:s24+$0x9B00];
	[tilespmem:s23+$0xB630] =	vst v4;
	v2 =	vnsel vm2, $0x1B000, v2  }
0x13e: {  	v4 =	vld [tilespmem:s24+$0x9B10];
	[tilespmem:s23+$0xB640] =	vst v2;
	v2 =	vnsel vm1, $0x1B000, v3  }
0x13f: {  	v3 =	vld [tilespmem:s24+$0x9B20];
	[tilespmem:s23+$0xB650] =	vst v2;
	v2 =	vnsel vm0, $0x1B000, v6  }
0x140: {  	v6 =	vld [tilespmem:s24+$0x9B30];
	vm0 =	vgt.f32 v8, $0.0e+00;
	[tilespmem:s23+$0xB660] =	vst v2;
	s23 =	smov.u32 s24  }
0x141: {  	v2 =	vld [tilespmem:s23+$0x9B40];
	v7 =	vnsel vm0, $0x1B000, v7  }
0x142: {  	vm5 =	vgt.f32 v5, $0.0e+00;
	v8 =	vld [tilespmem:s23+$0x9B50];
	[tilespmem:s23+$0xB670] =	vst v7  }
0x143: {  	vm6 =	vgt.f32 v4, $0.0e+00;
	v7 =	vld [tilespmem:s23+$0x9B60]  }
0x144: {  	v9 =	vld [tilespmem:s23+$0x8000];
	vm4 =	vgt.f32 v3, $0.0e+00  }
0x145: {  	v10 =	vld [tilespmem:s23+$0x8010];
	vm3 =	vgt.f32 v6, $0.0e+00  }
.Ltmp3:
0x146: {  	v5 =	vld [tilespmem:s23+$0x8020];
	vm2 =	vgt.f32 v2, $0.0e+00;
	(pc) =	sbr.rel @p0 .LBB2_8-.Ltmp3, $4  }
0x147: {  	v4 =	vld [tilespmem:s23+$0x8030];
	vm1 =	vgt.f32 v8, $0.0e+00  }
0x148: {  	v2 =	vld [tilespmem:s23+$0x8040];
	vm0 =	vgt.f32 v7, $0.0e+00  }
0x149: {  	v6 =	vnsel vm5, $0x1B000, v9;
	v3 =	vld [tilespmem:s23+$0x8050]  }
0x14a: {  	s24 =	sshra.s32 s25, $0x2;
	s25 =	sadd.s32 $0x200, s25;
	[tilespmem:s23+$0xB600] =	vst v6;
	v7 =	vnsel vm6, $0x1B000, v10;
	v6 =	vld [tilespmem:s23+$0x8060]  }
0x14b: {  	v8 =	vld [tilespmem:s24+$0x9B70];
	[tilespmem:s23+$0xB610] =	vst v7;
	v5 =	vnsel vm4, $0x1B000, v5  }
0x14c: {  	v7 =	vld [tilespmem:s24+$0x8070];
	[tilespmem:s23+$0xB620] =	vst v5;
	v4 =	vnsel vm3, $0x1B000, v4  }
0x14d: {  	v5 =	vld [tilespmem:s24+$0x9B00];
	[tilespmem:s23+$0xB630] =	vst v4;
	v2 =	vnsel vm2, $0x1B000, v2  }
0x14e: {  	v4 =	vld [tilespmem:s24+$0x9B10];
	[tilespmem:s23+$0xB640] =	vst v2;
	v2 =	vnsel vm1, $0x1B000, v3  }
0x14f: {  	v3 =	vld [tilespmem:s24+$0x9B20];
	[tilespmem:s23+$0xB650] =	vst v2;
	v2 =	vnsel vm0, $0x1B000, v6  }
0x150: {  	v59 =	vld [tilespmem:s24+$0x9B30];
	[tilespmem:s23+$0xB660] =	vst v2  }
0x151: {  	v2 =	vld [tilespmem:s24+$0x9B40]  }
0x152: {  	v60 =	vld [tilespmem:s24+$0x9B50]  }
0x153: {  	v61 =	vld [tilespmem:s24+$0x9B60]  }
0x154: {  	v9 =	vld [tilespmem:s24+$0x8000]  }
0x155: {  	v10 =	vld [tilespmem:s24+$0x8010]  }
0x156: {  	v12 =	vld [tilespmem:s24+$0x8030]  }
0x157: {  	vm8 =	vgt.f32 v8, $0.0e+00;
	v11 =	vld [tilespmem:s24+$0x8020]  }
0x158: {  	v7 =	vnsel vm8, $0x1B000, v7;
	v62 =	vld [tilespmem:s24+$0x8040];
	vm9 =	vgt.f32 v5, $0.0e+00  }
0x159: {  	v13 =	vld [tilespmem:s24+$0x8050];
	[tilespmem:s24+$0xB670] =	vst v7;
	vm10 =	vgt.f32 v4, $0.0e+00;
	v9 =	vnsel vm9, $0x1B000, v9  }
0x15a: {  	v63 =	vld [tilespmem:s24+$0x8060];
	vm11 =	vgt.f32 v3, $0.0e+00;
	vm12 =	vgt.f32 v59, $0.0e+00;
	v3 =	vnsel vm10, $0x1B000, v10;
	[tilespmem:s24+$0xB600] =	vst v9  }
0x15b: {  	vm13 =	vgt.f32 v2, $0.0e+00;
	v2 =	vnsel vm12, $0x1B000, v12;
	[tilespmem:s24+$0xB610] =	vst v3  }
0x15c: {  	v3 =	vnsel vm11, $0x1B000, v11;
	[tilespmem:s24+$0xB630] =	vst v2  }
0x15d: {  	vm14 =	vgt.f32 v60, $0.0e+00;
	v2 =	vnsel vm13, $0x1B000, v62;
	[tilespmem:s24+$0xB620] =	vst v3  }
0x15e: {  	vm15 =	vgt.f32 v61, $0.0e+00;
	[tilespmem:s24+$0xB640] =	vst v2;
	v2 =	vnsel vm14, $0x1B000, v13  }
0x15f: {  	[tilespmem:s24+$0xB650] =	vst v2;
	v2 =	vnsel vm15, $0x1B000, v63  }
0x160: {  	s30 =	simm.s32 $0xB600;
	[tilespmem:s24+$0xB660] =	vst v2  }
0x161: {  	[spmem:s3] =	stream.indirect.scatter.add.f32 [tilespmem:s19], [sflag:$0x1], $0x1, s30, s18, $0xb8;
	[tilespmem:$0x13E88] =	vst v63  }
0x162: {  	s31 =	simm.s32 $0xB680  }
0x163: {  	[spmem:s3] =	stream.indirect.scatter.add.f32 [tilespmem:s19], [sflag:$0x1], $0x1, s31, s18, $0xb8;
	[tilespmem:$0x13E88] =	vst v63  }
0x164: {  	s24 =	simm.s32 $0xB700  }
0x165: {  	[spmem:s3] =	stream.indirect.scatter.add.f32 [tilespmem:s19], [sflag:$0x1], $0x1, s24, s18, $0xb8;
	[tilespmem:$0x13E88] =	vst v63  }
0x166: {  	s25 =	simm.s32 $0xB780  }
0x167: {  	[spmem:s3] =	stream.indirect.scatter.add.f32 [tilespmem:s19], [sflag:$0x1], $0x1, s25, s18, $0xb8;
	[tilespmem:$0x13E88] =	vst v63  }
0x168: {  	s26 =	simm.s32 $0xB800  }
0x169: {  	[spmem:s3] =	stream.indirect.scatter.add.f32 [tilespmem:s19], [sflag:$0x1], $0x1, s26, s18, $0xb8;
	[tilespmem:$0x13E88] =	vst v63  }
0x16a: {  	s28 =	simm.s32 $0xB880  }
0x16b: {  	[spmem:s3] =	stream.indirect.scatter.add.f32 [tilespmem:s19], [sflag:$0x1], $0x1, s28, s18, $0xb8;
	[tilespmem:$0x13E88] =	vst v63  }
0x16c: {  	s29 =	simm.s32 $0xB900  }
0x16d: {  	[spmem:s3] =	stream.indirect.scatter.add.f32 [tilespmem:s19], [sflag:$0x1], $0x1, s29, s18, $0xb8;
	[tilespmem:$0x13E88] =	vst v63  }
0x16e: {  	s30 =	simm.s32 $0xB980  }
0x16f: {  	[spmem:s3] =	stream.indirect.scatter.add.f32 [tilespmem:s19], [sflag:$0x1], $0x1, s30, s18, $0xb8;
	[tilespmem:$0x13E88] =	vst v63  }
0x170: {  	s31 =	simm.s32 $0xBA00  }
0x171: {  	[spmem:s3] =	stream.indirect.scatter.add.f32 [tilespmem:s19], [sflag:$0x1], $0x1, s31, s18, $0xb8;
	[tilespmem:$0x13E88] =	vst v63  }
0x172: {  	_ =	swait.ge [sflag:s20], $0x80  }
0x173: {  	[sflag:s20] =	ssyncset.done $0x0  }
0x174: {  	[sflag:s20] =	ssyncadd.s32 $0xFFFFFF80  }
0x175: {  	_ =	swait.ge [sflag:s20], $0x80  }
0x176: {  	[sflag:s20] =	ssyncset.done $0x0  }
0x177: {  	[sflag:s20] =	ssyncadd.s32 $0xFFFFFF80  }
0x178: {  	_ =	swait.ge [sflag:s20], $0x80  }
0x179: {  	[sflag:s20] =	ssyncset.done $0x0  }
0x17a: {  	[sflag:s20] =	ssyncadd.s32 $0xFFFFFF80  }
0x17b: {  	_ =	swait.ge [sflag:s20], $0x80  }
0x17c: {  	[sflag:s20] =	ssyncset.done $0x0  }
0x17d: {  	[sflag:s20] =	ssyncadd.s32 $0xFFFFFF80  }
0x17e: {  	_ =	swait.ge [sflag:s20], $0x80  }
0x17f: {  	[sflag:s20] =	ssyncset.done $0x0  }
0x180: {  	[sflag:s20] =	ssyncadd.s32 $0xFFFFFF80  }
0x181: {  	_ =	swait.ge [sflag:s20], $0x80  }
0x182: {  	[sflag:s20] =	ssyncset.done $0x0  }
0x183: {  	[sflag:s20] =	ssyncadd.s32 $0xFFFFFF80  }
0x184: {  	_ =	swait.ge [sflag:s20], $0x80  }
0x185: {  	[sflag:s20] =	ssyncset.done $0x0  }
0x186: {  	[sflag:s20] =	ssyncadd.s32 $0xFFFFFF80  }
0x187: {  	_ =	swait.ge [sflag:s20], $0x80  }
0x188: {  	[sflag:s20] =	ssyncset.done $0x0  }
0x189: {  	[sflag:s20] =	ssyncadd.s32 $0xFFFFFF80  }
0x18a: {  	_ =	swait.ge [sflag:s20], $0x80  }
0x18b: {  	s25 =	simm.s32 $0x480;
	s26 =	simm.s32 $0x2400;
	[sflag:s20] =	ssyncset.done $0x0  }
.LBB2_10:
0x18c: {  	s28 =	sadd.s32 $0xB600, s25  }
0x18d: {  	[sflag:s20] =	ssyncadd.s32 $0xFFFFFF80;
	s24 =	smov.u32 s26;
	s23 =	sadd.s32 $0x1200, s26  }
0x18e: {  	[spmem:s3] =	stream.indirect.scatter.add.f32 [tilespmem:s19], [sflag:$0x1], $0x1, s28, s18, $0xb8;
	[tilespmem:$0x13E88] =	vst v63  }
0x18f: {  	p0 =	sne.s32 s26, $0x5A00;
	s26 =	sadd.s32 $0xB680, s25  }
0x190: {  	[spmem:s3] =	stream.indirect.scatter.add.f32 [tilespmem:s19], [sflag:$0x1], $0x1, s26, s18, $0xb8;
	[tilespmem:$0x13E88] =	vst v63  }
0x191: {  	s26 =	sadd.s32 $0xB700, s25  }
0x192: {  	[spmem:s3] =	stream.indirect.scatter.add.f32 [tilespmem:s19], [sflag:$0x1], $0x1, s26, s18, $0xb8;
	[tilespmem:$0x13E88] =	vst v63  }
0x193: {  	s26 =	sadd.s32 $0xB780, s25  }
0x194: {  	[spmem:s3] =	stream.indirect.scatter.add.f32 [tilespmem:s19], [sflag:$0x1], $0x1, s26, s18, $0xb8;
	[tilespmem:$0x13E88] =	vst v63  }
0x195: {  	s26 =	sadd.s32 $0xB800, s25  }
0x196: {  	[spmem:s3] =	stream.indirect.scatter.add.f32 [tilespmem:s19], [sflag:$0x1], $0x1, s26, s18, $0xb8;
	[tilespmem:$0x13E88] =	vst v63  }
0x197: {  	s26 =	sadd.s32 $0xB880, s25  }
0x198: {  	[spmem:s3] =	stream.indirect.scatter.add.f32 [tilespmem:s19], [sflag:$0x1], $0x1, s26, s18, $0xb8;
	[tilespmem:$0x13E88] =	vst v63  }
0x199: {  	s26 =	sadd.s32 $0xB900, s25  }
0x19a: {  	[spmem:s3] =	stream.indirect.scatter.add.f32 [tilespmem:s19], [sflag:$0x1], $0x1, s26, s18, $0xb8;
	[tilespmem:$0x13E88] =	vst v63  }
0x19b: {  	s26 =	sadd.s32 $0xB980, s25  }
0x19c: {  	[spmem:s3] =	stream.indirect.scatter.add.f32 [tilespmem:s19], [sflag:$0x1], $0x1, s26, s18, $0xb8;
	[tilespmem:$0x13E88] =	vst v63  }
0x19d: {  	s25 =	sadd.s32 $0xBA00, s25  }
0x19e: {  	[spmem:s3] =	stream.indirect.scatter.add.f32 [tilespmem:s19], [sflag:$0x1], $0x1, s25, s18, $0xb8;
	[tilespmem:$0x13E88] =	vst v63  }
0x19f: {  	_ =	swait.ge [sflag:s20], $0x80  }
0x1a0: {  	[sflag:s20] =	ssyncset.done $0x0  }
0x1a1: {  	[sflag:s20] =	ssyncadd.s32 $0xFFFFFF80  }
0x1a2: {  	_ =	swait.ge [sflag:s20], $0x80  }
0x1a3: {  	[sflag:s20] =	ssyncset.done $0x0  }
0x1a4: {  	[sflag:s20] =	ssyncadd.s32 $0xFFFFFF80  }
0x1a5: {  	_ =	swait.ge [sflag:s20], $0x80  }
0x1a6: {  	[sflag:s20] =	ssyncset.done $0x0  }
0x1a7: {  	[sflag:s20] =	ssyncadd.s32 $0xFFFFFF80  }
0x1a8: {  	_ =	swait.ge [sflag:s20], $0x80  }
0x1a9: {  	[sflag:s20] =	ssyncset.done $0x0  }
0x1aa: {  	[sflag:s20] =	ssyncadd.s32 $0xFFFFFF80  }
0x1ab: {  	_ =	swait.ge [sflag:s20], $0x80  }
0x1ac: {  	[sflag:s20] =	ssyncset.done $0x0  }
0x1ad: {  	[sflag:s20] =	ssyncadd.s32 $0xFFFFFF80  }
0x1ae: {  	_ =	swait.ge [sflag:s20], $0x80  }
0x1af: {  	[sflag:s20] =	ssyncset.done $0x0  }
0x1b0: {  	[sflag:s20] =	ssyncadd.s32 $0xFFFFFF80  }
0x1b1: {  	_ =	swait.ge [sflag:s20], $0x80  }
0x1b2: {  	[sflag:s20] =	ssyncset.done $0x0  }
0x1b3: {  	[sflag:s20] =	ssyncadd.s32 $0xFFFFFF80  }
.Ltmp4:
0x1b4: {  	_ =	swait.ge [sflag:s20], $0x80;
	(pc) =	sbr.rel @p0 .LBB2_10-.Ltmp4, $4  }
0x1b5: {  	[sflag:s20] =	ssyncset.done $0x0  }
0x1b6: {  	[sflag:s20] =	ssyncadd.s32 $0xFFFFFF80  }
0x1b7: {  	_ =	swait.ge [sflag:s20], $0x80  }
0x1b8: {  	s26 =	smov.u32 s23;
	s25 =	sshra.s32 s24, $0x2;
	[sflag:s20] =	ssyncset.done $0x0  }
0x1b9: {  	s23 =	sadd.s32 $0xB600, s25;
	[sflag:s20] =	ssyncadd.s32 $0xFFFFFF80  }
0x1ba: {  	[spmem:s3] =	stream.indirect.scatter.add.f32 [tilespmem:s19], [sflag:$0x1], $0x1, s23, s18, $0xb8;
	[tilespmem:$0x13E88] =	vst v63  }
0x1bb: {  	s29 =	sadd.s32 $0xB680, s25  }
0x1bc: {  	[spmem:s3] =	stream.indirect.scatter.add.f32 [tilespmem:s19], [sflag:$0x1], $0x1, s29, s18, $0xb8;
	[tilespmem:$0x13E88] =	vst v63  }
0x1bd: {  	s30 =	sadd.s32 $0xB700, s25  }
0x1be: {  	[spmem:s3] =	stream.indirect.scatter.add.f32 [tilespmem:s19], [sflag:$0x1], $0x1, s30, s18, $0xb8;
	[tilespmem:$0x13E88] =	vst v63  }
0x1bf: {  	s31 =	sadd.s32 $0xB780, s25  }
0x1c0: {  	[spmem:s3] =	stream.indirect.scatter.add.f32 [tilespmem:s19], [sflag:$0x1], $0x1, s31, s18, $0xb8;
	[tilespmem:$0x13E88] =	vst v63  }
0x1c1: {  	s24 =	sadd.s32 $0xB800, s25  }
0x1c2: {  	[spmem:s3] =	stream.indirect.scatter.add.f32 [tilespmem:s19], [sflag:$0x1], $0x1, s24, s18, $0xb8;
	[tilespmem:$0x13E88] =	vst v63  }
0x1c3: {  	s26 =	sadd.s32 $0xB880, s25  }
0x1c4: {  	[spmem:s3] =	stream.indirect.scatter.add.f32 [tilespmem:s19], [sflag:$0x1], $0x1, s26, s18, $0xb8;
	[tilespmem:$0x13E88] =	vst v63  }
0x1c5: {  	s28 =	sadd.s32 $0xB900, s25  }
0x1c6: {  	[spmem:s3] =	stream.indirect.scatter.add.f32 [tilespmem:s19], [sflag:$0x1], $0x1, s28, s18, $0xb8;
	[tilespmem:$0x13E88] =	vst v63  }
0x1c7: {  	s29 =	sadd.s32 $0xB980, s25  }
0x1c8: {  	[spmem:s3] =	stream.indirect.scatter.add.f32 [tilespmem:s19], [sflag:$0x1], $0x1, s29, s18, $0xb8;
	[tilespmem:$0x13E88] =	vst v63  }
0x1c9: {  	s30 =	sadd.s32 $0xBA00, s25  }
0x1ca: {  	[spmem:s3] =	stream.indirect.scatter.add.f32 [tilespmem:s19], [sflag:$0x1], $0x1, s30, s18, $0xb8;
	[tilespmem:$0x13E88] =	vst v63  }
0x1cb: {  	_ =	swait.ge [sflag:s20], $0x80  }
0x1cc: {  	[sflag:s20] =	ssyncset.done $0x0  }
0x1cd: {  	[sflag:s20] =	ssyncadd.s32 $0xFFFFFF80  }
0x1ce: {  	_ =	swait.ge [sflag:s20], $0x80  }
0x1cf: {  	[sflag:s20] =	ssyncset.done $0x0  }
0x1d0: {  	[sflag:s20] =	ssyncadd.s32 $0xFFFFFF80  }
0x1d1: {  	_ =	swait.ge [sflag:s20], $0x80  }
0x1d2: {  	[sflag:s20] =	ssyncset.done $0x0  }
0x1d3: {  	[sflag:s20] =	ssyncadd.s32 $0xFFFFFF80  }
0x1d4: {  	_ =	swait.ge [sflag:s20], $0x80  }
0x1d5: {  	[sflag:s20] =	ssyncset.done $0x0  }
0x1d6: {  	[sflag:s20] =	ssyncadd.s32 $0xFFFFFF80  }
0x1d7: {  	_ =	swait.ge [sflag:s20], $0x80  }
0x1d8: {  	[sflag:s20] =	ssyncset.done $0x0  }
0x1d9: {  	[sflag:s20] =	ssyncadd.s32 $0xFFFFFF80  }
0x1da: {  	_ =	swait.ge [sflag:s20], $0x80  }
0x1db: {  	[sflag:s20] =	ssyncset.done $0x0  }
0x1dc: {  	[sflag:s20] =	ssyncadd.s32 $0xFFFFFF80  }
0x1dd: {  	_ =	swait.ge [sflag:s20], $0x80  }
0x1de: {  	[sflag:s20] =	ssyncset.done $0x0  }
0x1df: {  	[sflag:s20] =	ssyncadd.s32 $0xFFFFFF80  }
0x1e0: {  	_ =	swait.ge [sflag:s20], $0x80  }
0x1e1: {  	[sflag:s20] =	ssyncset.done $0x0  }
0x1e2: {  	[sflag:s20] =	ssyncadd.s32 $0xFFFFFF80  }
0x1e3: {  	_ =	swait.ge [sflag:s20], $0x80  }
0x1e4: {  	[sflag:s20] =	ssyncset.done $0x0  }
0x1e5: {  	s31 =	simm.s32 $0x0;
	[sflag:s20] =	ssyncadd.s32 $0xFFFFFF80  }
0x1e6: {  	[tilespmem:s22], [sflag:$0x2] =	stream.linear.gather [hbm4b:s13+s31], $0x1B00, $0x38;
	[tilespmem:$0x13E88] =	vst v63  }
0x1e7: {  	_ =	swait.ge [sflag:s17], $0x1B00  }
0x1e8: {  	[sflag:s17] =	ssyncset.done $0x0  }
0x1e9: {  	s23 =	simm.s32 $0x0;
	[sflag:s17] =	ssyncadd.s32 $0xFFFFE500  }
0x1ea: {  	v2 =	vld [tilespmem:s23+$0x9B70]  }
0x1eb: {  	v3 =	vld [tilespmem:s23+$0x8070]  }
0x1ec: {  	v6 =	vld [tilespmem:s23+$0x9B00]  }
0x1ed: {  	v7 =	vld [tilespmem:s23+$0x9B10]  }
0x1ee: {  	v8 =	vld [tilespmem:s23+$0x9B20]  }
0x1ef: {  	v9 =	vld [tilespmem:s23+$0x9B30]  }
0x1f0: {  	v10 =	vld [tilespmem:s23+$0x9B40]  }
0x1f1: {  	v11 =	vld [tilespmem:s23+$0x9B50]  }
0x1f2: {  	v12 =	vld [tilespmem:s23+$0x9B60];
	vm0 =	vgt.f32 v2, $0.0e+00  }
0x1f3: {  	v2 =	vnsel vm0, $0x1B000, v3;
	v3 =	vld [tilespmem:s23+$0x8000]  }
0x1f4: {  	v13 =	vld [tilespmem:s23+$0x8010]  }
0x1f5: {  	v5 =	vld [tilespmem:s23+$0x8020]  }
0x1f6: {  	v4 =	vld [tilespmem:s23+$0x8030]  }
0x1f7: {  	vm5 =	vgt.f32 v7, $0.0e+00;
	vm4 =	vgt.f32 v8, $0.0e+00;
	vm0 =	vgt.f32 v6, $0.0e+00;
	[tilespmem:s23+$0xB670] =	vst v2;
	v2 =	vld [tilespmem:s23+$0x8040]  }
0x1f8: {  	vm3 =	vgt.f32 v9, $0.0e+00;
	vm2 =	vgt.f32 v10, $0.0e+00;
	v6 =	vnsel vm0, $0x1B000, v3;
	v3 =	vld [tilespmem:s23+$0x8050]  }
0x1f9: {  	s25 =	simm.s32 $0x400;
	s24 =	simm.s32 $0x80;
	vm1 =	vgt.f32 v11, $0.0e+00;
	v7 =	vnsel vm5, $0x1B000, v13;
	vm0 =	vgt.f32 v12, $0.0e+00;
	[tilespmem:s23+$0xB600] =	vst v6;
	v6 =	vld [tilespmem:s23+$0x8060]  }
.LBB2_12:
0x1fa: {  	p0 =	sne.s32 s25, $0x6A00;
	v8 =	vld [tilespmem:s24+$0x9B70];
	[tilespmem:s23+$0xB610] =	vst v7;
	v5 =	vnsel vm4, $0x1B000, v5  }
0x1fb: {  	v7 =	vld [tilespmem:s24+$0x8070];
	[tilespmem:s23+$0xB620] =	vst v5;
	v4 =	vnsel vm3, $0x1B000, v4  }
0x1fc: {  	v5 =	vld [tilespmem:s24+$0x9B00];
	[tilespmem:s23+$0xB630] =	vst v4;
	v2 =	vnsel vm2, $0x1B000, v2  }
0x1fd: {  	v4 =	vld [tilespmem:s24+$0x9B10];
	[tilespmem:s23+$0xB640] =	vst v2;
	v2 =	vnsel vm1, $0x1B000, v3  }
0x1fe: {  	v3 =	vld [tilespmem:s24+$0x9B20];
	[tilespmem:s23+$0xB650] =	vst v2;
	v2 =	vnsel vm0, $0x1B000, v6  }
0x1ff: {  	v6 =	vld [tilespmem:s24+$0x9B30];
	vm0 =	vgt.f32 v8, $0.0e+00;
	[tilespmem:s23+$0xB660] =	vst v2;
	s23 =	smov.u32 s24  }
0x200: {  	v2 =	vld [tilespmem:s23+$0x9B40];
	v7 =	vnsel vm0, $0x1B000, v7  }
0x201: {  	vm5 =	vgt.f32 v5, $0.0e+00;
	v8 =	vld [tilespmem:s23+$0x9B50];
	[tilespmem:s23+$0xB670] =	vst v7  }
0x202: {  	vm6 =	vgt.f32 v4, $0.0e+00;
	v7 =	vld [tilespmem:s23+$0x9B60]  }
0x203: {  	v9 =	vld [tilespmem:s23+$0x8000];
	vm4 =	vgt.f32 v3, $0.0e+00  }
0x204: {  	v10 =	vld [tilespmem:s23+$0x8010];
	vm3 =	vgt.f32 v6, $0.0e+00  }
.Ltmp5:
0x205: {  	v5 =	vld [tilespmem:s23+$0x8020];
	vm2 =	vgt.f32 v2, $0.0e+00;
	(pc) =	sbr.rel @p0 .LBB2_12-.Ltmp5, $4  }
0x206: {  	v4 =	vld [tilespmem:s23+$0x8030];
	vm1 =	vgt.f32 v8, $0.0e+00  }
0x207: {  	v2 =	vld [tilespmem:s23+$0x8040];
	vm0 =	vgt.f32 v7, $0.0e+00  }
0x208: {  	v6 =	vnsel vm5, $0x1B000, v9;
	v3 =	vld [tilespmem:s23+$0x8050]  }
0x209: {  	s24 =	sshra.s32 s25, $0x2;
	s25 =	sadd.s32 $0x200, s25;
	[tilespmem:s23+$0xB600] =	vst v6;
	v7 =	vnsel vm6, $0x1B000, v10;
	v6 =	vld [tilespmem:s23+$0x8060]  }
0x20a: {  	v8 =	vld [tilespmem:s24+$0x9B70];
	[tilespmem:s23+$0xB610] =	vst v7;
	v5 =	vnsel vm4, $0x1B000, v5  }
0x20b: {  	v7 =	vld [tilespmem:s24+$0x8070];
	[tilespmem:s23+$0xB620] =	vst v5;
	v4 =	vnsel vm3, $0x1B000, v4  }
0x20c: {  	v5 =	vld [tilespmem:s24+$0x9B00];
	[tilespmem:s23+$0xB630] =	vst v4;
	v2 =	vnsel vm2, $0x1B000, v2  }
0x20d: {  	v4 =	vld [tilespmem:s24+$0x9B10];
	[tilespmem:s23+$0xB640] =	vst v2;
	v2 =	vnsel vm1, $0x1B000, v3  }
0x20e: {  	v3 =	vld [tilespmem:s24+$0x9B20];
	[tilespmem:s23+$0xB650] =	vst v2;
	v2 =	vnsel vm0, $0x1B000, v6  }
0x20f: {  	v59 =	vld [tilespmem:s24+$0x9B30];
	[tilespmem:s23+$0xB660] =	vst v2  }
0x210: {  	v2 =	vld [tilespmem:s24+$0x9B40]  }
0x211: {  	v60 =	vld [tilespmem:s24+$0x9B50]  }
0x212: {  	v61 =	vld [tilespmem:s24+$0x9B60]  }
0x213: {  	v9 =	vld [tilespmem:s24+$0x8000]  }
0x214: {  	v10 =	vld [tilespmem:s24+$0x8010]  }
0x215: {  	v12 =	vld [tilespmem:s24+$0x8030]  }
0x216: {  	vm8 =	vgt.f32 v8, $0.0e+00;
	v11 =	vld [tilespmem:s24+$0x8020]  }
0x217: {  	v7 =	vnsel vm8, $0x1B000, v7;
	v62 =	vld [tilespmem:s24+$0x8040];
	vm9 =	vgt.f32 v5, $0.0e+00  }
0x218: {  	v13 =	vld [tilespmem:s24+$0x8050];
	[tilespmem:s24+$0xB670] =	vst v7;
	vm10 =	vgt.f32 v4, $0.0e+00;
	v9 =	vnsel vm9, $0x1B000, v9  }
0x219: {  	v63 =	vld [tilespmem:s24+$0x8060];
	vm11 =	vgt.f32 v3, $0.0e+00;
	vm12 =	vgt.f32 v59, $0.0e+00;
	v3 =	vnsel vm10, $0x1B000, v10;
	[tilespmem:s24+$0xB600] =	vst v9  }
0x21a: {  	vm13 =	vgt.f32 v2, $0.0e+00;
	v2 =	vnsel vm12, $0x1B000, v12;
	[tilespmem:s24+$0xB610] =	vst v3  }
0x21b: {  	v3 =	vnsel vm11, $0x1B000, v11;
	[tilespmem:s24+$0xB630] =	vst v2  }
0x21c: {  	vm14 =	vgt.f32 v60, $0.0e+00;
	v2 =	vnsel vm13, $0x1B000, v62;
	[tilespmem:s24+$0xB620] =	vst v3  }
0x21d: {  	vm15 =	vgt.f32 v61, $0.0e+00;
	[tilespmem:s24+$0xB640] =	vst v2;
	v2 =	vnsel vm14, $0x1B000, v13  }
0x21e: {  	[tilespmem:s24+$0xB650] =	vst v2;
	v2 =	vnsel vm15, $0x1B000, v63  }
0x21f: {  	s30 =	simm.s32 $0xB600;
	[tilespmem:s24+$0xB660] =	vst v2  }
0x220: {  	[spmem:s3] =	stream.indirect.scatter.add.f32 [tilespmem:s19], [sflag:$0x1], $0x1, s30, s18, $0xb8;
	[tilespmem:$0x13E88] =	vst v63  }
0x221: {  	s31 =	simm.s32 $0xB680  }
0x222: {  	[spmem:s3] =	stream.indirect.scatter.add.f32 [tilespmem:s19], [sflag:$0x1], $0x1, s31, s18, $0xb8;
	[tilespmem:$0x13E88] =	vst v63  }
0x223: {  	s24 =	simm.s32 $0xB700  }
0x224: {  	[spmem:s3] =	stream.indirect.scatter.add.f32 [tilespmem:s19], [sflag:$0x1], $0x1, s24, s18, $0xb8;
	[tilespmem:$0x13E88] =	vst v63  }
0x225: {  	s25 =	simm.s32 $0xB780  }
0x226: {  	[spmem:s3] =	stream.indirect.scatter.add.f32 [tilespmem:s19], [sflag:$0x1], $0x1, s25, s18, $0xb8;
	[tilespmem:$0x13E88] =	vst v63  }
0x227: {  	s26 =	simm.s32 $0xB800  }
0x228: {  	[spmem:s3] =	stream.indirect.scatter.add.f32 [tilespmem:s19], [sflag:$0x1], $0x1, s26, s18, $0xb8;
	[tilespmem:$0x13E88] =	vst v63  }
0x229: {  	s28 =	simm.s32 $0xB880  }
0x22a: {  	[spmem:s3] =	stream.indirect.scatter.add.f32 [tilespmem:s19], [sflag:$0x1], $0x1, s28, s18, $0xb8;
	[tilespmem:$0x13E88] =	vst v63  }
0x22b: {  	s29 =	simm.s32 $0xB900  }
0x22c: {  	[spmem:s3] =	stream.indirect.scatter.add.f32 [tilespmem:s19], [sflag:$0x1], $0x1, s29, s18, $0xb8;
	[tilespmem:$0x13E88] =	vst v63  }
0x22d: {  	s30 =	simm.s32 $0xB980  }
0x22e: {  	[spmem:s3] =	stream.indirect.scatter.add.f32 [tilespmem:s19], [sflag:$0x1], $0x1, s30, s18, $0xb8;
	[tilespmem:$0x13E88] =	vst v63  }
0x22f: {  	s31 =	simm.s32 $0xBA00  }
0x230: {  	[spmem:s3] =	stream.indirect.scatter.add.f32 [tilespmem:s19], [sflag:$0x1], $0x1, s31, s18, $0xb8;
	[tilespmem:$0x13E88] =	vst v63  }
0x231: {  	_ =	swait.ge [sflag:s20], $0x80  }
0x232: {  	[sflag:s20] =	ssyncset.done $0x0  }
0x233: {  	[sflag:s20] =	ssyncadd.s32 $0xFFFFFF80  }
0x234: {  	_ =	swait.ge [sflag:s20], $0x80  }
0x235: {  	[sflag:s20] =	ssyncset.done $0x0  }
0x236: {  	[sflag:s20] =	ssyncadd.s32 $0xFFFFFF80  }
0x237: {  	_ =	swait.ge [sflag:s20], $0x80  }
0x238: {  	[sflag:s20] =	ssyncset.done $0x0  }
0x239: {  	[sflag:s20] =	ssyncadd.s32 $0xFFFFFF80  }
0x23a: {  	_ =	swait.ge [sflag:s20], $0x80  }
0x23b: {  	[sflag:s20] =	ssyncset.done $0x0  }
0x23c: {  	[sflag:s20] =	ssyncadd.s32 $0xFFFFFF80  }
0x23d: {  	_ =	swait.ge [sflag:s20], $0x80  }
0x23e: {  	[sflag:s20] =	ssyncset.done $0x0  }
0x23f: {  	[sflag:s20] =	ssyncadd.s32 $0xFFFFFF80  }
0x240: {  	_ =	swait.ge [sflag:s20], $0x80  }
0x241: {  	[sflag:s20] =	ssyncset.done $0x0  }
0x242: {  	[sflag:s20] =	ssyncadd.s32 $0xFFFFFF80  }
0x243: {  	_ =	swait.ge [sflag:s20], $0x80  }
0x244: {  	[sflag:s20] =	ssyncset.done $0x0  }
0x245: {  	[sflag:s20] =	ssyncadd.s32 $0xFFFFFF80  }
0x246: {  	_ =	swait.ge [sflag:s20], $0x80  }
0x247: {  	[sflag:s20] =	ssyncset.done $0x0  }
0x248: {  	[sflag:s20] =	ssyncadd.s32 $0xFFFFFF80  }
0x249: {  	_ =	swait.ge [sflag:s20], $0x80  }
0x24a: {  	s25 =	simm.s32 $0x480;
	s26 =	simm.s32 $0x2400;
	[sflag:s20] =	ssyncset.done $0x0  }
.LBB2_14:
0x24b: {  	s28 =	sadd.s32 $0xB600, s25  }
0x24c: {  	[sflag:s20] =	ssyncadd.s32 $0xFFFFFF80;
	s24 =	smov.u32 s26;
	s23 =	sadd.s32 $0x1200, s26  }
0x24d: {  	[spmem:s3] =	stream.indirect.scatter.add.f32 [tilespmem:s19], [sflag:$0x1], $0x1, s28, s18, $0xb8;
	[tilespmem:$0x13E88] =	vst v63  }
0x24e: {  	p0 =	sne.s32 s26, $0x5A00;
	s26 =	sadd.s32 $0xB680, s25  }
0x24f: {  	[spmem:s3] =	stream.indirect.scatter.add.f32 [tilespmem:s19], [sflag:$0x1], $0x1, s26, s18, $0xb8;
	[tilespmem:$0x13E88] =	vst v63  }
0x250: {  	s26 =	sadd.s32 $0xB700, s25  }
0x251: {  	[spmem:s3] =	stream.indirect.scatter.add.f32 [tilespmem:s19], [sflag:$0x1], $0x1, s26, s18, $0xb8;
	[tilespmem:$0x13E88] =	vst v63  }
0x252: {  	s26 =	sadd.s32 $0xB780, s25  }
0x253: {  	[spmem:s3] =	stream.indirect.scatter.add.f32 [tilespmem:s19], [sflag:$0x1], $0x1, s26, s18, $0xb8;
	[tilespmem:$0x13E88] =	vst v63  }
0x254: {  	s26 =	sadd.s32 $0xB800, s25  }
0x255: {  	[spmem:s3] =	stream.indirect.scatter.add.f32 [tilespmem:s19], [sflag:$0x1], $0x1, s26, s18, $0xb8;
	[tilespmem:$0x13E88] =	vst v63  }
0x256: {  	s26 =	sadd.s32 $0xB880, s25  }
0x257: {  	[spmem:s3] =	stream.indirect.scatter.add.f32 [tilespmem:s19], [sflag:$0x1], $0x1, s26, s18, $0xb8;
	[tilespmem:$0x13E88] =	vst v63  }
0x258: {  	s26 =	sadd.s32 $0xB900, s25  }
0x259: {  	[spmem:s3] =	stream.indirect.scatter.add.f32 [tilespmem:s19], [sflag:$0x1], $0x1, s26, s18, $0xb8;
	[tilespmem:$0x13E88] =	vst v63  }
0x25a: {  	s26 =	sadd.s32 $0xB980, s25  }
0x25b: {  	[spmem:s3] =	stream.indirect.scatter.add.f32 [tilespmem:s19], [sflag:$0x1], $0x1, s26, s18, $0xb8;
	[tilespmem:$0x13E88] =	vst v63  }
0x25c: {  	s25 =	sadd.s32 $0xBA00, s25  }
0x25d: {  	[spmem:s3] =	stream.indirect.scatter.add.f32 [tilespmem:s19], [sflag:$0x1], $0x1, s25, s18, $0xb8;
	[tilespmem:$0x13E88] =	vst v63  }
0x25e: {  	_ =	swait.ge [sflag:s20], $0x80  }
0x25f: {  	[sflag:s20] =	ssyncset.done $0x0  }
0x260: {  	[sflag:s20] =	ssyncadd.s32 $0xFFFFFF80  }
0x261: {  	_ =	swait.ge [sflag:s20], $0x80  }
0x262: {  	[sflag:s20] =	ssyncset.done $0x0  }
0x263: {  	[sflag:s20] =	ssyncadd.s32 $0xFFFFFF80  }
0x264: {  	_ =	swait.ge [sflag:s20], $0x80  }
0x265: {  	[sflag:s20] =	ssyncset.done $0x0  }
0x266: {  	[sflag:s20] =	ssyncadd.s32 $0xFFFFFF80  }
0x267: {  	_ =	swait.ge [sflag:s20], $0x80  }
0x268: {  	[sflag:s20] =	ssyncset.done $0x0  }
0x269: {  	[sflag:s20] =	ssyncadd.s32 $0xFFFFFF80  }
0x26a: {  	_ =	swait.ge [sflag:s20], $0x80  }
0x26b: {  	[sflag:s20] =	ssyncset.done $0x0  }
0x26c: {  	[sflag:s20] =	ssyncadd.s32 $0xFFFFFF80  }
0x26d: {  	_ =	swait.ge [sflag:s20], $0x80  }
0x26e: {  	[sflag:s20] =	ssyncset.done $0x0  }
0x26f: {  	[sflag:s20] =	ssyncadd.s32 $0xFFFFFF80  }
0x270: {  	_ =	swait.ge [sflag:s20], $0x80  }
0x271: {  	[sflag:s20] =	ssyncset.done $0x0  }
0x272: {  	[sflag:s20] =	ssyncadd.s32 $0xFFFFFF80  }
.Ltmp6:
0x273: {  	_ =	swait.ge [sflag:s20], $0x80;
	(pc) =	sbr.rel @p0 .LBB2_14-.Ltmp6, $4  }
0x274: {  	[sflag:s20] =	ssyncset.done $0x0  }
0x275: {  	[sflag:s20] =	ssyncadd.s32 $0xFFFFFF80  }
0x276: {  	_ =	swait.ge [sflag:s20], $0x80  }
0x277: {  	s26 =	smov.u32 s23;
	s25 =	sshra.s32 s24, $0x2;
	[sflag:s20] =	ssyncset.done $0x0  }
0x278: {  	s23 =	sadd.s32 $0xB600, s25;
	[sflag:s20] =	ssyncadd.s32 $0xFFFFFF80  }
0x279: {  	[spmem:s3] =	stream.indirect.scatter.add.f32 [tilespmem:s19], [sflag:$0x1], $0x1, s23, s18, $0xb8;
	[tilespmem:$0x13E88] =	vst v63  }
0x27a: {  	s29 =	sadd.s32 $0xB680, s25  }
0x27b: {  	[spmem:s3] =	stream.indirect.scatter.add.f32 [tilespmem:s19], [sflag:$0x1], $0x1, s29, s18, $0xb8;
	[tilespmem:$0x13E88] =	vst v63  }
0x27c: {  	s30 =	sadd.s32 $0xB700, s25  }
0x27d: {  	[spmem:s3] =	stream.indirect.scatter.add.f32 [tilespmem:s19], [sflag:$0x1], $0x1, s30, s18, $0xb8;
	[tilespmem:$0x13E88] =	vst v63  }
0x27e: {  	s31 =	sadd.s32 $0xB780, s25  }
0x27f: {  	[spmem:s3] =	stream.indirect.scatter.add.f32 [tilespmem:s19], [sflag:$0x1], $0x1, s31, s18, $0xb8;
	[tilespmem:$0x13E88] =	vst v63  }
0x280: {  	s24 =	sadd.s32 $0xB800, s25  }
0x281: {  	[spmem:s3] =	stream.indirect.scatter.add.f32 [tilespmem:s19], [sflag:$0x1], $0x1, s24, s18, $0xb8;
	[tilespmem:$0x13E88] =	vst v63  }
0x282: {  	s26 =	sadd.s32 $0xB880, s25  }
0x283: {  	[spmem:s3] =	stream.indirect.scatter.add.f32 [tilespmem:s19], [sflag:$0x1], $0x1, s26, s18, $0xb8;
	[tilespmem:$0x13E88] =	vst v63  }
0x284: {  	s28 =	sadd.s32 $0xB900, s25  }
0x285: {  	[spmem:s3] =	stream.indirect.scatter.add.f32 [tilespmem:s19], [sflag:$0x1], $0x1, s28, s18, $0xb8;
	[tilespmem:$0x13E88] =	vst v63  }
0x286: {  	s29 =	sadd.s32 $0xB980, s25  }
0x287: {  	[spmem:s3] =	stream.indirect.scatter.add.f32 [tilespmem:s19], [sflag:$0x1], $0x1, s29, s18, $0xb8;
	[tilespmem:$0x13E88] =	vst v63  }
0x288: {  	s30 =	sadd.s32 $0xBA00, s25  }
0x289: {  	[spmem:s3] =	stream.indirect.scatter.add.f32 [tilespmem:s19], [sflag:$0x1], $0x1, s30, s18, $0xb8;
	[tilespmem:$0x13E88] =	vst v63  }
0x28a: {  	_ =	swait.ge [sflag:s20], $0x80  }
0x28b: {  	[sflag:s20] =	ssyncset.done $0x0  }
0x28c: {  	[sflag:s20] =	ssyncadd.s32 $0xFFFFFF80  }
0x28d: {  	_ =	swait.ge [sflag:s20], $0x80  }
0x28e: {  	[sflag:s20] =	ssyncset.done $0x0  }
0x28f: {  	[sflag:s20] =	ssyncadd.s32 $0xFFFFFF80  }
0x290: {  	_ =	swait.ge [sflag:s20], $0x80  }
0x291: {  	[sflag:s20] =	ssyncset.done $0x0  }
0x292: {  	[sflag:s20] =	ssyncadd.s32 $0xFFFFFF80  }
0x293: {  	_ =	swait.ge [sflag:s20], $0x80  }
0x294: {  	[sflag:s20] =	ssyncset.done $0x0  }
0x295: {  	[sflag:s20] =	ssyncadd.s32 $0xFFFFFF80  }
0x296: {  	_ =	swait.ge [sflag:s20], $0x80  }
0x297: {  	[sflag:s20] =	ssyncset.done $0x0  }
0x298: {  	[sflag:s20] =	ssyncadd.s32 $0xFFFFFF80  }
0x299: {  	_ =	swait.ge [sflag:s20], $0x80  }
0x29a: {  	[sflag:s20] =	ssyncset.done $0x0  }
0x29b: {  	[sflag:s20] =	ssyncadd.s32 $0xFFFFFF80  }
0x29c: {  	_ =	swait.ge [sflag:s20], $0x80  }
0x29d: {  	[sflag:s20] =	ssyncset.done $0x0  }
0x29e: {  	[sflag:s20] =	ssyncadd.s32 $0xFFFFFF80  }
0x29f: {  	_ =	swait.ge [sflag:s20], $0x80  }
0x2a0: {  	[sflag:s20] =	ssyncset.done $0x0  }
0x2a1: {  	[sflag:s20] =	ssyncadd.s32 $0xFFFFFF80  }
0x2a2: {  	_ =	swait.ge [sflag:s20], $0x80  }
0x2a3: {  	[sflag:s20] =	ssyncset.done $0x0  }
0x2a4: {  	s31 =	simm.s32 $0x0;
	[sflag:s20] =	ssyncadd.s32 $0xFFFFFF80  }
0x2a5: {  	[tilespmem:s22], [sflag:$0x2] =	stream.linear.gather [hbm4b:s10+s31], $0x1B00, $0x38;
	[tilespmem:$0x13E88] =	vst v63  }
0x2a6: {  	_ =	swait.ge [sflag:s17], $0x1B00  }
0x2a7: {  	[sflag:s17] =	ssyncset.done $0x0  }
0x2a8: {  	s23 =	simm.s32 $0x0;
	[sflag:s17] =	ssyncadd.s32 $0xFFFFE500  }
0x2a9: {  	v2 =	vld [tilespmem:s23+$0x9B70]  }
0x2aa: {  	v3 =	vld [tilespmem:s23+$0x8070]  }
0x2ab: {  	v6 =	vld [tilespmem:s23+$0x9B00]  }
0x2ac: {  	v7 =	vld [tilespmem:s23+$0x9B10]  }
0x2ad: {  	v8 =	vld [tilespmem:s23+$0x9B20]  }
0x2ae: {  	v9 =	vld [tilespmem:s23+$0x9B30]  }
0x2af: {  	v10 =	vld [tilespmem:s23+$0x9B40]  }
0x2b0: {  	v11 =	vld [tilespmem:s23+$0x9B50]  }
0x2b1: {  	v12 =	vld [tilespmem:s23+$0x9B60];
	vm0 =	vgt.f32 v2, $0.0e+00  }
0x2b2: {  	v2 =	vnsel vm0, $0x1B000, v3;
	v3 =	vld [tilespmem:s23+$0x8000]  }
0x2b3: {  	v13 =	vld [tilespmem:s23+$0x8010]  }
0x2b4: {  	v5 =	vld [tilespmem:s23+$0x8020]  }
0x2b5: {  	v4 =	vld [tilespmem:s23+$0x8030]  }
0x2b6: {  	vm5 =	vgt.f32 v7, $0.0e+00;
	vm4 =	vgt.f32 v8, $0.0e+00;
	vm0 =	vgt.f32 v6, $0.0e+00;
	[tilespmem:s23+$0xB670] =	vst v2;
	v2 =	vld [tilespmem:s23+$0x8040]  }
0x2b7: {  	vm3 =	vgt.f32 v9, $0.0e+00;
	vm2 =	vgt.f32 v10, $0.0e+00;
	v6 =	vnsel vm0, $0x1B000, v3;
	v3 =	vld [tilespmem:s23+$0x8050]  }
0x2b8: {  	s25 =	simm.s32 $0x400;
	s24 =	simm.s32 $0x80;
	vm1 =	vgt.f32 v11, $0.0e+00;
	v7 =	vnsel vm5, $0x1B000, v13;
	vm0 =	vgt.f32 v12, $0.0e+00;
	[tilespmem:s23+$0xB600] =	vst v6;
	v6 =	vld [tilespmem:s23+$0x8060]  }
.LBB2_16:
0x2b9: {  	p0 =	sne.s32 s25, $0x6A00;
	v8 =	vld [tilespmem:s24+$0x9B70];
	[tilespmem:s23+$0xB610] =	vst v7;
	v5 =	vnsel vm4, $0x1B000, v5  }
0x2ba: {  	v7 =	vld [tilespmem:s24+$0x8070];
	[tilespmem:s23+$0xB620] =	vst v5;
	v4 =	vnsel vm3, $0x1B000, v4  }
0x2bb: {  	v5 =	vld [tilespmem:s24+$0x9B00];
	[tilespmem:s23+$0xB630] =	vst v4;
	v2 =	vnsel vm2, $0x1B000, v2  }
0x2bc: {  	v4 =	vld [tilespmem:s24+$0x9B10];
	[tilespmem:s23+$0xB640] =	vst v2;
	v2 =	vnsel vm1, $0x1B000, v3  }
0x2bd: {  	v3 =	vld [tilespmem:s24+$0x9B20];
	[tilespmem:s23+$0xB650] =	vst v2;
	v2 =	vnsel vm0, $0x1B000, v6  }
0x2be: {  	v6 =	vld [tilespmem:s24+$0x9B30];
	vm0 =	vgt.f32 v8, $0.0e+00;
	[tilespmem:s23+$0xB660] =	vst v2;
	s23 =	smov.u32 s24  }
0x2bf: {  	v2 =	vld [tilespmem:s23+$0x9B40];
	v7 =	vnsel vm0, $0x1B000, v7  }
0x2c0: {  	vm5 =	vgt.f32 v5, $0.0e+00;
	v8 =	vld [tilespmem:s23+$0x9B50];
	[tilespmem:s23+$0xB670] =	vst v7  }
0x2c1: {  	vm6 =	vgt.f32 v4, $0.0e+00;
	v7 =	vld [tilespmem:s23+$0x9B60]  }
0x2c2: {  	v9 =	vld [tilespmem:s23+$0x8000];
	vm4 =	vgt.f32 v3, $0.0e+00  }
0x2c3: {  	v10 =	vld [tilespmem:s23+$0x8010];
	vm3 =	vgt.f32 v6, $0.0e+00  }
.Ltmp7:
0x2c4: {  	v5 =	vld [tilespmem:s23+$0x8020];
	vm2 =	vgt.f32 v2, $0.0e+00;
	(pc) =	sbr.rel @p0 .LBB2_16-.Ltmp7, $4  }
0x2c5: {  	v4 =	vld [tilespmem:s23+$0x8030];
	vm1 =	vgt.f32 v8, $0.0e+00  }
0x2c6: {  	v2 =	vld [tilespmem:s23+$0x8040];
	vm0 =	vgt.f32 v7, $0.0e+00  }
0x2c7: {  	v6 =	vnsel vm5, $0x1B000, v9;
	v3 =	vld [tilespmem:s23+$0x8050]  }
0x2c8: {  	s24 =	sshra.s32 s25, $0x2;
	s25 =	sadd.s32 $0x200, s25;
	[tilespmem:s23+$0xB600] =	vst v6;
	v7 =	vnsel vm6, $0x1B000, v10;
	v6 =	vld [tilespmem:s23+$0x8060]  }
0x2c9: {  	v8 =	vld [tilespmem:s24+$0x9B70];
	[tilespmem:s23+$0xB610] =	vst v7;
	v5 =	vnsel vm4, $0x1B000, v5  }
0x2ca: {  	v7 =	vld [tilespmem:s24+$0x8070];
	[tilespmem:s23+$0xB620] =	vst v5;
	v4 =	vnsel vm3, $0x1B000, v4  }
0x2cb: {  	v5 =	vld [tilespmem:s24+$0x9B00];
	[tilespmem:s23+$0xB630] =	vst v4;
	v2 =	vnsel vm2, $0x1B000, v2  }
0x2cc: {  	v4 =	vld [tilespmem:s24+$0x9B10];
	[tilespmem:s23+$0xB640] =	vst v2;
	v2 =	vnsel vm1, $0x1B000, v3  }
0x2cd: {  	v3 =	vld [tilespmem:s24+$0x9B20];
	[tilespmem:s23+$0xB650] =	vst v2;
	v2 =	vnsel vm0, $0x1B000, v6  }
0x2ce: {  	v59 =	vld [tilespmem:s24+$0x9B30];
	[tilespmem:s23+$0xB660] =	vst v2  }
0x2cf: {  	v2 =	vld [tilespmem:s24+$0x9B40]  }
0x2d0: {  	v60 =	vld [tilespmem:s24+$0x9B50]  }
0x2d1: {  	v61 =	vld [tilespmem:s24+$0x9B60]  }
0x2d2: {  	v9 =	vld [tilespmem:s24+$0x8000]  }
0x2d3: {  	v10 =	vld [tilespmem:s24+$0x8010]  }
0x2d4: {  	v12 =	vld [tilespmem:s24+$0x8030]  }
0x2d5: {  	vm8 =	vgt.f32 v8, $0.0e+00;
	v11 =	vld [tilespmem:s24+$0x8020]  }
0x2d6: {  	v7 =	vnsel vm8, $0x1B000, v7;
	v62 =	vld [tilespmem:s24+$0x8040];
	vm9 =	vgt.f32 v5, $0.0e+00  }
0x2d7: {  	v13 =	vld [tilespmem:s24+$0x8050];
	[tilespmem:s24+$0xB670] =	vst v7;
	vm10 =	vgt.f32 v4, $0.0e+00;
	v9 =	vnsel vm9, $0x1B000, v9  }
0x2d8: {  	v63 =	vld [tilespmem:s24+$0x8060];
	vm11 =	vgt.f32 v3, $0.0e+00;
	vm12 =	vgt.f32 v59, $0.0e+00;
	v3 =	vnsel vm10, $0x1B000, v10;
	[tilespmem:s24+$0xB600] =	vst v9  }
0x2d9: {  	vm13 =	vgt.f32 v2, $0.0e+00;
	v2 =	vnsel vm12, $0x1B000, v12;
	[tilespmem:s24+$0xB610] =	vst v3  }
0x2da: {  	v3 =	vnsel vm11, $0x1B000, v11;
	[tilespmem:s24+$0xB630] =	vst v2  }
0x2db: {  	vm14 =	vgt.f32 v60, $0.0e+00;
	v2 =	vnsel vm13, $0x1B000, v62;
	[tilespmem:s24+$0xB620] =	vst v3  }
0x2dc: {  	vm15 =	vgt.f32 v61, $0.0e+00;
	[tilespmem:s24+$0xB640] =	vst v2;
	v2 =	vnsel vm14, $0x1B000, v13  }
0x2dd: {  	[tilespmem:s24+$0xB650] =	vst v2;
	v2 =	vnsel vm15, $0x1B000, v63  }
0x2de: {  	s30 =	simm.s32 $0xB600;
	[tilespmem:s24+$0xB660] =	vst v2  }
0x2df: {  	[spmem:s3] =	stream.indirect.scatter.add.f32 [tilespmem:s19], [sflag:$0x1], $0x1, s30, s18, $0xb8;
	[tilespmem:$0x13E88] =	vst v63  }
0x2e0: {  	s31 =	simm.s32 $0xB680  }
0x2e1: {  	[spmem:s3] =	stream.indirect.scatter.add.f32 [tilespmem:s19], [sflag:$0x1], $0x1, s31, s18, $0xb8;
	[tilespmem:$0x13E88] =	vst v63  }
0x2e2: {  	s24 =	simm.s32 $0xB700  }
0x2e3: {  	[spmem:s3] =	stream.indirect.scatter.add.f32 [tilespmem:s19], [sflag:$0x1], $0x1, s24, s18, $0xb8;
	[tilespmem:$0x13E88] =	vst v63  }
0x2e4: {  	s25 =	simm.s32 $0xB780  }
0x2e5: {  	[spmem:s3] =	stream.indirect.scatter.add.f32 [tilespmem:s19], [sflag:$0x1], $0x1, s25, s18, $0xb8;
	[tilespmem:$0x13E88] =	vst v63  }
0x2e6: {  	s26 =	simm.s32 $0xB800  }
0x2e7: {  	[spmem:s3] =	stream.indirect.scatter.add.f32 [tilespmem:s19], [sflag:$0x1], $0x1, s26, s18, $0xb8;
	[tilespmem:$0x13E88] =	vst v63  }
0x2e8: {  	s28 =	simm.s32 $0xB880  }
0x2e9: {  	[spmem:s3] =	stream.indirect.scatter.add.f32 [tilespmem:s19], [sflag:$0x1], $0x1, s28, s18, $0xb8;
	[tilespmem:$0x13E88] =	vst v63  }
0x2ea: {  	s29 =	simm.s32 $0xB900  }
0x2eb: {  	[spmem:s3] =	stream.indirect.scatter.add.f32 [tilespmem:s19], [sflag:$0x1], $0x1, s29, s18, $0xb8;
	[tilespmem:$0x13E88] =	vst v63  }
0x2ec: {  	s30 =	simm.s32 $0xB980  }
0x2ed: {  	[spmem:s3] =	stream.indirect.scatter.add.f32 [tilespmem:s19], [sflag:$0x1], $0x1, s30, s18, $0xb8;
	[tilespmem:$0x13E88] =	vst v63  }
0x2ee: {  	s31 =	simm.s32 $0xBA00  }
0x2ef: {  	[spmem:s3] =	stream.indirect.scatter.add.f32 [tilespmem:s19], [sflag:$0x1], $0x1, s31, s18, $0xb8;
	[tilespmem:$0x13E88] =	vst v63  }
0x2f0: {  	_ =	swait.ge [sflag:s20], $0x80  }
0x2f1: {  	[sflag:s20] =	ssyncset.done $0x0  }
0x2f2: {  	[sflag:s20] =	ssyncadd.s32 $0xFFFFFF80  }
0x2f3: {  	_ =	swait.ge [sflag:s20], $0x80  }
0x2f4: {  	[sflag:s20] =	ssyncset.done $0x0  }
0x2f5: {  	[sflag:s20] =	ssyncadd.s32 $0xFFFFFF80  }
0x2f6: {  	_ =	swait.ge [sflag:s20], $0x80  }
0x2f7: {  	[sflag:s20] =	ssyncset.done $0x0  }
0x2f8: {  	[sflag:s20] =	ssyncadd.s32 $0xFFFFFF80  }
0x2f9: {  	_ =	swait.ge [sflag:s20], $0x80  }
0x2fa: {  	[sflag:s20] =	ssyncset.done $0x0  }
0x2fb: {  	[sflag:s20] =	ssyncadd.s32 $0xFFFFFF80  }
0x2fc: {  	_ =	swait.ge [sflag:s20], $0x80  }
0x2fd: {  	[sflag:s20] =	ssyncset.done $0x0  }
0x2fe: {  	[sflag:s20] =	ssyncadd.s32 $0xFFFFFF80  }
0x2ff: {  	_ =	swait.ge [sflag:s20], $0x80  }
0x300: {  	[sflag:s20] =	ssyncset.done $0x0  }
0x301: {  	[sflag:s20] =	ssyncadd.s32 $0xFFFFFF80  }
0x302: {  	_ =	swait.ge [sflag:s20], $0x80  }
0x303: {  	[sflag:s20] =	ssyncset.done $0x0  }
0x304: {  	[sflag:s20] =	ssyncadd.s32 $0xFFFFFF80  }
0x305: {  	_ =	swait.ge [sflag:s20], $0x80  }
0x306: {  	[sflag:s20] =	ssyncset.done $0x0  }
0x307: {  	[sflag:s20] =	ssyncadd.s32 $0xFFFFFF80  }
0x308: {  	_ =	swait.ge [sflag:s20], $0x80  }
0x309: {  	s25 =	simm.s32 $0x480;
	s26 =	simm.s32 $0x2400;
	[sflag:s20] =	ssyncset.done $0x0  }
.LBB2_18:
0x30a: {  	s28 =	sadd.s32 $0xB600, s25  }
0x30b: {  	[sflag:s20] =	ssyncadd.s32 $0xFFFFFF80;
	s24 =	smov.u32 s26;
	s23 =	sadd.s32 $0x1200, s26  }
0x30c: {  	[spmem:s3] =	stream.indirect.scatter.add.f32 [tilespmem:s19], [sflag:$0x1], $0x1, s28, s18, $0xb8;
	[tilespmem:$0x13E88] =	vst v63  }
0x30d: {  	p0 =	sne.s32 s26, $0x5A00;
	s26 =	sadd.s32 $0xB680, s25  }
0x30e: {  	[spmem:s3] =	stream.indirect.scatter.add.f32 [tilespmem:s19], [sflag:$0x1], $0x1, s26, s18, $0xb8;
	[tilespmem:$0x13E88] =	vst v63  }
0x30f: {  	s26 =	sadd.s32 $0xB700, s25  }
0x310: {  	[spmem:s3] =	stream.indirect.scatter.add.f32 [tilespmem:s19], [sflag:$0x1], $0x1, s26, s18, $0xb8;
	[tilespmem:$0x13E88] =	vst v63  }
0x311: {  	s26 =	sadd.s32 $0xB780, s25  }
0x312: {  	[spmem:s3] =	stream.indirect.scatter.add.f32 [tilespmem:s19], [sflag:$0x1], $0x1, s26, s18, $0xb8;
	[tilespmem:$0x13E88] =	vst v63  }
0x313: {  	s26 =	sadd.s32 $0xB800, s25  }
0x314: {  	[spmem:s3] =	stream.indirect.scatter.add.f32 [tilespmem:s19], [sflag:$0x1], $0x1, s26, s18, $0xb8;
	[tilespmem:$0x13E88] =	vst v63  }
0x315: {  	s26 =	sadd.s32 $0xB880, s25  }
0x316: {  	[spmem:s3] =	stream.indirect.scatter.add.f32 [tilespmem:s19], [sflag:$0x1], $0x1, s26, s18, $0xb8;
	[tilespmem:$0x13E88] =	vst v63  }
0x317: {  	s26 =	sadd.s32 $0xB900, s25  }
0x318: {  	[spmem:s3] =	stream.indirect.scatter.add.f32 [tilespmem:s19], [sflag:$0x1], $0x1, s26, s18, $0xb8;
	[tilespmem:$0x13E88] =	vst v63  }
0x319: {  	s26 =	sadd.s32 $0xB980, s25  }
0x31a: {  	[spmem:s3] =	stream.indirect.scatter.add.f32 [tilespmem:s19], [sflag:$0x1], $0x1, s26, s18, $0xb8;
	[tilespmem:$0x13E88] =	vst v63  }
0x31b: {  	s25 =	sadd.s32 $0xBA00, s25  }
0x31c: {  	[spmem:s3] =	stream.indirect.scatter.add.f32 [tilespmem:s19], [sflag:$0x1], $0x1, s25, s18, $0xb8;
	[tilespmem:$0x13E88] =	vst v63  }
0x31d: {  	_ =	swait.ge [sflag:s20], $0x80  }
0x31e: {  	[sflag:s20] =	ssyncset.done $0x0  }
0x31f: {  	[sflag:s20] =	ssyncadd.s32 $0xFFFFFF80  }
0x320: {  	_ =	swait.ge [sflag:s20], $0x80  }
0x321: {  	[sflag:s20] =	ssyncset.done $0x0  }
0x322: {  	[sflag:s20] =	ssyncadd.s32 $0xFFFFFF80  }
0x323: {  	_ =	swait.ge [sflag:s20], $0x80  }
0x324: {  	[sflag:s20] =	ssyncset.done $0x0  }
0x325: {  	[sflag:s20] =	ssyncadd.s32 $0xFFFFFF80  }
0x326: {  	_ =	swait.ge [sflag:s20], $0x80  }
0x327: {  	[sflag:s20] =	ssyncset.done $0x0  }
0x328: {  	[sflag:s20] =	ssyncadd.s32 $0xFFFFFF80  }
0x329: {  	_ =	swait.ge [sflag:s20], $0x80  }
0x32a: {  	[sflag:s20] =	ssyncset.done $0x0  }
0x32b: {  	[sflag:s20] =	ssyncadd.s32 $0xFFFFFF80  }
0x32c: {  	_ =	swait.ge [sflag:s20], $0x80  }
0x32d: {  	[sflag:s20] =	ssyncset.done $0x0  }
0x32e: {  	[sflag:s20] =	ssyncadd.s32 $0xFFFFFF80  }
0x32f: {  	_ =	swait.ge [sflag:s20], $0x80  }
0x330: {  	[sflag:s20] =	ssyncset.done $0x0  }
0x331: {  	[sflag:s20] =	ssyncadd.s32 $0xFFFFFF80  }
.Ltmp8:
0x332: {  	_ =	swait.ge [sflag:s20], $0x80;
	(pc) =	sbr.rel @p0 .LBB2_18-.Ltmp8, $4  }
0x333: {  	[sflag:s20] =	ssyncset.done $0x0  }
0x334: {  	[sflag:s20] =	ssyncadd.s32 $0xFFFFFF80  }
0x335: {  	_ =	swait.ge [sflag:s20], $0x80  }
0x336: {  	s26 =	smov.u32 s23;
	s25 =	sshra.s32 s24, $0x2;
	[sflag:s20] =	ssyncset.done $0x0  }
0x337: {  	s23 =	sadd.s32 $0xB600, s25;
	[sflag:s20] =	ssyncadd.s32 $0xFFFFFF80  }
0x338: {  	[spmem:s3] =	stream.indirect.scatter.add.f32 [tilespmem:s19], [sflag:$0x1], $0x1, s23, s18, $0xb8;
	[tilespmem:$0x13E88] =	vst v63  }
0x339: {  	s29 =	sadd.s32 $0xB680, s25  }
0x33a: {  	[spmem:s3] =	stream.indirect.scatter.add.f32 [tilespmem:s19], [sflag:$0x1], $0x1, s29, s18, $0xb8;
	[tilespmem:$0x13E88] =	vst v63  }
0x33b: {  	s30 =	sadd.s32 $0xB700, s25  }
0x33c: {  	[spmem:s3] =	stream.indirect.scatter.add.f32 [tilespmem:s19], [sflag:$0x1], $0x1, s30, s18, $0xb8;
	[tilespmem:$0x13E88] =	vst v63  }
0x33d: {  	s31 =	sadd.s32 $0xB780, s25  }
0x33e: {  	[spmem:s3] =	stream.indirect.scatter.add.f32 [tilespmem:s19], [sflag:$0x1], $0x1, s31, s18, $0xb8;
	[tilespmem:$0x13E88] =	vst v63  }
0x33f: {  	s24 =	sadd.s32 $0xB800, s25  }
0x340: {  	[spmem:s3] =	stream.indirect.scatter.add.f32 [tilespmem:s19], [sflag:$0x1], $0x1, s24, s18, $0xb8;
	[tilespmem:$0x13E88] =	vst v63  }
0x341: {  	s26 =	sadd.s32 $0xB880, s25  }
0x342: {  	[spmem:s3] =	stream.indirect.scatter.add.f32 [tilespmem:s19], [sflag:$0x1], $0x1, s26, s18, $0xb8;
	[tilespmem:$0x13E88] =	vst v63  }
0x343: {  	s28 =	sadd.s32 $0xB900, s25  }
0x344: {  	[spmem:s3] =	stream.indirect.scatter.add.f32 [tilespmem:s19], [sflag:$0x1], $0x1, s28, s18, $0xb8;
	[tilespmem:$0x13E88] =	vst v63  }
0x345: {  	s29 =	sadd.s32 $0xB980, s25  }
0x346: {  	[spmem:s3] =	stream.indirect.scatter.add.f32 [tilespmem:s19], [sflag:$0x1], $0x1, s29, s18, $0xb8;
	[tilespmem:$0x13E88] =	vst v63  }
0x347: {  	s30 =	sadd.s32 $0xBA00, s25  }
0x348: {  	[spmem:s3] =	stream.indirect.scatter.add.f32 [tilespmem:s19], [sflag:$0x1], $0x1, s30, s18, $0xb8;
	[tilespmem:$0x13E88] =	vst v63  }
0x349: {  	_ =	swait.ge [sflag:s20], $0x80  }
0x34a: {  	[sflag:s20] =	ssyncset.done $0x0  }
0x34b: {  	[sflag:s20] =	ssyncadd.s32 $0xFFFFFF80  }
0x34c: {  	_ =	swait.ge [sflag:s20], $0x80  }
0x34d: {  	[sflag:s20] =	ssyncset.done $0x0  }
0x34e: {  	[sflag:s20] =	ssyncadd.s32 $0xFFFFFF80  }
0x34f: {  	_ =	swait.ge [sflag:s20], $0x80  }
0x350: {  	[sflag:s20] =	ssyncset.done $0x0  }
0x351: {  	[sflag:s20] =	ssyncadd.s32 $0xFFFFFF80  }
0x352: {  	_ =	swait.ge [sflag:s20], $0x80  }
0x353: {  	[sflag:s20] =	ssyncset.done $0x0  }
0x354: {  	[sflag:s20] =	ssyncadd.s32 $0xFFFFFF80  }
0x355: {  	_ =	swait.ge [sflag:s20], $0x80  }
0x356: {  	[sflag:s20] =	ssyncset.done $0x0  }
0x357: {  	[sflag:s20] =	ssyncadd.s32 $0xFFFFFF80  }
0x358: {  	_ =	swait.ge [sflag:s20], $0x80  }
0x359: {  	[sflag:s20] =	ssyncset.done $0x0  }
0x35a: {  	[sflag:s20] =	ssyncadd.s32 $0xFFFFFF80  }
0x35b: {  	_ =	swait.ge [sflag:s20], $0x80  }
0x35c: {  	[sflag:s20] =	ssyncset.done $0x0  }
0x35d: {  	[sflag:s20] =	ssyncadd.s32 $0xFFFFFF80  }
0x35e: {  	_ =	swait.ge [sflag:s20], $0x80  }
0x35f: {  	[sflag:s20] =	ssyncset.done $0x0  }
0x360: {  	[sflag:s20] =	ssyncadd.s32 $0xFFFFFF80  }
0x361: {  	_ =	swait.ge [sflag:s20], $0x80  }
0x362: {  	s4 =	sadd.s32 $0x1, s4;
	s31 =	sshll.u32 s0, $0x6;
	[sflag:s20] =	ssyncset.done $0x0  }
0x363: {  	p0 =	sne.s32 s4, s15;
	s23 =	sor.u32 $0x1C02, s31;
	[sflag:s20] =	ssyncadd.s32 $0xFFFFFF80  }
.Ltmp9:
0x364: {  	s24 =	sshrl.u32 s7, $0x3;
	[bflag:$0x0] =	sbarrier.arrive $0xFFFF;
	(pc) =	sbr.rel @p0 .LBB2_1-.Ltmp9, $4  }
0x365: {  	[hbm:s14], [sflag:s23] =	dma.local [spmem:s24], $0x360  }
0x366: {  	_ =	swait.ge [sflag:s17], $0x360  }
0x367: {  	[sflag:s17] =	ssyncset.done $0x0  }
0x368: {  	[sflag:s17] =	ssyncadd.s32 $0xFFFFFCA0  }
0x369: {  	_ =	sfence.sel $0x180000  }
0x36a: {  	[bflag:$0x0] =	sbarrier.arrive $0xFFFF  }
0x36b: {  	p0 =	sne.s32 s0, $0x0;
	_ =	strace $0x90000047  }
0x36c: {  	s0 =	sadd.s32 @!p0 $0x100000, s1;
	[bflag:$0x2] =	sbarrier.arrive $0xFFFF  }
0x36d: {  	[sflag:s0] =	ssyncadd.tile.s32 @!p0 $0x1;
	_ =	shalt  }
.Lfunc_end2:
_tile_overlayer_lowered:
.L_overlay_start_2:
0x36e: {  	(tag) =	ssettag $0x2  }
0x36f: {  	s0 =	rddreg [dreg:$0x0];
	s2 =	stileid.u32  }
0x370: {  	s1 =	rddreg [dreg:$0x1];
	p0 =	sne.s32 s2, $0x0  }
0x371: {  	s3 =	rddreg [dreg:$0x2];
	[bflag:$0x3] =	sbarrier.arrive $0xFFFF;
	s2 =	simm.s32 @!p0 $0x1C02  }
0x372: {  	[timem:s3], [sflag:s2] =	dma.local @!p0 [hbm:s0], s1  }
0x373: {  	s0 =	simm.s32 @!p0 $0x2  }
0x374: {  	_ =	swait.ge @!p0 [sflag:s0], s1  }
0x375: {  	s1 =	ssub.s32 @!p0 $0x0, s1;
	[sflag:s0] =	ssyncset.done @!p0 $0x0  }
0x376: {  	[sflag:s0] =	ssyncadd.s32 @!p0 s1  }
0x377: {  	[bflag:$0x3] =	sbarrier.arrive $0xFFFF  }
0x378: {  	_ =	shalt  }

</sc_bundles>
